<compile_context>
chip_gen: v7x
topology: tpu7x:2x2x1
jax: 0.10.2.dev20260603
libtpu: 0.0.44.dev20260713+nightly
codegen_flags: <defaults>
</compile_context>

<pallas_src>
import functools

import jax
import jax.numpy as jnp
from jax import lax
from jax.experimental import pallas as pl
from jax.experimental.pallas import tpu as pltpu
from jax.experimental.pallas import tpu_sc as plsc

D_MODEL = 768
N_EXPERTS = 64
TOP_K = 2
D_FF = 4 * D_MODEL
T_TOKENS = 2048
N_ASSIGN = T_TOKENS * TOP_K

BT = 128
NBLK = N_ASSIGN // BT + N_EXPERTS - 1
NP = NBLK * BT
NBLK_PAD = 128


def _route_body(x_ref, wg_ref, bgb_ref,
                pos1_ref, pos2_ref, blke_ref, w1b_ref, w2b_ref):
    x = x_ref[...]
    logits = x @ wg_ref[...] + bgb_ref[...]
    s = jax.nn.sigmoid(logits)
    lane = jax.lax.broadcasted_iota(jnp.int32, s.shape, 1)
    big = jnp.int32(N_EXPERTS)
    m1 = jnp.max(s, axis=1, keepdims=True)
    i1 = jnp.min(jnp.where(s == m1, lane, big), axis=1, keepdims=True)
    s2 = jnp.where(lane == i1, -jnp.inf, s)
    m2 = jnp.max(s2, axis=1, keepdims=True)
    i2 = jnp.min(jnp.where(s2 == m2, lane, big), axis=1, keepdims=True)
    ones16 = jnp.ones((1, 16), jnp.float32)
    w1b_ref[...] = jax.nn.sigmoid(m1 - m2) * ones16
    w2b_ref[...] = jax.nn.sigmoid(m2 - m1) * ones16

    oh1 = (lane == i1).astype(jnp.float32)
    oh2 = (lane == i2).astype(jnp.float32)
    ohsum = oh1 + oh2
    pch = 256
    nch = T_TOKENS // pch
    r_io = jax.lax.broadcasted_iota(jnp.int32, (pch, pch), 0)
    c_io = jax.lax.broadcasted_iota(jnp.int32, (pch, pch), 1)
    ltri = (r_io > c_io).astype(jnp.float32)
    oh3 = ohsum.reshape(nch, pch, N_EXPERTS)
    local = jax.lax.dot_general(ltri, oh3, (((1,), (1,)), ((), ())))
    local = local.transpose(1, 0, 2)
    chtot = jnp.sum(oh3, axis=1)
    n_r = jax.lax.broadcasted_iota(jnp.int32, (nch, nch), 0)
    n_c = jax.lax.broadcasted_iota(jnp.int32, (nch, nch), 1)
    ltri_n = (n_r > n_c).astype(jnp.float32)
    choff = jax.lax.dot(ltri_n, chtot)
    excl = (local + choff[:, None, :]).reshape(T_TOKENS, N_EXPERTS)
    rank1 = jnp.sum(oh1 * excl, axis=1, keepdims=True)
    rank2 = jnp.sum(oh2 * (excl + oh1), axis=1, keepdims=True)

    cnt = jnp.sum(ohsum, axis=0, keepdims=True)
    nb_e = jnp.floor((cnt + (BT - 1)) * (1.0 / BT))
    e_r = jax.lax.broadcasted_iota(jnp.int32, (N_EXPERTS, N_EXPERTS), 0)
    e_c = jax.lax.broadcasted_iota(jnp.int32, (N_EXPERTS, N_EXPERTS), 1)
    utri = (e_r <= e_c).astype(jnp.float32)
    nb_csum = jax.lax.dot(nb_e, utri)
    pstart = (nb_csum - nb_e) * float(BT)

    pos1 = jnp.sum(oh1 * pstart, axis=1, keepdims=True) + rank1
    pos2 = jnp.sum(oh2 * pstart, axis=1, keepdims=True) + rank2
    pos1_ref[...] = pos1.astype(jnp.int32)
    pos2_ref[...] = pos2.astype(jnp.int32)

    j_io = jax.lax.broadcasted_iota(
        jnp.int32, (NBLK_PAD, N_EXPERTS), 0).astype(jnp.float32)
    ge = (j_io >= nb_csum).astype(jnp.float32)
    blke = jnp.minimum(jnp.sum(ge, axis=1, keepdims=True),
                       float(N_EXPERTS - 1))
    blke_ref[...] = blke.astype(jnp.int32)


def _shared_body(x_ref, ws1_ref, bs1_ref, ws2_ref, bs2_ref, base_ref):
    x = x_ref[...]
    h = x @ ws1_ref[...] + bs1_ref[...]
    h = h * jax.nn.sigmoid(h)
    base_ref[...] = x + h @ ws2_ref[...] + bs2_ref[...]


def _expert_ffn_body(blk_e_ref, xs_ref, we1_ref, be1_ref, we2_ref, be2_ref,
                     y_ref):
    xg = xs_ref[...]
    h = xg @ we1_ref[0] + be1_ref[0]
    h = h * jax.nn.sigmoid(h)
    y_ref[...] = h @ we2_ref[0] + be2_ref[0]


_NCORES = 2
_NSUB = 16
_NWORK = _NCORES * _NSUB
TPW = T_TOKENS // _NWORK


def _dispatch_sc(xf_hbm, pos1_hbm, pos2_hbm, xs_hbm, idx1_v, idx2_v, xbuf,
                 sem):
    wid = lax.axis_index("s") * _NCORES + lax.axis_index("c")
    start = wid * TPW
    pltpu.sync_copy(pos1_hbm.at[pl.ds(start, TPW)], idx1_v)
    pltpu.sync_copy(pos2_hbm.at[pl.ds(start, TPW)], idx2_v)
    pltpu.sync_copy(xf_hbm.at[pl.ds(start, TPW)], xbuf)
    pltpu.async_copy(xbuf, xs_hbm.at[idx1_v], sem).wait()
    pltpu.async_copy(xbuf, xs_hbm.at[idx2_v], sem).wait()


NCC = 4
CC = TPW // NCC


def _combine_sc(base_hbm, y_hbm, pos1_hbm, pos2_hbm, w1b_hbm, w2b_hbm,
                out_hbm,
                idx1_a, idx2_a, w1_a, w2_a, y1_a, y2_a, ob_a,
                idx1_b, idx2_b, w1_b, w2_b, y1_b, y2_b, ob_b,
                sem, sem_o):
    wid = lax.axis_index("s") * _NCORES + lax.axis_index("c")
    start = wid * TPW
    slots = [(idx1_a, idx2_a, w1_a, w2_a, y1_a, y2_a, ob_a),
             (idx1_b, idx2_b, w1_b, w2_b, y1_b, y2_b, ob_b)]

    def fire(c, slot):
        i1v, i2v, w1v, w2v, y1b, y2b, obb = slot
        cs = start + c * CC
        pltpu.sync_copy(pos1_hbm.at[pl.ds(cs, CC)], i1v)
        pltpu.sync_copy(pos2_hbm.at[pl.ds(cs, CC)], i2v)
        pltpu.sync_copy(w1b_hbm.at[pl.ds(cs, CC)], w1v)
        pltpu.sync_copy(w2b_hbm.at[pl.ds(cs, CC)], w2v)
        return (pltpu.async_copy(y_hbm.at[i1v], y1b, sem),
                pltpu.async_copy(y_hbm.at[i2v], y2b, sem),
                pltpu.async_copy(base_hbm.at[pl.ds(cs, CC)], obb, sem))

    pend = fire(0, slots[0])
    out_pend = [None, None]
    for c in range(NCC):
        slot = slots[c % 2]
        nxt = None
        if c + 1 < NCC:
            nslot = (c + 1) % 2
            if out_pend[nslot] is not None:
                out_pend[nslot].wait()
                out_pend[nslot] = None
            nxt = fire(c + 1, slots[nslot])
        for dsc in pend:
            dsc.wait()
        i1v, i2v, w1v, w2v, y1b, y2b, obb = slot

        def per_token(i, _):
            w1s = w1v[i, pl.ds(0, 16)]
            w2s = w2v[i, pl.ds(0, 16)]

            def per_vec(j, _):
                sl = (i, pl.ds(j * 16, 16))
                obb[sl] = obb[sl] + w1s * y1b[sl] + w2s * y2b[sl]
                return 0

            return lax.fori_loop(0, D_MODEL // 16, per_vec, 0, unroll=8)

        lax.fori_loop(0, CC, per_token, 0)
        out_pend[c % 2] = pltpu.async_copy(
            obb, out_hbm.at[pl.ds(start + c * CC, CC)], sem_o)
        pend = nxt
    for op in out_pend:
        if op is not None:
            op.wait()


def _run_dispatch(xf, pos1, pos2):
    mesh = plsc.VectorSubcoreMesh(core_axis_name="c", subcore_axis_name="s")
    k = functools.partial(
        pl.kernel,
        out_type=jax.ShapeDtypeStruct((NP, D_MODEL), jnp.float32),
        mesh=mesh,
        scratch_types=[
            pltpu.VMEM((TPW,), jnp.int32),
            pltpu.VMEM((TPW,), jnp.int32),
            pltpu.VMEM((TPW, D_MODEL), jnp.float32),
            pltpu.SemaphoreType.DMA,
        ],
    )(_dispatch_sc)
    return k(xf, pos1, pos2)


def _run_combine(base, y, pos1, pos2, w1b, w2b):
    mesh = plsc.VectorSubcoreMesh(core_axis_name="c", subcore_axis_name="s")
    k = functools.partial(
        pl.kernel,
        out_type=jax.ShapeDtypeStruct((T_TOKENS, D_MODEL), jnp.float32),
        mesh=mesh,
        scratch_types=[
            pltpu.VMEM((CC,), jnp.int32),
            pltpu.VMEM((CC,), jnp.int32),
            pltpu.VMEM((CC, 16), jnp.float32),
            pltpu.VMEM((CC, 16), jnp.float32),
            pltpu.VMEM((CC, D_MODEL), jnp.float32),
            pltpu.VMEM((CC, D_MODEL), jnp.float32),
            pltpu.VMEM((CC, D_MODEL), jnp.float32),
            pltpu.VMEM((CC,), jnp.int32),
            pltpu.VMEM((CC,), jnp.int32),
            pltpu.VMEM((CC, 16), jnp.float32),
            pltpu.VMEM((CC, 16), jnp.float32),
            pltpu.VMEM((CC, D_MODEL), jnp.float32),
            pltpu.VMEM((CC, D_MODEL), jnp.float32),
            pltpu.VMEM((CC, D_MODEL), jnp.float32),
            pltpu.SemaphoreType.DMA,
            pltpu.SemaphoreType.DMA,
        ],
    )(_combine_sc)
    return k(base, y, pos1, pos2, w1b, w2b)


def kernel(x, Ws1, bs1, Ws2, bs2, We1, be1, We2, be2, Wg, bg, bias):
    B, T, d = x.shape
    xf = x.reshape(T, d)

    pos1, pos2, blke, w1b, w2b = pl.pallas_call(
        _route_body,
        out_shape=[
            jax.ShapeDtypeStruct((T, 1), jnp.int32),
            jax.ShapeDtypeStruct((T, 1), jnp.int32),
            jax.ShapeDtypeStruct((NBLK_PAD, 1), jnp.int32),
            jax.ShapeDtypeStruct((T, 16), jnp.float32),
            jax.ShapeDtypeStruct((T, 16), jnp.float32),
        ],
        compiler_params=pltpu.CompilerParams(
            vmem_limit_bytes=100 * 1024 * 1024),
    )(xf, Wg, (bg + bias).reshape(1, N_EXPERTS))
    p0 = pos1[:, 0]
    p1 = pos2[:, 0]
    blk_e = blke[:NBLK, 0]

    xs = _run_dispatch(xf, p0, p1)

    tb = 512
    base = pl.pallas_call(
        _shared_body,
        grid=(T // tb,),
        in_specs=[
            pl.BlockSpec((tb, d), lambda b: (b, 0)),
            pl.BlockSpec((d, D_FF), lambda b: (0, 0)),
            pl.BlockSpec((1, D_FF), lambda b: (0, 0)),
            pl.BlockSpec((D_FF, d), lambda b: (0, 0)),
            pl.BlockSpec((1, d), lambda b: (0, 0)),
        ],
        out_specs=pl.BlockSpec((tb, d), lambda b: (b, 0)),
        out_shape=jax.ShapeDtypeStruct((T, d), jnp.float32),
    )(xf, Ws1, bs1.reshape(1, D_FF), Ws2, bs2.reshape(1, d))

    grid_spec = pltpu.PrefetchScalarGridSpec(
        num_scalar_prefetch=1,
        grid=(NBLK,),
        in_specs=[
            pl.BlockSpec((BT, d), lambda b, s: (b, 0)),
            pl.BlockSpec((1, d, D_FF), lambda b, s: (s[b], 0, 0)),
            pl.BlockSpec((1, 1, D_FF), lambda b, s: (s[b], 0, 0)),
            pl.BlockSpec((1, D_FF, d), lambda b, s: (s[b], 0, 0)),
            pl.BlockSpec((1, 1, d), lambda b, s: (s[b], 0, 0)),
        ],
        out_specs=pl.BlockSpec((BT, d), lambda b, s: (b, 0)),
    )
    y = pl.pallas_call(
        _expert_ffn_body,
        grid_spec=grid_spec,
        out_shape=jax.ShapeDtypeStruct((NP, d), jnp.float32),
        compiler_params=pltpu.CompilerParams(
            vmem_limit_bytes=110 * 1024 * 1024),
    )(blk_e, xs, We1, be1.reshape(N_EXPERTS, 1, D_FF), We2,
      be2.reshape(N_EXPERTS, 1, d))

    out = _run_combine(base, y, p0, p1, w1b, w2b)
    return out.reshape(B, T, d)

# --- scband reference (transcript-rebuilt; emitter-appended) ---
"""Pipeline reference for scband-wordnest-mo-e-16226386444623 (READ-ONLY COPY).

The authoritative reference and input builder live on the scoring server;
editing this copy changes nothing except your own understanding.
"""

import jax, jax.numpy as jnp
import numpy as np

D_MODEL = 768
N_EXPERTS = 64
TOP_K = 2
D_FF = 4 * D_MODEL


def setup_inputs(seed: int = 0) -> dict:
    key = jax.random.key(seed)
    ks = jax.random.split(key, 8)
    s = 0.02
    return {
        "x": jax.random.normal(ks[0], (1, 2048, D_MODEL), dtype=jnp.float32),
        "Ws1": jax.random.normal(ks[1], (D_MODEL, D_FF), dtype=jnp.float32) * s,
        "bs1": jnp.zeros((D_FF,), dtype=jnp.float32),
        "Ws2": jax.random.normal(ks[2], (D_FF, D_MODEL), dtype=jnp.float32) * s,
        "bs2": jnp.zeros((D_MODEL,), dtype=jnp.float32),
        "We1": jax.random.normal(ks[3], (N_EXPERTS, D_MODEL, D_FF), dtype=jnp.float32) * s,
        "be1": jnp.zeros((N_EXPERTS, D_FF), dtype=jnp.float32),
        "We2": jax.random.normal(ks[4], (N_EXPERTS, D_FF, D_MODEL), dtype=jnp.float32) * s,
        "be2": jnp.zeros((N_EXPERTS, D_MODEL), dtype=jnp.float32),
        "Wg": jax.random.normal(ks[5], (D_MODEL, N_EXPERTS), dtype=jnp.float32) * s,
        "bg": jnp.zeros((N_EXPERTS,), dtype=jnp.float32),
        "bias": jnp.zeros((N_EXPERTS,), dtype=jnp.float32),
    }


def reference(x, Ws1, bs1, Ws2, bs2, We1, be1, We2, be2, Wg, bg, bias):
    B, T, d = x.shape
    E = Wg.shape[1]
    # shared expert applied to all tokens
    shared = jax.nn.silu(x @ Ws1 + bs1) @ Ws2 + bs2
    # gating
    logits = x @ Wg + bg + bias
    scores = jax.nn.sigmoid(logits)
    topk_scores, topk_idx = jax.lax.top_k(scores, TOP_K)
    topk_scores = jax.nn.softmax(topk_scores, axis=-1)
    xf = x.reshape(B * T, d)
    w_flat = topk_scores.reshape(B * T, TOP_K)
    idx_flat = topk_idx.reshape(B * T, TOP_K)
    expert_out = jnp.zeros((B * T, d), dtype=x.dtype)
    for i in range(E):
        res = jax.nn.silu(xf @ We1[i] + be1[i]) @ We2[i] + be2[i]
        esc = jnp.sum(jnp.where(idx_flat == i, w_flat, 0.0), axis=-1)
        expert_out = expert_out + res * esc[:, None]
    return x + shared + expert_out.reshape(B, T, d)

if __name__ == "__main__":
    import jax
    _d = setup_inputs()
    print(jax.jit(kernel)(*tuple(_d.values())))

</pallas_src>

<mosaic_0001>
#map = affine_map<(d0, d1) -> (0, 0)>
#map1 = affine_map<(d0, d1) -> (0)>
module attributes {stable_mosaic.version = 14 : i64} {
  func.func @_dispatch_sc(%arg0: i32, %arg1: i32, %arg2: memref<2048x768xf32, #tpu.memory_space<hbm>>, %arg3: memref<2048xi32, #tpu.memory_space<hbm>>, %arg4: memref<2048xi32, #tpu.memory_space<hbm>>, %arg5: memref<12160x768xf32, #tpu.memory_space<hbm>>, %arg6: memref<64xi32, #tpu.memory_space<vmem>>, %arg7: memref<64xi32, #tpu.memory_space<vmem>>, %arg8: memref<64x768xf32, #tpu.memory_space<vmem>>, %arg9: memref<!tpu.dma_semaphore, #tpu.memory_space<semaphore_mem>>) attributes {dimension_semantics = [#tpu.dimension_semantics<core_parallel>, #tpu.dimension_semantics<subcore_parallel>], iteration_bounds = array<i64: 2, 16>, scalar_prefetch = 0 : i64, scratch_operands = 4 : i64, tpu.core_type = #tpu.core_type<sc_vector_subcore>, window_params = [{transform_indices = #map}, {transform_indices = #map1}, {transform_indices = #map1}, {transform_indices = #map}]} {
    %mul3A = arith.constant 2 : i32
    %mul3A_0 = arith.muli %arg1, %mul3A : i32
    %add3A = arith.addi %mul3A_0, %arg0 : i32
    %mul3A_1 = arith.constant 64 : i32
    %mul3A_2 = arith.muli %add3A, %mul3A_1 : i32
    "tpu.region"() ({
      %run_scoped3A = tpu.sem_alloc : memref<!tpu.dma_semaphore, #tpu.memory_space<semaphore_mem>>
      %dma_start3A_13 = tpu.memref_slice %arg3[%mul3A_2] : memref<2048xi32, #tpu.memory_space<hbm>> -> memref<64xi32, #tpu.memory_space<hbm>>
      %dma_start3A_14 = tpu.memref_slice %arg3[%mul3A_2] : memref<2048xi32, #tpu.memory_space<hbm>> -> memref<64xi32, #tpu.memory_space<hbm>>
      tpu.enqueue_dma source(%dma_start3A_14 : memref<64xi32, #tpu.memory_space<hbm>>) target(%arg6 : memref<64xi32, #tpu.memory_space<vmem>>) target_semaphore(%run_scoped3A : memref<!tpu.dma_semaphore, #tpu.memory_space<semaphore_mem>>)
      %dma_wait3A_15 = tpu.memref_slice %arg3[%mul3A_2] : memref<2048xi32, #tpu.memory_space<hbm>> -> memref<64xi32, #tpu.memory_space<hbm>>
      %dma_wait3A_16 = tpu.memref_slice %arg3[%mul3A_2] : memref<2048xi32, #tpu.memory_space<hbm>> -> memref<64xi32, #tpu.memory_space<hbm>>
      tpu.wait_dma2 semaphore(%run_scoped3A : memref<!tpu.dma_semaphore, #tpu.memory_space<semaphore_mem>>) src(%dma_wait3A_16 : memref<64xi32, #tpu.memory_space<hbm>>) dst(%arg6 : memref<64xi32, #tpu.memory_space<vmem>>)
      tpu.yield
    }) : () -> ()
    "tpu.region"() ({
      %run_scoped3A = tpu.sem_alloc : memref<!tpu.dma_semaphore, #tpu.memory_space<semaphore_mem>>
      %dma_start3A_13 = tpu.memref_slice %arg4[%mul3A_2] : memref<2048xi32, #tpu.memory_space<hbm>> -> memref<64xi32, #tpu.memory_space<hbm>>
      %dma_start3A_14 = tpu.memref_slice %arg4[%mul3A_2] : memref<2048xi32, #tpu.memory_space<hbm>> -> memref<64xi32, #tpu.memory_space<hbm>>
      tpu.enqueue_dma source(%dma_start3A_14 : memref<64xi32, #tpu.memory_space<hbm>>) target(%arg7 : memref<64xi32, #tpu.memory_space<vmem>>) target_semaphore(%run_scoped3A : memref<!tpu.dma_semaphore, #tpu.memory_space<semaphore_mem>>)
      %dma_wait3A_15 = tpu.memref_slice %arg4[%mul3A_2] : memref<2048xi32, #tpu.memory_space<hbm>> -> memref<64xi32, #tpu.memory_space<hbm>>
      %dma_wait3A_16 = tpu.memref_slice %arg4[%mul3A_2] : memref<2048xi32, #tpu.memory_space<hbm>> -> memref<64xi32, #tpu.memory_space<hbm>>
      tpu.wait_dma2 semaphore(%run_scoped3A : memref<!tpu.dma_semaphore, #tpu.memory_space<semaphore_mem>>) src(%dma_wait3A_16 : memref<64xi32, #tpu.memory_space<hbm>>) dst(%arg7 : memref<64xi32, #tpu.memory_space<vmem>>)
      tpu.yield
    }) : () -> ()
    "tpu.region"() ({
      %run_scoped3A = tpu.sem_alloc : memref<!tpu.dma_semaphore, #tpu.memory_space<semaphore_mem>>
      %dma_start3A_13 = arith.constant 0 : i32
      %dma_start3A_14 = tpu.memref_slice %arg2[%mul3A_2, %dma_start3A_13] : memref<2048x768xf32, #tpu.memory_space<hbm>> -> memref<64x768xf32, #tpu.memory_space<hbm>>
      %dma_start3A_15 = arith.constant 0 : i32
      %dma_start3A_16 = tpu.memref_slice %arg2[%mul3A_2, %dma_start3A_15] : memref<2048x768xf32, #tpu.memory_space<hbm>> -> memref<64x768xf32, #tpu.memory_space<hbm>>
      tpu.enqueue_dma source(%dma_start3A_16 : memref<64x768xf32, #tpu.memory_space<hbm>>) target(%arg8 : memref<64x768xf32, #tpu.memory_space<vmem>>) target_semaphore(%run_scoped3A : memref<!tpu.dma_semaphore, #tpu.memory_space<semaphore_mem>>)
      %dma_wait3A_17 = arith.constant 0 : i32
      %dma_wait3A_18 = tpu.memref_slice %arg2[%mul3A_2, %dma_wait3A_17] : memref<2048x768xf32, #tpu.memory_space<hbm>> -> memref<64x768xf32, #tpu.memory_space<hbm>>
      %dma_wait3A_19 = arith.constant 0 : i32
      %dma_wait3A_20 = tpu.memref_slice %arg2[%mul3A_2, %dma_wait3A_19] : memref<2048x768xf32, #tpu.memory_space<hbm>> -> memref<64x768xf32, #tpu.memory_space<hbm>>
      tpu.wait_dma2 semaphore(%run_scoped3A : memref<!tpu.dma_semaphore, #tpu.memory_space<semaphore_mem>>) src(%dma_wait3A_20 : memref<64x768xf32, #tpu.memory_space<hbm>>) dst(%arg8 : memref<64x768xf32, #tpu.memory_space<vmem>>)
      tpu.yield
    }) : () -> ()
    %dma_start3A = arith.constant 0 : i32
    %dma_start3A_3 = arith.constant 0 : i32
    %dma_start3A_4 = tpu.memref_slice %arg5[%dma_start3A, %dma_start3A_3] : memref<12160x768xf32, #tpu.memory_space<hbm>> -> memref<12160x768xf32, #tpu.memory_space<hbm>>
    tpu.enqueue_indirect_dma source(%arg8 : memref<64x768xf32, #tpu.memory_space<vmem>>) target(%dma_start3A_4 : memref<12160x768xf32, #tpu.memory_space<hbm>>) offsets(%arg6 : memref<64xi32, #tpu.memory_space<vmem>>) semaphore(%arg9 : memref<!tpu.dma_semaphore, #tpu.memory_space<semaphore_mem>>)
    %dma_wait3A = arith.constant 0 : i32
    %dma_wait3A_5 = arith.constant 0 : i32
    %dma_wait3A_6 = tpu.memref_slice %arg5[%dma_wait3A, %dma_wait3A_5] : memref<12160x768xf32, #tpu.memory_space<hbm>> -> memref<12160x768xf32, #tpu.memory_space<hbm>>
    tpu.wait_indirect_dma semaphore(%arg9 : memref<!tpu.dma_semaphore, #tpu.memory_space<semaphore_mem>>) src(%arg8 : memref<64x768xf32, #tpu.memory_space<vmem>>) dst(%dma_wait3A_6 : memref<12160x768xf32, #tpu.memory_space<hbm>>)
    %dma_start3A_7 = arith.constant 0 : i32
    %dma_start3A_8 = arith.constant 0 : i32
    %dma_start3A_9 = tpu.memref_slice %arg5[%dma_start3A_7, %dma_start3A_8] : memref<12160x768xf32, #tpu.memory_space<hbm>> -> memref<12160x768xf32, #tpu.memory_space<hbm>>
    tpu.enqueue_indirect_dma source(%arg8 : memref<64x768xf32, #tpu.memory_space<vmem>>) target(%dma_start3A_9 : memref<12160x768xf32, #tpu.memory_space<hbm>>) offsets(%arg7 : memref<64xi32, #tpu.memory_space<vmem>>) semaphore(%arg9 : memref<!tpu.dma_semaphore, #tpu.memory_space<semaphore_mem>>)
    %dma_wait3A_10 = arith.constant 0 : i32
    %dma_wait3A_11 = arith.constant 0 : i32
    %dma_wait3A_12 = tpu.memref_slice %arg5[%dma_wait3A_10, %dma_wait3A_11] : memref<12160x768xf32, #tpu.memory_space<hbm>> -> memref<12160x768xf32, #tpu.memory_space<hbm>>
    tpu.wait_indirect_dma semaphore(%arg9 : memref<!tpu.dma_semaphore, #tpu.memory_space<semaphore_mem>>) src(%arg8 : memref<64x768xf32, #tpu.memory_space<vmem>>) dst(%dma_wait3A_12 : memref<12160x768xf32, #tpu.memory_space<hbm>>)
    return
  }
}

#map = affine_map<(d0, d1) -> (0, 0)>
#map1 = affine_map<(d0, d1) -> (0)>
module attributes {stable_mosaic.version = 14 : i64} {
  func.func @_combine_sc(%arg0: i32, %arg1: i32, %arg2: memref<2048x768xf32, #tpu.memory_space<hbm>>, %arg3: memref<12160x768xf32, #tpu.memory_space<hbm>>, %arg4: memref<2048xi32, #tpu.memory_space<hbm>>, %arg5: memref<2048xi32, #tpu.memory_space<hbm>>, %arg6: memref<2048x16xf32, #tpu.memory_space<hbm>>, %arg7: memref<2048x16xf32, #tpu.memory_space<hbm>>, %arg8: memref<2048x768xf32, #tpu.memory_space<hbm>>, %arg9: memref<16xi32, #tpu.memory_space<vmem>>, %arg10: memref<16xi32, #tpu.memory_space<vmem>>, %arg11: memref<16x16xf32, #tpu.memory_space<vmem>>, %arg12: memref<16x16xf32, #tpu.memory_space<vmem>>, %arg13: memref<16x768xf32, #tpu.memory_space<vmem>>, %arg14: memref<16x768xf32, #tpu.memory_space<vmem>>, %arg15: memref<16x768xf32, #tpu.memory_space<vmem>>, %arg16: memref<16xi32, #tpu.memory_space<vmem>>, %arg17: memref<16xi32, #tpu.memory_space<vmem>>, %arg18: memref<16x16xf32, #tpu.memory_space<vmem>>, %arg19: memref<16x16xf32, #tpu.memory_space<vmem>>, %arg20: memref<16x768xf32, #tpu.memory_space<vmem>>, %arg21: memref<16x768xf32, #tpu.memory_space<vmem>>, %arg22: memref<16x768xf32, #tpu.memory_space<vmem>>, %arg23: memref<!tpu.dma_semaphore, #tpu.memory_space<semaphore_mem>>, %arg24: memref<!tpu.dma_semaphore, #tpu.memory_space<semaphore_mem>>) attributes {dimension_semantics = [#tpu.dimension_semantics<core_parallel>, #tpu.dimension_semantics<subcore_parallel>], iteration_bounds = array<i64: 2, 16>, scalar_prefetch = 0 : i64, scratch_operands = 16 : i64, tpu.core_type = #tpu.core_type<sc_vector_subcore>, window_params = [{transform_indices = #map}, {transform_indices = #map}, {transform_indices = #map1}, {transform_indices = #map1}, {transform_indices = #map}, {transform_indices = #map}, {transform_indices = #map}]} {
    %mul3A = arith.constant 2 : i32
    %mul3A_0 = arith.muli %arg1, %mul3A : i32
    %add3A = arith.addi %mul3A_0, %arg0 : i32
    %mul3A_1 = arith.constant 64 : i32
    %mul3A_2 = arith.muli %add3A, %mul3A_1 : i32
    %add3A_3 = arith.constant 0 : i32
    %add3A_4 = arith.addi %mul3A_2, %add3A_3 : i32
    "tpu.region"() ({
      %run_scoped3A = tpu.sem_alloc : memref<!tpu.dma_semaphore, #tpu.memory_space<semaphore_mem>>
      %dma_start3A_156 = tpu.memref_slice %arg4[%add3A_4] : memref<2048xi32, #tpu.memory_space<hbm>> -> memref<16xi32, #tpu.memory_space<hbm>>
      %dma_start3A_157 = tpu.memref_slice %arg4[%add3A_4] : memref<2048xi32, #tpu.memory_space<hbm>> -> memref<16xi32, #tpu.memory_space<hbm>>
      tpu.enqueue_dma source(%dma_start3A_157 : memref<16xi32, #tpu.memory_space<hbm>>) target(%arg9 : memref<16xi32, #tpu.memory_space<vmem>>) target_semaphore(%run_scoped3A : memref<!tpu.dma_semaphore, #tpu.memory_space<semaphore_mem>>)
      %dma_wait3A_158 = tpu.memref_slice %arg4[%add3A_4] : memref<2048xi32, #tpu.memory_space<hbm>> -> memref<16xi32, #tpu.memory_space<hbm>>
      %dma_wait3A_159 = tpu.memref_slice %arg4[%add3A_4] : memref<2048xi32, #tpu.memory_space<hbm>> -> memref<16xi32, #tpu.memory_space<hbm>>
      tpu.wait_dma2 semaphore(%run_scoped3A : memref<!tpu.dma_semaphore, #tpu.memory_space<semaphore_mem>>) src(%dma_wait3A_159 : memref<16xi32, #tpu.memory_space<hbm>>) dst(%arg9 : memref<16xi32, #tpu.memory_space<vmem>>)
      tpu.yield
    }) : () -> ()
    "tpu.region"() ({
      %run_scoped3A = tpu.sem_alloc : memref<!tpu.dma_semaphore, #tpu.memory_space<semaphore_mem>>
      %dma_start3A_156 = tpu.memref_slice %arg5[%add3A_4] : memref<2048xi32, #tpu.memory_space<hbm>> -> memref<16xi32, #tpu.memory_space<hbm>>
      %dma_start3A_157 = tpu.memref_slice %arg5[%add3A_4] : memref<2048xi32, #tpu.memory_space<hbm>> -> memref<16xi32, #tpu.memory_space<hbm>>
      tpu.enqueue_dma source(%dma_start3A_157 : memref<16xi32, #tpu.memory_space<hbm>>) target(%arg10 : memref<16xi32, #tpu.memory_space<vmem>>) target_semaphore(%run_scoped3A : memref<!tpu.dma_semaphore, #tpu.memory_space<semaphore_mem>>)
      %dma_wait3A_158 = tpu.memref_slice %arg5[%add3A_4] : memref<2048xi32, #tpu.memory_space<hbm>> -> memref<16xi32, #tpu.memory_space<hbm>>
      %dma_wait3A_159 = tpu.memref_slice %arg5[%add3A_4] : memref<2048xi32, #tpu.memory_space<hbm>> -> memref<16xi32, #tpu.memory_space<hbm>>
      tpu.wait_dma2 semaphore(%run_scoped3A : memref<!tpu.dma_semaphore, #tpu.memory_space<semaphore_mem>>) src(%dma_wait3A_159 : memref<16xi32, #tpu.memory_space<hbm>>) dst(%arg10 : memref<16xi32, #tpu.memory_space<vmem>>)
      tpu.yield
    }) : () -> ()
    "tpu.region"() ({
      %run_scoped3A = tpu.sem_alloc : memref<!tpu.dma_semaphore, #tpu.memory_space<semaphore_mem>>
      %dma_start3A_156 = arith.constant 0 : i32
      %dma_start3A_157 = tpu.memref_slice %arg6[%add3A_4, %dma_start3A_156] : memref<2048x16xf32, #tpu.memory_space<hbm>> -> memref<16x16xf32, #tpu.memory_space<hbm>>
      %dma_start3A_158 = arith.constant 0 : i32
      %dma_start3A_159 = tpu.memref_slice %arg6[%add3A_4, %dma_start3A_158] : memref<2048x16xf32, #tpu.memory_space<hbm>> -> memref<16x16xf32, #tpu.memory_space<hbm>>
      tpu.enqueue_dma source(%dma_start3A_159 : memref<16x16xf32, #tpu.memory_space<hbm>>) target(%arg11 : memref<16x16xf32, #tpu.memory_space<vmem>>) target_semaphore(%run_scoped3A : memref<!tpu.dma_semaphore, #tpu.memory_space<semaphore_mem>>)
      %dma_wait3A_160 = arith.constant 0 : i32
      %dma_wait3A_161 = tpu.memref_slice %arg6[%add3A_4, %dma_wait3A_160] : memref<2048x16xf32, #tpu.memory_space<hbm>> -> memref<16x16xf32, #tpu.memory_space<hbm>>
      %dma_wait3A_162 = arith.constant 0 : i32
      %dma_wait3A_163 = tpu.memref_slice %arg6[%add3A_4, %dma_wait3A_162] : memref<2048x16xf32, #tpu.memory_space<hbm>> -> memref<16x16xf32, #tpu.memory_space<hbm>>
      tpu.wait_dma2 semaphore(%run_scoped3A : memref<!tpu.dma_semaphore, #tpu.memory_space<semaphore_mem>>) src(%dma_wait3A_163 : memref<16x16xf32, #tpu.memory_space<hbm>>) dst(%arg11 : memref<16x16xf32, #tpu.memory_space<vmem>>)
      tpu.yield
    }) : () -> ()
    "tpu.region"() ({
      %run_scoped3A = tpu.sem_alloc : memref<!tpu.dma_semaphore, #tpu.memory_space<semaphore_mem>>
      %dma_start3A_156 = arith.constant 0 : i32
      %dma_start3A_157 = tpu.memref_slice %arg7[%add3A_4, %dma_start3A_156] : memref<2048x16xf32, #tpu.memory_space<hbm>> -> memref<16x16xf32, #tpu.memory_space<hbm>>
      %dma_start3A_158 = arith.constant 0 : i32
      %dma_start3A_159 = tpu.memref_slice %arg7[%add3A_4, %dma_start3A_158] : memref<2048x16xf32, #tpu.memory_space<hbm>> -> memref<16x16xf32, #tpu.memory_space<hbm>>
      tpu.enqueue_dma source(%dma_start3A_159 : memref<16x16xf32, #tpu.memory_space<hbm>>) target(%arg12 : memref<16x16xf32, #tpu.memory_space<vmem>>) target_semaphore(%run_scoped3A : memref<!tpu.dma_semaphore, #tpu.memory_space<semaphore_mem>>)
      %dma_wait3A_160 = arith.constant 0 : i32
      %dma_wait3A_161 = tpu.memref_slice %arg7[%add3A_4, %dma_wait3A_160] : memref<2048x16xf32, #tpu.memory_space<hbm>> -> memref<16x16xf32, #tpu.memory_space<hbm>>
      %dma_wait3A_162 = arith.constant 0 : i32
      %dma_wait3A_163 = tpu.memref_slice %arg7[%add3A_4, %dma_wait3A_162] : memref<2048x16xf32, #tpu.memory_space<hbm>> -> memref<16x16xf32, #tpu.memory_space<hbm>>
      tpu.wait_dma2 semaphore(%run_scoped3A : memref<!tpu.dma_semaphore, #tpu.memory_space<semaphore_mem>>) src(%dma_wait3A_163 : memref<16x16xf32, #tpu.memory_space<hbm>>) dst(%arg12 : memref<16x16xf32, #tpu.memory_space<vmem>>)
      tpu.yield
    }) : () -> ()
    %dma_start3A = arith.constant 0 : i32
    %dma_start3A_5 = arith.constant 0 : i32
    %dma_start3A_6 = tpu.memref_slice %arg3[%dma_start3A, %dma_start3A_5] : memref<12160x768xf32, #tpu.memory_space<hbm>> -> memref<12160x768xf32, #tpu.memory_space<hbm>>
    tpu.enqueue_indirect_dma source(%dma_start3A_6 : memref<12160x768xf32, #tpu.memory_space<hbm>>) target(%arg13 : memref<16x768xf32, #tpu.memory_space<vmem>>) offsets(%arg9 : memref<16xi32, #tpu.memory_space<vmem>>) semaphore(%arg23 : memref<!tpu.dma_semaphore, #tpu.memory_space<semaphore_mem>>)
    %dma_start3A_7 = arith.constant 0 : i32
    %dma_start3A_8 = arith.constant 0 : i32
    %dma_start3A_9 = tpu.memref_slice %arg3[%dma_start3A_7, %dma_start3A_8] : memref<12160x768xf32, #tpu.memory_space<hbm>> -> memref<12160x768xf32, #tpu.memory_space<hbm>>
    tpu.enqueue_indirect_dma source(%dma_start3A_9 : memref<12160x768xf32, #tpu.memory_space<hbm>>) target(%arg14 : memref<16x768xf32, #tpu.memory_space<vmem>>) offsets(%arg10 : memref<16xi32, #tpu.memory_space<vmem>>) semaphore(%arg23 : memref<!tpu.dma_semaphore, #tpu.memory_space<semaphore_mem>>)
    %dma_start3A_10 = arith.constant 0 : i32
    %dma_start3A_11 = tpu.memref_slice %arg2[%add3A_4, %dma_start3A_10] : memref<2048x768xf32, #tpu.memory_space<hbm>> -> memref<16x768xf32, #tpu.memory_space<hbm>>
    %dma_start3A_12 = arith.constant 0 : i32
    %dma_start3A_13 = tpu.memref_slice %arg2[%add3A_4, %dma_start3A_12] : memref<2048x768xf32, #tpu.memory_space<hbm>> -> memref<16x768xf32, #tpu.memory_space<hbm>>
    tpu.enqueue_dma source(%dma_start3A_13 : memref<16x768xf32, #tpu.memory_space<hbm>>) target(%arg15 : memref<16x768xf32, #tpu.memory_space<vmem>>) target_semaphore(%arg23 : memref<!tpu.dma_semaphore, #tpu.memory_space<semaphore_mem>>)
    %add3A_14 = arith.constant 16 : i32
    %add3A_15 = arith.addi %mul3A_2, %add3A_14 : i32
    "tpu.region"() ({
      %run_scoped3A = tpu.sem_alloc : memref<!tpu.dma_semaphore, #tpu.memory_space<semaphore_mem>>
      %dma_start3A_156 = tpu.memref_slice %arg4[%add3A_15] : memref<2048xi32, #tpu.memory_space<hbm>> -> memref<16xi32, #tpu.memory_space<hbm>>
      %dma_start3A_157 = tpu.memref_slice %arg4[%add3A_15] : memref<2048xi32, #tpu.memory_space<hbm>> -> memref<16xi32, #tpu.memory_space<hbm>>
      tpu.enqueue_dma source(%dma_start3A_157 : memref<16xi32, #tpu.memory_space<hbm>>) target(%arg16 : memref<16xi32, #tpu.memory_space<vmem>>) target_semaphore(%run_scoped3A : memref<!tpu.dma_semaphore, #tpu.memory_space<semaphore_mem>>)
      %dma_wait3A_158 = tpu.memref_slice %arg4[%add3A_15] : memref<2048xi32, #tpu.memory_space<hbm>> -> memref<16xi32, #tpu.memory_space<hbm>>
      %dma_wait3A_159 = tpu.memref_slice %arg4[%add3A_15] : memref<2048xi32, #tpu.memory_space<hbm>> -> memref<16xi32, #tpu.memory_space<hbm>>
      tpu.wait_dma2 semaphore(%run_scoped3A : memref<!tpu.dma_semaphore, #tpu.memory_space<semaphore_mem>>) src(%dma_wait3A_159 : memref<16xi32, #tpu.memory_space<hbm>>) dst(%arg16 : memref<16xi32, #tpu.memory_space<vmem>>)
      tpu.yield
    }) : () -> ()
    "tpu.region"() ({
      %run_scoped3A = tpu.sem_alloc : memref<!tpu.dma_semaphore, #tpu.memory_space<semaphore_mem>>
      %dma_start3A_156 = tpu.memref_slice %arg5[%add3A_15] : memref<2048xi32, #tpu.memory_space<hbm>> -> memref<16xi32, #tpu.memory_space<hbm>>
      %dma_start3A_157 = tpu.memref_slice %arg5[%add3A_15] : memref<2048xi32, #tpu.memory_space<hbm>> -> memref<16xi32, #tpu.memory_space<hbm>>
      tpu.enqueue_dma source(%dma_start3A_157 : memref<16xi32, #tpu.memory_space<hbm>>) target(%arg17 : memref<16xi32, #tpu.memory_space<vmem>>) target_semaphore(%run_scoped3A : memref<!tpu.dma_semaphore, #tpu.memory_space<semaphore_mem>>)
      %dma_wait3A_158 = tpu.memref_slice %arg5[%add3A_15] : memref<2048xi32, #tpu.memory_space<hbm>> -> memref<16xi32, #tpu.memory_space<hbm>>
      %dma_wait3A_159 = tpu.memref_slice %arg5[%add3A_15] : memref<2048xi32, #tpu.memory_space<hbm>> -> memref<16xi32, #tpu.memory_space<hbm>>
      tpu.wait_dma2 semaphore(%run_scoped3A : memref<!tpu.dma_semaphore, #tpu.memory_space<semaphore_mem>>) src(%dma_wait3A_159 : memref<16xi32, #tpu.memory_space<hbm>>) dst(%arg17 : memref<16xi32, #tpu.memory_space<vmem>>)
      tpu.yield
    }) : () -> ()
    "tpu.region"() ({
      %run_scoped3A = tpu.sem_alloc : memref<!tpu.dma_semaphore, #tpu.memory_space<semaphore_mem>>
      %dma_start3A_156 = arith.constant 0 : i32
      %dma_start3A_157 = tpu.memref_slice %arg6[%add3A_15, %dma_start3A_156] : memref<2048x16xf32, #tpu.memory_space<hbm>> -> memref<16x16xf32, #tpu.memory_space<hbm>>
      %dma_start3A_158 = arith.constant 0 : i32
      %dma_start3A_159 = tpu.memref_slice %arg6[%add3A_15, %dma_start3A_158] : memref<2048x16xf32, #tpu.memory_space<hbm>> -> memref<16x16xf32, #tpu.memory_space<hbm>>
      tpu.enqueue_dma source(%dma_start3A_159 : memref<16x16xf32, #tpu.memory_space<hbm>>) target(%arg18 : memref<16x16xf32, #tpu.memory_space<vmem>>) target_semaphore(%run_scoped3A : memref<!tpu.dma_semaphore, #tpu.memory_space<semaphore_mem>>)
      %dma_wait3A_160 = arith.constant 0 : i32
      %dma_wait3A_161 = tpu.memref_slice %arg6[%add3A_15, %dma_wait3A_160] : memref<2048x16xf32, #tpu.memory_space<hbm>> -> memref<16x16xf32, #tpu.memory_space<hbm>>
      %dma_wait3A_162 = arith.constant 0 : i32
      %dma_wait3A_163 = tpu.memref_slice %arg6[%add3A_15, %dma_wait3A_162] : memref<2048x16xf32, #tpu.memory_space<hbm>> -> memref<16x16xf32, #tpu.memory_space<hbm>>
      tpu.wait_dma2 semaphore(%run_scoped3A : memref<!tpu.dma_semaphore, #tpu.memory_space<semaphore_mem>>) src(%dma_wait3A_163 : memref<16x16xf32, #tpu.memory_space<hbm>>) dst(%arg18 : memref<16x16xf32, #tpu.memory_space<vmem>>)
      tpu.yield
    }) : () -> ()
    "tpu.region"() ({
      %run_scoped3A = tpu.sem_alloc : memref<!tpu.dma_semaphore, #tpu.memory_space<semaphore_mem>>
      %dma_start3A_156 = arith.constant 0 : i32
      %dma_start3A_157 = tpu.memref_slice %arg7[%add3A_15, %dma_start3A_156] : memref<2048x16xf32, #tpu.memory_space<hbm>> -> memref<16x16xf32, #tpu.memory_space<hbm>>
      %dma_start3A_158 = arith.constant 0 : i32
      %dma_start3A_159 = tpu.memref_slice %arg7[%add3A_15, %dma_start3A_158] : memref<2048x16xf32, #tpu.memory_space<hbm>> -> memref<16x16xf32, #tpu.memory_space<hbm>>
      tpu.enqueue_dma source(%dma_start3A_159 : memref<16x16xf32, #tpu.memory_space<hbm>>) target(%arg19 : memref<16x16xf32, #tpu.memory_space<vmem>>) target_semaphore(%run_scoped3A : memref<!tpu.dma_semaphore, #tpu.memory_space<semaphore_mem>>)
      %dma_wait3A_160 = arith.constant 0 : i32
      %dma_wait3A_161 = tpu.memref_slice %arg7[%add3A_15, %dma_wait3A_160] : memref<2048x16xf32, #tpu.memory_space<hbm>> -> memref<16x16xf32, #tpu.memory_space<hbm>>
      %dma_wait3A_162 = arith.constant 0 : i32
      %dma_wait3A_163 = tpu.memref_slice %arg7[%add3A_15, %dma_wait3A_162] : memref<2048x16xf32, #tpu.memory_space<hbm>> -> memref<16x16xf32, #tpu.memory_space<hbm>>
      tpu.wait_dma2 semaphore(%run_scoped3A : memref<!tpu.dma_semaphore, #tpu.memory_space<semaphore_mem>>) src(%dma_wait3A_163 : memref<16x16xf32, #tpu.memory_space<hbm>>) dst(%arg19 : memref<16x16xf32, #tpu.memory_space<vmem>>)
      tpu.yield
    }) : () -> ()
    %dma_start3A_16 = arith.constant 0 : i32
    %dma_start3A_17 = arith.constant 0 : i32
    %dma_start3A_18 = tpu.memref_slice %arg3[%dma_start3A_16, %dma_start3A_17] : memref<12160x768xf32, #tpu.memory_space<hbm>> -> memref<12160x768xf32, #tpu.memory_space<hbm>>
    tpu.enqueue_indirect_dma source(%dma_start3A_18 : memref<12160x768xf32, #tpu.memory_space<hbm>>) target(%arg20 : memref<16x768xf32, #tpu.memory_space<vmem>>) offsets(%arg16 : memref<16xi32, #tpu.memory_space<vmem>>) semaphore(%arg23 : memref<!tpu.dma_semaphore, #tpu.memory_space<semaphore_mem>>)
    %dma_start3A_19 = arith.constant 0 : i32
    %dma_start3A_20 = arith.constant 0 : i32
    %dma_start3A_21 = tpu.memref_slice %arg3[%dma_start3A_19, %dma_start3A_20] : memref<12160x768xf32, #tpu.memory_space<hbm>> -> memref<12160x768xf32, #tpu.memory_space<hbm>>
    tpu.enqueue_indirect_dma source(%dma_start3A_21 : memref<12160x768xf32, #tpu.memory_space<hbm>>) target(%arg21 : memref<16x768xf32, #tpu.memory_space<vmem>>) offsets(%arg17 : memref<16xi32, #tpu.memory_space<vmem>>) semaphore(%arg23 : memref<!tpu.dma_semaphore, #tpu.memory_space<semaphore_mem>>)
    %dma_start3A_22 = arith.constant 0 : i32
    %dma_start3A_23 = tpu.memref_slice %arg2[%add3A_15, %dma_start3A_22] : memref<2048x768xf32, #tpu.memory_space<hbm>> -> memref<16x768xf32, #tpu.memory_space<hbm>>
    %dma_start3A_24 = arith.constant 0 : i32
    %dma_start3A_25 = tpu.memref_slice %arg2[%add3A_15, %dma_start3A_24] : memref<2048x768xf32, #tpu.memory_space<hbm>> -> memref<16x768xf32, #tpu.memory_space<hbm>>
    tpu.enqueue_dma source(%dma_start3A_25 : memref<16x768xf32, #tpu.memory_space<hbm>>) target(%arg22 : memref<16x768xf32, #tpu.memory_space<vmem>>) target_semaphore(%arg23 : memref<!tpu.dma_semaphore, #tpu.memory_space<semaphore_mem>>)
    %dma_wait3A = arith.constant 0 : i32
    %dma_wait3A_26 = arith.constant 0 : i32
    %dma_wait3A_27 = tpu.memref_slice %arg3[%dma_wait3A, %dma_wait3A_26] : memref<12160x768xf32, #tpu.memory_space<hbm>> -> memref<12160x768xf32, #tpu.memory_space<hbm>>
    tpu.wait_indirect_dma semaphore(%arg23 : memref<!tpu.dma_semaphore, #tpu.memory_space<semaphore_mem>>) src(%dma_wait3A_27 : memref<12160x768xf32, #tpu.memory_space<hbm>>) dst(%arg13 : memref<16x768xf32, #tpu.memory_space<vmem>>)
    %dma_wait3A_28 = arith.constant 0 : i32
    %dma_wait3A_29 = arith.constant 0 : i32
    %dma_wait3A_30 = tpu.memref_slice %arg3[%dma_wait3A_28, %dma_wait3A_29] : memref<12160x768xf32, #tpu.memory_space<hbm>> -> memref<12160x768xf32, #tpu.memory_space<hbm>>
    tpu.wait_indirect_dma semaphore(%arg23 : memref<!tpu.dma_semaphore, #tpu.memory_space<semaphore_mem>>) src(%dma_wait3A_30 : memref<12160x768xf32, #tpu.memory_space<hbm>>) dst(%arg14 : memref<16x768xf32, #tpu.memory_space<vmem>>)
    %dma_wait3A_31 = arith.constant 0 : i32
    %dma_wait3A_32 = tpu.memref_slice %arg2[%add3A_4, %dma_wait3A_31] : memref<2048x768xf32, #tpu.memory_space<hbm>> -> memref<16x768xf32, #tpu.memory_space<hbm>>
    %dma_wait3A_33 = arith.constant 0 : i32
    %dma_wait3A_34 = tpu.memref_slice %arg2[%add3A_4, %dma_wait3A_33] : memref<2048x768xf32, #tpu.memory_space<hbm>> -> memref<16x768xf32, #tpu.memory_space<hbm>>
    tpu.wait_dma2 semaphore(%arg23 : memref<!tpu.dma_semaphore, #tpu.memory_space<semaphore_mem>>) src(%dma_wait3A_34 : memref<16x768xf32, #tpu.memory_space<hbm>>) dst(%arg15 : memref<16x768xf32, #tpu.memory_space<vmem>>)
    %scan3A = arith.constant 0 : i32
    %scan3A_35 = arith.constant 0 : i32
    %scan3A_36 = arith.constant 16 : i32
    %scan3A_37 = arith.addi %scan3A_35, %scan3A_36 : i32
    %scan3A_38 = arith.constant 1 : i32
    %scan3A_39 = scf.for %scan3A_156 = %scan3A_35 to %scan3A_37 step %scan3A_38 iter_args(%scan3A_157 = %scan3A) -> (i32)  : i32 {
      %get3A = arith.index_cast %scan3A_156 : i32 to index
      %get3A_158 = arith.constant 0 : index
      %get3A_159 = tpu.vector_load %arg11[%get3A, %get3A_158] {strides = array<i32>} : memref<16x16xf32, #tpu.memory_space<vmem>>, vector<1x16xf32>,
      %get3A_160 = vector.shape_cast %get3A_159 : vector<1x16xf32> to vector<16xf32>
      %get3A_161 = arith.index_cast %scan3A_156 : i32 to index
      %get3A_162 = arith.constant 0 : index
      %get3A_163 = tpu.vector_load %arg12[%get3A_161, %get3A_162] {strides = array<i32>} : memref<16x16xf32, #tpu.memory_space<vmem>>, vector<1x16xf32>,
      %get3A_164 = vector.shape_cast %get3A_163 : vector<1x16xf32> to vector<16xf32>
      %scan3A_165 = arith.constant 0 : i32
      %scan3A_166 = arith.constant 0 : i32
      %scan3A_167 = arith.constant 48 : i32
      %scan3A_168 = arith.addi %scan3A_166, %scan3A_167 : i32
      %scan3A_169 = arith.constant 8 : i32
      %scan3A_170 = scf.for %scan3A_172 = %scan3A_166 to %scan3A_168 step %scan3A_169 iter_args(%scan3A_173 = %scan3A_165) -> (i32)  : i32 {
        %mul3A_174 = arith.constant 16 : i32
        %mul3A_175 = arith.muli %scan3A_172, %mul3A_174 : i32
        %get3A_176 = arith.index_cast %scan3A_156 : i32 to index
        %get3A_177 = arith.index_cast %mul3A_175 : i32 to index
        %get3A_178 = tpu.vector_load %arg15[%get3A_176, %get3A_177] {strides = array<i32>} : memref<16x768xf32, #tpu.memory_space<vmem>>, vector<1x16xf32>,
        %get3A_179 = vector.shape_cast %get3A_178 : vector<1x16xf32> to vector<16xf32>
        %get3A_180 = arith.index_cast %scan3A_156 : i32 to index
        %get3A_181 = arith.index_cast %mul3A_175 : i32 to index
        %get3A_182 = tpu.vector_load %arg13[%get3A_180, %get3A_181] {strides = array<i32>} : memref<16x768xf32, #tpu.memory_space<vmem>>, vector<1x16xf32>,
        %get3A_183 = vector.shape_cast %get3A_182 : vector<1x16xf32> to vector<16xf32>
        %mul3A_184 = arith.mulf %get3A_160, %get3A_183 : vector<16xf32>
        %add3A_185 = arith.addf %get3A_179, %mul3A_184 : vector<16xf32>
        %get3A_186 = arith.index_cast %scan3A_156 : i32 to index
        %get3A_187 = arith.index_cast %mul3A_175 : i32 to index
        %get3A_188 = tpu.vector_load %arg14[%get3A_186, %get3A_187] {strides = array<i32>} : memref<16x768xf32, #tpu.memory_space<vmem>>, vector<1x16xf32>,
        %get3A_189 = vector.shape_cast %get3A_188 : vector<1x16xf32> to vector<16xf32>
        %mul3A_190 = arith.mulf %get3A_164, %get3A_189 : vector<16xf32>
        %add3A_191 = arith.addf %add3A_185, %mul3A_190 : vector<16xf32>
        %swap3A = arith.index_cast %scan3A_156 : i32 to index
        %swap3A_192 = arith.index_cast %mul3A_175 : i32 to index
        %swap3A_193 = tpu.vector_load %arg15[%swap3A, %swap3A_192] {strides = array<i32>} : memref<16x768xf32, #tpu.memory_space<vmem>>, vector<1x16xf32>,
        %swap3A_194 = vector.shape_cast %swap3A_193 : vector<1x16xf32> to vector<16xf32>
        %swap3A_195 = vector.shape_cast %add3A_191 : vector<16xf32> to vector<1x16xf32>
        tpu.vector_store %arg15[%swap3A, %swap3A_192], %swap3A_195 {strides = array<i32>} : memref<16x768xf32, #tpu.memory_space<vmem>>, vector<1x16xf32>,
        %scan3A_196 = arith.constant 0 : i32
        %scan3A_197 = arith.constant 1 : i32
        %scan3A_198 = arith.addi %scan3A_172, %scan3A_197 : i32
        %mul3A_199 = arith.constant 16 : i32
        %mul3A_200 = arith.muli %scan3A_198, %mul3A_199 : i32
        %get3A_201 = arith.index_cast %scan3A_156 : i32 to index
        %get3A_202 = arith.index_cast %mul3A_200 : i32 to index
        %get3A_203 = tpu.vector_load %arg15[%get3A_201, %get3A_202] {strides = array<i32>} : memref<16x768xf32, #tpu.memory_space<vmem>>, vector<1x16xf32>,
        %get3A_204 = vector.shape_cast %get3A_203 : vector<1x16xf32> to vector<16xf32>
        %get3A_205 = arith.index_cast %scan3A_156 : i32 to index
        %get3A_206 = arith.index_cast %mul3A_200 : i32 to index
        %get3A_207 = tpu.vector_load %arg13[%get3A_205, %get3A_206] {strides = array<i32>} : memref<16x768xf32, #tpu.memory_space<vmem>>, vector<1x16xf32>,
        %get3A_208 = vector.shape_cast %get3A_207 : vector<1x16xf32> to vector<16xf32>
        %mul3A_209 = arith.mulf %get3A_160, %get3A_208 : vector<16xf32>
        %add3A_210 = arith.addf %get3A_204, %mul3A_209 : vector<16xf32>
        %get3A_211 = arith.index_cast %scan3A_156 : i32 to index
        %get3A_212 = arith.index_cast %mul3A_200 : i32 to index
        %get3A_213 = tpu.vector_load %arg14[%get3A_211, %get3A_212] {strides = array<i32>} : memref<16x768xf32, #tpu.memory_space<vmem>>, vector<1x16xf32>,
        %get3A_214 = vector.shape_cast %get3A_213 : vector<1x16xf32> to vector<16xf32>
        %mul3A_215 = arith.mulf %get3A_164, %get3A_214 : vector<16xf32>
        %add3A_216 = arith.addf %add3A_210, %mul3A_215 : vector<16xf32>
        %swap3A_217 = arith.index_cast %scan3A_156 : i32 to index
        %swap3A_218 = arith.index_cast %mul3A_200 : i32 to index
        %swap3A_219 = tpu.vector_load %arg15[%swap3A_217, %swap3A_218] {strides = array<i32>} : memref<16x768xf32, #tpu.memory_space<vmem>>, vector<1x16xf32>,
        %swap3A_220 = vector.shape_cast %swap3A_219 : vector<1x16xf32> to vector<16xf32>
        %swap3A_221 = vector.shape_cast %add3A_216 : vector<16xf32> to vector<1x16xf32>
        tpu.vector_store %arg15[%swap3A_217, %swap3A_218], %swap3A_221 {strides = array<i32>} : memref<16x768xf32, #tpu.memory_space<vmem>>, vector<1x16xf32>,
        %scan3A_222 = arith.constant 0 : i32
        %scan3A_223 = arith.constant 2 : i32
        %scan3A_224 = arith.addi %scan3A_172, %scan3A_223 : i32
        %mul3A_225 = arith.constant 16 : i32
        %mul3A_226 = arith.muli %scan3A_224, %mul3A_225 : i32
        %get3A_227 = arith.index_cast %scan3A_156 : i32 to index
        %get3A_228 = arith.index_cast %mul3A_226 : i32 to index
        %get3A_229 = tpu.vector_load %arg15[%get3A_227, %get3A_228] {strides = array<i32>} : memref<16x768xf32, #tpu.memory_space<vmem>>, vector<1x16xf32>,
        %get3A_230 = vector.shape_cast %get3A_229 : vector<1x16xf32> to vector<16xf32>
        %get3A_231 = arith.index_cast %scan3A_156 : i32 to index
        %get3A_232 = arith.index_cast %mul3A_226 : i32 to index
        %get3A_233 = tpu.vector_load %arg13[%get3A_231, %get3A_232] {strides = array<i32>} : memref<16x768xf32, #tpu.memory_space<vmem>>, vector<1x16xf32>,
        %get3A_234 = vector.shape_cast %get3A_233 : vector<1x16xf32> to vector<16xf32>
        %mul3A_235 = arith.mulf %get3A_160, %get3A_234 : vector<16xf32>
        %add3A_236 = arith.addf %get3A_230, %mul3A_235 : vector<16xf32>
        %get3A_237 = arith.index_cast %scan3A_156 : i32 to index
        %get3A_238 = arith.index_cast %mul3A_226 : i32 to index
        %get3A_239 = tpu.vector_load %arg14[%get3A_237, %get3A_238] {strides = array<i32>} : memref<16x768xf32, #tpu.memory_space<vmem>>, vector<1x16xf32>,
        %get3A_240 = vector.shape_cast %get3A_239 : vector<1x16xf32> to vector<16xf32>
        %mul3A_241 = arith.mulf %get3A_164, %get3A_240 : vector<16xf32>
        %add3A_242 = arith.addf %add3A_236, %mul3A_241 : vector<16xf32>
        %swap3A_243 = arith.index_cast %scan3A_156 : i32 to index
        %swap3A_244 = arith.index_cast %mul3A_226 : i32 to index
        %swap3A_245 = tpu.vector_load %arg15[%swap3A_243, %swap3A_244] {strides = array<i32>} : memref<16x768xf32, #tpu.memory_space<vmem>>, vector<1x16xf32>,
        %swap3A_246 = vector.shape_cast %swap3A_245 : vector<1x16xf32> to vector<16xf32>
        %swap3A_247 = vector.shape_cast %add3A_242 : vector<16xf32> to vector<1x16xf32>
        tpu.vector_store %arg15[%swap3A_243, %swap3A_244], %swap3A_247 {strides = array<i32>} : memref<16x768xf32, #tpu.memory_space<vmem>>, vector<1x16xf32>,
        %scan3A_248 = arith.constant 0 : i32
        %scan3A_249 = arith.constant 3 : i32
        %scan3A_250 = arith.addi %scan3A_172, %scan3A_249 : i32
        %mul3A_251 = arith.constant 16 : i32
        %mul3A_252 = arith.muli %scan3A_250, %mul3A_251 : i32
        %get3A_253 = arith.index_cast %scan3A_156 : i32 to index
        %get3A_254 = arith.index_cast %mul3A_252 : i32 to index
        %get3A_255 = tpu.vector_load %arg15[%get3A_253, %get3A_254] {strides = array<i32>} : memref<16x768xf32, #tpu.memory_space<vmem>>, vector<1x16xf32>,
        %get3A_256 = vector.shape_cast %get3A_255 : vector<1x16xf32> to vector<16xf32>
        %get3A_257 = arith.index_cast %scan3A_156 : i32 to index
        %get3A_258 = arith.index_cast %mul3A_252 : i32 to index
        %get3A_259 = tpu.vector_load %arg13[%get3A_257, %get3A_258] {strides = array<i32>} : memref<16x768xf32, #tpu.memory_space<vmem>>, vector<1x16xf32>,
        %get3A_260 = vector.shape_cast %get3A_259 : vector<1x16xf32> to vector<16xf32>
        %mul3A_261 = arith.mulf %get3A_160, %get3A_260 : vector<16xf32>
        %add3A_262 = arith.addf %get3A_256, %mul3A_261 : vector<16xf32>
        %get3A_263 = arith.index_cast %scan3A_156 : i32 to index
        %get3A_264 = arith.index_cast %mul3A_252 : i32 to index
        %get3A_265 = tpu.vector_load %arg14[%get3A_263, %get3A_264] {strides = array<i32>} : memref<16x768xf32, #tpu.memory_space<vmem>>, vector<1x16xf32>,
        %get3A_266 = vector.shape_cast %get3A_265 : vector<1x16xf32> to vector<16xf32>
        %mul3A_267 = arith.mulf %get3A_164, %get3A_266 : vector<16xf32>
        %add3A_268 = arith.addf %add3A_262, %mul3A_267 : vector<16xf32>
        %swap3A_269 = arith.index_cast %scan3A_156 : i32 to index
        %swap3A_270 = arith.index_cast %mul3A_252 : i32 to index
        %swap3A_271 = tpu.vector_load %arg15[%swap3A_269, %swap3A_270] {strides = array<i32>} : memref<16x768xf32, #tpu.memory_space<vmem>>, vector<1x16xf32>,
        %swap3A_272 = vector.shape_cast %swap3A_271 : vector<1x16xf32> to vector<16xf32>
        %swap3A_273 = vector.shape_cast %add3A_268 : vector<16xf32> to vector<1x16xf32>
        tpu.vector_store %arg15[%swap3A_269, %swap3A_270], %swap3A_273 {strides = array<i32>} : memref<16x768xf32, #tpu.memory_space<vmem>>, vector<1x16xf32>,
        %scan3A_274 = arith.constant 0 : i32
        %scan3A_275 = arith.constant 4 : i32
        %scan3A_276 = arith.addi %scan3A_172, %scan3A_275 : i32
        %mul3A_277 = arith.constant 16 : i32
        %mul3A_278 = arith.muli %scan3A_276, %mul3A_277 : i32
        %get3A_279 = arith.index_cast %scan3A_156 : i32 to index
        %get3A_280 = arith.index_cast %mul3A_278 : i32 to index
        %get3A_281 = tpu.vector_load %arg15[%get3A_279, %get3A_280] {strides = array<i32>} : memref<16x768xf32, #tpu.memory_space<vmem>>, vector<1x16xf32>,
        %get3A_282 = vector.shape_cast %get3A_281 : vector<1x16xf32> to vector<16xf32>
        %get3A_283 = arith.index_cast %scan3A_156 : i32 to index
        %get3A_284 = arith.index_cast %mul3A_278 : i32 to index
        %get3A_285 = tpu.vector_load %arg13[%get3A_283, %get3A_284] {strides = array<i32>} : memref<16x768xf32, #tpu.memory_space<vmem>>, vector<1x16xf32>,
        %get3A_286 = vector.shape_cast %get3A_285 : vector<1x16xf32> to vector<16xf32>
        %mul3A_287 = arith.mulf %get3A_160, %get3A_286 : vector<16xf32>
        %add3A_288 = arith.addf %get3A_282, %mul3A_287 : vector<16xf32>
        %get3A_289 = arith.index_cast %scan3A_156 : i32 to index
        %get3A_290 = arith.index_cast %mul3A_278 : i32 to index
        %get3A_291 = tpu.vector_load %arg14[%get3A_289, %get3A_290] {strides = array<i32>} : memref<16x768xf32, #tpu.memory_space<vmem>>, vector<1x16xf32>,
        %get3A_292 = vector.shape_cast %get3A_291 : vector<1x16xf32> to vector<16xf32>
        %mul3A_293 = arith.mulf %get3A_164, %get3A_292 : vector<16xf32>
        %add3A_294 = arith.addf %add3A_288, %mul3A_293 : vector<16xf32>
        %swap3A_295 = arith.index_cast %scan3A_156 : i32 to index
        %swap3A_296 = arith.index_cast %mul3A_278 : i32 to index
        %swap3A_297 = tpu.vector_load %arg15[%swap3A_295, %swap3A_296] {strides = array<i32>} : memref<16x768xf32, #tpu.memory_space<vmem>>, vector<1x16xf32>,
        %swap3A_298 = vector.shape_cast %swap3A_297 : vector<1x16xf32> to vector<16xf32>
        %swap3A_299 = vector.shape_cast %add3A_294 : vector<16xf32> to vector<1x16xf32>
        tpu.vector_store %arg15[%swap3A_295, %swap3A_296], %swap3A_299 {strides = array<i32>} : memref<16x768xf32, #tpu.memory_space<vmem>>, vector<1x16xf32>,
        %scan3A_300 = arith.constant 0 : i32
        %scan3A_301 = arith.constant 5 : i32
        %scan3A_302 = arith.addi %scan3A_172, %scan3A_301 : i32
        %mul3A_303 = arith.constant 16 : i32
        %mul3A_304 = arith.muli %scan3A_302, %mul3A_303 : i32
        %get3A_305 = arith.index_cast %scan3A_156 : i32 to index
        %get3A_306 = arith.index_cast %mul3A_304 : i32 to index
        %get3A_307 = tpu.vector_load %arg15[%get3A_305, %get3A_306] {strides = array<i32>} : memref<16x768xf32, #tpu.memory_space<vmem>>, vector<1x16xf32>,
        %get3A_308 = vector.shape_cast %get3A_307 : vector<1x16xf32> to vector<16xf32>
        %get3A_309 = arith.index_cast %scan3A_156 : i32 to index
        %get3A_310 = arith.index_cast %mul3A_304 : i32 to index
        %get3A_311 = tpu.vector_load %arg13[%get3A_309, %get3A_310] {strides = array<i32>} : memref<16x768xf32, #tpu.memory_space<vmem>>, vector<1x16xf32>,
        %get3A_312 = vector.shape_cast %get3A_311 : vector<1x16xf32> to vector<16xf32>
        %mul3A_313 = arith.mulf %get3A_160, %get3A_312 : vector<16xf32>
        %add3A_314 = arith.addf %get3A_308, %mul3A_313 : vector<16xf32>
        %get3A_315 = arith.index_cast %scan3A_156 : i32 to index
        %get3A_316 = arith.index_cast %mul3A_304 : i32 to index
        %get3A_317 = tpu.vector_load %arg14[%get3A_315, %get3A_316] {strides = array<i32>} : memref<16x768xf32, #tpu.memory_space<vmem>>, vector<1x16xf32>,
        %get3A_318 = vector.shape_cast %get3A_317 : vector<1x16xf32> to vector<16xf32>
        %mul3A_319 = arith.mulf %get3A_164, %get3A_318 : vector<16xf32>
        %add3A_320 = arith.addf %add3A_314, %mul3A_319 : vector<16xf32>
        %swap3A_321 = arith.index_cast %scan3A_156 : i32 to index
        %swap3A_322 = arith.index_cast %mul3A_304 : i32 to index
        %swap3A_323 = tpu.vector_load %arg15[%swap3A_321, %swap3A_322] {strides = array<i32>} : memref<16x768xf32, #tpu.memory_space<vmem>>, vector<1x16xf32>,
        %swap3A_324 = vector.shape_cast %swap3A_323 : vector<1x16xf32> to vector<16xf32>
        %swap3A_325 = vector.shape_cast %add3A_320 : vector<16xf32> to vector<1x16xf32>
        tpu.vector_store %arg15[%swap3A_321, %swap3A_322], %swap3A_325 {strides = array<i32>} : memref<16x768xf32, #tpu.memory_space<vmem>>, vector<1x16xf32>,
        %scan3A_326 = arith.constant 0 : i32
        %scan3A_327 = arith.constant 6 : i32
        %scan3A_328 = arith.addi %scan3A_172, %scan3A_327 : i32
        %mul3A_329 = arith.constant 16 : i32
        %mul3A_330 = arith.muli %scan3A_328, %mul3A_329 : i32
        %get3A_331 = arith.index_cast %scan3A_156 : i32 to index
        %get3A_332 = arith.index_cast %mul3A_330 : i32 to index
        %get3A_333 = tpu.vector_load %arg15[%get3A_331, %get3A_332] {strides = array<i32>} : memref<16x768xf32, #tpu.memory_space<vmem>>, vector<1x16xf32>,
        %get3A_334 = vector.shape_cast %get3A_333 : vector<1x16xf32> to vector<16xf32>
        %get3A_335 = arith.index_cast %scan3A_156 : i32 to index
        %get3A_336 = arith.index_cast %mul3A_330 : i32 to index
        %get3A_337 = tpu.vector_load %arg13[%get3A_335, %get3A_336] {strides = array<i32>} : memref<16x768xf32, #tpu.memory_space<vmem>>, vector<1x16xf32>,
        %get3A_338 = vector.shape_cast %get3A_337 : vector<1x16xf32> to vector<16xf32>
        %mul3A_339 = arith.mulf %get3A_160, %get3A_338 : vector<16xf32>
        %add3A_340 = arith.addf %get3A_334, %mul3A_339 : vector<16xf32>
        %get3A_341 = arith.index_cast %scan3A_156 : i32 to index
        %get3A_342 = arith.index_cast %mul3A_330 : i32 to index
        %get3A_343 = tpu.vector_load %arg14[%get3A_341, %get3A_342] {strides = array<i32>} : memref<16x768xf32, #tpu.memory_space<vmem>>, vector<1x16xf32>,
        %get3A_344 = vector.shape_cast %get3A_343 : vector<1x16xf32> to vector<16xf32>
        %mul3A_345 = arith.mulf %get3A_164, %get3A_344 : vector<16xf32>
        %add3A_346 = arith.addf %add3A_340, %mul3A_345 : vector<16xf32>
        %swap3A_347 = arith.index_cast %scan3A_156 : i32 to index
        %swap3A_348 = arith.index_cast %mul3A_330 : i32 to index
        %swap3A_349 = tpu.vector_load %arg15[%swap3A_347, %swap3A_348] {strides = array<i32>} : memref<16x768xf32, #tpu.memory_space<vmem>>, vector<1x16xf32>,
        %swap3A_350 = vector.shape_cast %swap3A_349 : vector<1x16xf32> to vector<16xf32>
        %swap3A_351 = vector.shape_cast %add3A_346 : vector<16xf32> to vector<1x16xf32>
        tpu.vector_store %arg15[%swap3A_347, %swap3A_348], %swap3A_351 {strides = array<i32>} : memref<16x768xf32, #tpu.memory_space<vmem>>, vector<1x16xf32>,
        %scan3A_352 = arith.constant 0 : i32
        %scan3A_353 = arith.constant 7 : i32
        %scan3A_354 = arith.addi %scan3A_172, %scan3A_353 : i32
        %mul3A_355 = arith.constant 16 : i32
        %mul3A_356 = arith.muli %scan3A_354, %mul3A_355 : i32
        %get3A_357 = arith.index_cast %scan3A_156 : i32 to index
        %get3A_358 = arith.index_cast %mul3A_356 : i32 to index
        %get3A_359 = tpu.vector_load %arg15[%get3A_357, %get3A_358] {strides = array<i32>} : memref<16x768xf32, #tpu.memory_space<vmem>>, vector<1x16xf32>,
        %get3A_360 = vector.shape_cast %get3A_359 : vector<1x16xf32> to vector<16xf32>
        %get3A_361 = arith.index_cast %scan3A_156 : i32 to index
        %get3A_362 = arith.index_cast %mul3A_356 : i32 to index
        %get3A_363 = tpu.vector_load %arg13[%get3A_361, %get3A_362] {strides = array<i32>} : memref<16x768xf32, #tpu.memory_space<vmem>>, vector<1x16xf32>,
        %get3A_364 = vector.shape_cast %get3A_363 : vector<1x16xf32> to vector<16xf32>
        %mul3A_365 = arith.mulf %get3A_160, %get3A_364 : vector<16xf32>
        %add3A_366 = arith.addf %get3A_360, %mul3A_365 : vector<16xf32>
        %get3A_367 = arith.index_cast %scan3A_156 : i32 to index
        %get3A_368 = arith.index_cast %mul3A_356 : i32 to index
        %get3A_369 = tpu.vector_load %arg14[%get3A_367, %get3A_368] {strides = array<i32>} : memref<16x768xf32, #tpu.memory_space<vmem>>, vector<1x16xf32>,
        %get3A_370 = vector.shape_cast %get3A_369 : vector<1x16xf32> to vector<16xf32>
        %mul3A_371 = arith.mulf %get3A_164, %get3A_370 : vector<16xf32>
        %add3A_372 = arith.addf %add3A_366, %mul3A_371 : vector<16xf32>
        %swap3A_373 = arith.index_cast %scan3A_156 : i32 to index
        %swap3A_374 = arith.index_cast %mul3A_356 : i32 to index
        %swap3A_375 = tpu.vector_load %arg15[%swap3A_373, %swap3A_374] {strides = array<i32>} : memref<16x768xf32, #tpu.memory_space<vmem>>, vector<1x16xf32>,
        %swap3A_376 = vector.shape_cast %swap3A_375 : vector<1x16xf32> to vector<16xf32>
        %swap3A_377 = vector.shape_cast %add3A_372 : vector<16xf32> to vector<1x16xf32>
        tpu.vector_store %arg15[%swap3A_373, %swap3A_374], %swap3A_377 {strides = array<i32>} : memref<16x768xf32, #tpu.memory_space<vmem>>, vector<1x16xf32>,
        %scan3A_378 = arith.constant 0 : i32
        scf.yield %scan3A_378 : i32
      }
      %scan3A_171 = arith.constant 48 : i32
      scf.yield %scan3A_170 : i32
    }
    %scan3A_40 = arith.constant 16 : i32
    %add3A_41 = arith.constant 0 : i32
    %add3A_42 = arith.addi %mul3A_2, %add3A_41 : i32
    %dma_start3A_43 = arith.constant 0 : i32
    %dma_start3A_44 = tpu.memref_slice %arg8[%add3A_42, %dma_start3A_43] : memref<2048x768xf32, #tpu.memory_space<hbm>> -> memref<16x768xf32, #tpu.memory_space<hbm>>
    %dma_start3A_45 = arith.constant 0 : i32
    %dma_start3A_46 = tpu.memref_slice %arg8[%add3A_42, %dma_start3A_45] : memref<2048x768xf32, #tpu.memory_space<hbm>> -> memref<16x768xf32, #tpu.memory_space<hbm>>
    tpu.enqueue_dma source(%arg15 : memref<16x768xf32, #tpu.memory_space<vmem>>) target(%dma_start3A_46 : memref<16x768xf32, #tpu.memory_space<hbm>>) target_semaphore(%arg24 : memref<!tpu.dma_semaphore, #tpu.memory_space<semaphore_mem>>)
    %dma_wait3A_47 = arith.constant 0 : i32
    %dma_wait3A_48 = tpu.memref_slice %arg8[%add3A_42, %dma_wait3A_47] : memref<2048x768xf32, #tpu.memory_space<hbm>> -> memref<16x768xf32, #tpu.memory_space<hbm>>
    %dma_wait3A_49 = arith.constant 0 : i32
    %dma_wait3A_50 = tpu.memref_slice %arg8[%add3A_42, %dma_wait3A_49] : memref<2048x768xf32, #tpu.memory_space<hbm>> -> memref<16x768xf32, #tpu.memory_space<hbm>>
    tpu.wait_dma2 semaphore(%arg24 : memref<!tpu.dma_semaphore, #tpu.memory_space<semaphore_mem>>) src(%arg15 : memref<16x768xf32, #tpu.memory_space<vmem>>) dst(%dma_wait3A_50 : memref<16x768xf32, #tpu.memory_space<hbm>>)
    %add3A_51 = arith.constant 32 : i32
    %add3A_52 = arith.addi %mul3A_2, %add3A_51 : i32
    "tpu.region"() ({
      %run_scoped3A = tpu.sem_alloc : memref<!tpu.dma_semaphore, #tpu.memory_space<semaphore_mem>>
      %dma_start3A_156 = tpu.memref_slice %arg4[%add3A_52] : memref<2048xi32, #tpu.memory_space<hbm>> -> memref<16xi32, #tpu.memory_space<hbm>>
      %dma_start3A_157 = tpu.memref_slice %arg4[%add3A_52] : memref<2048xi32, #tpu.memory_space<hbm>> -> memref<16xi32, #tpu.memory_space<hbm>>
      tpu.enqueue_dma source(%dma_start3A_157 : memref<16xi32, #tpu.memory_space<hbm>>) target(%arg9 : memref<16xi32, #tpu.memory_space<vmem>>) target_semaphore(%run_scoped3A : memref<!tpu.dma_semaphore, #tpu.memory_space<semaphore_mem>>)
      %dma_wait3A_158 = tpu.memref_slice %arg4[%add3A_52] : memref<2048xi32, #tpu.memory_space<hbm>> -> memref<16xi32, #tpu.memory_space<hbm>>
      %dma_wait3A_159 = tpu.memref_slice %arg4[%add3A_52] : memref<2048xi32, #tpu.memory_space<hbm>> -> memref<16xi32, #tpu.memory_space<hbm>>
      tpu.wait_dma2 semaphore(%run_scoped3A : memref<!tpu.dma_semaphore, #tpu.memory_space<semaphore_mem>>) src(%dma_wait3A_159 : memref<16xi32, #tpu.memory_space<hbm>>) dst(%arg9 : memref<16xi32, #tpu.memory_space<vmem>>)
      tpu.yield
    }) : () -> ()
    "tpu.region"() ({
      %run_scoped3A = tpu.sem_alloc : memref<!tpu.dma_semaphore, #tpu.memory_space<semaphore_mem>>
      %dma_start3A_156 = tpu.memref_slice %arg5[%add3A_52] : memref<2048xi32, #tpu.memory_space<hbm>> -> memref<16xi32, #tpu.memory_space<hbm>>
      %dma_start3A_157 = tpu.memref_slice %arg5[%add3A_52] : memref<2048xi32, #tpu.memory_space<hbm>> -> memref<16xi32, #tpu.memory_space<hbm>>
      tpu.enqueue_dma source(%dma_start3A_157 : memref<16xi32, #tpu.memory_space<hbm>>) target(%arg10 : memref<16xi32, #tpu.memory_space<vmem>>) target_semaphore(%run_scoped3A : memref<!tpu.dma_semaphore, #tpu.memory_space<semaphore_mem>>)
      %dma_wait3A_158 = tpu.memref_slice %arg5[%add3A_52] : memref<2048xi32, #tpu.memory_space<hbm>> -> memref<16xi32, #tpu.memory_space<hbm>>
      %dma_wait3A_159 = tpu.memref_slice %arg5[%add3A_52] : memref<2048xi32, #tpu.memory_space<hbm>> -> memref<16xi32, #tpu.memory_space<hbm>>
      tpu.wait_dma2 semaphore(%run_scoped3A : memref<!tpu.dma_semaphore, #tpu.memory_space<semaphore_mem>>) src(%dma_wait3A_159 : memref<16xi32, #tpu.memory_space<hbm>>) dst(%arg10 : memref<16xi32, #tpu.memory_space<vmem>>)
      tpu.yield
    }) : () -> ()
    "tpu.region"() ({
      %run_scoped3A = tpu.sem_alloc : memref<!tpu.dma_semaphore, #tpu.memory_space<semaphore_mem>>
      %dma_start3A_156 = arith.constant 0 : i32
      %dma_start3A_157 = tpu.memref_slice %arg6[%add3A_52, %dma_start3A_156] : memref<2048x16xf32, #tpu.memory_space<hbm>> -> memref<16x16xf32, #tpu.memory_space<hbm>>
      %dma_start3A_158 = arith.constant 0 : i32
      %dma_start3A_159 = tpu.memref_slice %arg6[%add3A_52, %dma_start3A_158] : memref<2048x16xf32, #tpu.memory_space<hbm>> -> memref<16x16xf32, #tpu.memory_space<hbm>>
      tpu.enqueue_dma source(%dma_start3A_159 : memref<16x16xf32, #tpu.memory_space<hbm>>) target(%arg11 : memref<16x16xf32, #tpu.memory_space<vmem>>) target_semaphore(%run_scoped3A : memref<!tpu.dma_semaphore, #tpu.memory_space<semaphore_mem>>)
      %dma_wait3A_160 = arith.constant 0 : i32
      %dma_wait3A_161 = tpu.memref_slice %arg6[%add3A_52, %dma_wait3A_160] : memref<2048x16xf32, #tpu.memory_space<hbm>> -> memref<16x16xf32, #tpu.memory_space<hbm>>
      %dma_wait3A_162 = arith.constant 0 : i32
      %dma_wait3A_163 = tpu.memref_slice %arg6[%add3A_52, %dma_wait3A_162] : memref<2048x16xf32, #tpu.memory_space<hbm>> -> memref<16x16xf32, #tpu.memory_space<hbm>>
      tpu.wait_dma2 semaphore(%run_scoped3A : memref<!tpu.dma_semaphore, #tpu.memory_space<semaphore_mem>>) src(%dma_wait3A_163 : memref<16x16xf32, #tpu.memory_space<hbm>>) dst(%arg11 : memref<16x16xf32, #tpu.memory_space<vmem>>)
      tpu.yield
    }) : () -> ()
    "tpu.region"() ({
      %run_scoped3A = tpu.sem_alloc : memref<!tpu.dma_semaphore, #tpu.memory_space<semaphore_mem>>
      %dma_start3A_156 = arith.constant 0 : i32
      %dma_start3A_157 = tpu.memref_slice %arg7[%add3A_52, %dma_start3A_156] : memref<2048x16xf32, #tpu.memory_space<hbm>> -> memref<16x16xf32, #tpu.memory_space<hbm>>
      %dma_start3A_158 = arith.constant 0 : i32
      %dma_start3A_159 = tpu.memref_slice %arg7[%add3A_52, %dma_start3A_158] : memref<2048x16xf32, #tpu.memory_space<hbm>> -> memref<16x16xf32, #tpu.memory_space<hbm>>
      tpu.enqueue_dma source(%dma_start3A_159 : memref<16x16xf32, #tpu.memory_space<hbm>>) target(%arg12 : memref<16x16xf32, #tpu.memory_space<vmem>>) target_semaphore(%run_scoped3A : memref<!tpu.dma_semaphore, #tpu.memory_space<semaphore_mem>>)
      %dma_wait3A_160 = arith.constant 0 : i32
      %dma_wait3A_161 = tpu.memref_slice %arg7[%add3A_52, %dma_wait3A_160] : memref<2048x16xf32, #tpu.memory_space<hbm>> -> memref<16x16xf32, #tpu.memory_space<hbm>>
      %dma_wait3A_162 = arith.constant 0 : i32
      %dma_wait3A_163 = tpu.memref_slice %arg7[%add3A_52, %dma_wait3A_162] : memref<2048x16xf32, #tpu.memory_space<hbm>> -> memref<16x16xf32, #tpu.memory_space<hbm>>
      tpu.wait_dma2 semaphore(%run_scoped3A : memref<!tpu.dma_semaphore, #tpu.memory_space<semaphore_mem>>) src(%dma_wait3A_163 : memref<16x16xf32, #tpu.memory_space<hbm>>) dst(%arg12 : memref<16x16xf32, #tpu.memory_space<vmem>>)
      tpu.yield
    }) : () -> ()
    %dma_start3A_53 = arith.constant 0 : i32
    %dma_start3A_54 = arith.constant 0 : i32
    %dma_start3A_55 = tpu.memref_slice %arg3[%dma_start3A_53, %dma_start3A_54] : memref<12160x768xf32, #tpu.memory_space<hbm>> -> memref<12160x768xf32, #tpu.memory_space<hbm>>
    tpu.enqueue_indirect_dma source(%dma_start3A_55 : memref<12160x768xf32, #tpu.memory_space<hbm>>) target(%arg13 : memref<16x768xf32, #tpu.memory_space<vmem>>) offsets(%arg9 : memref<16xi32, #tpu.memory_space<vmem>>) semaphore(%arg23 : memref<!tpu.dma_semaphore, #tpu.memory_space<semaphore_mem>>)
    %dma_start3A_56 = arith.constant 0 : i32
    %dma_start3A_57 = arith.constant 0 : i32
    %dma_start3A_58 = tpu.memref_slice %arg3[%dma_start3A_56, %dma_start3A_57] : memref<12160x768xf32, #tpu.memory_space<hbm>> -> memref<12160x768xf32, #tpu.memory_space<hbm>>
    tpu.enqueue_indirect_dma source(%dma_start3A_58 : memref<12160x768xf32, #tpu.memory_space<hbm>>) target(%arg14 : memref<16x768xf32, #tpu.memory_space<vmem>>) offsets(%arg10 : memref<16xi32, #tpu.memory_space<vmem>>) semaphore(%arg23 : memref<!tpu.dma_semaphore, #tpu.memory_space<semaphore_mem>>)
    %dma_start3A_59 = arith.constant 0 : i32
    %dma_start3A_60 = tpu.memref_slice %arg2[%add3A_52, %dma_start3A_59] : memref<2048x768xf32, #tpu.memory_space<hbm>> -> memref<16x768xf32, #tpu.memory_space<hbm>>
    %dma_start3A_61 = arith.constant 0 : i32
    %dma_start3A_62 = tpu.memref_slice %arg2[%add3A_52, %dma_start3A_61] : memref<2048x768xf32, #tpu.memory_space<hbm>> -> memref<16x768xf32, #tpu.memory_space<hbm>>
    tpu.enqueue_dma source(%dma_start3A_62 : memref<16x768xf32, #tpu.memory_space<hbm>>) target(%arg15 : memref<16x768xf32, #tpu.memory_space<vmem>>) target_semaphore(%arg23 : memref<!tpu.dma_semaphore, #tpu.memory_space<semaphore_mem>>)
    %dma_wait3A_63 = arith.constant 0 : i32
    %dma_wait3A_64 = arith.constant 0 : i32
    %dma_wait3A_65 = tpu.memref_slice %arg3[%dma_wait3A_63, %dma_wait3A_64] : memref<12160x768xf32, #tpu.memory_space<hbm>> -> memref<12160x768xf32, #tpu.memory_space<hbm>>
    tpu.wait_indirect_dma semaphore(%arg23 : memref<!tpu.dma_semaphore, #tpu.memory_space<semaphore_mem>>) src(%dma_wait3A_65 : memref<12160x768xf32, #tpu.memory_space<hbm>>) dst(%arg20 : memref<16x768xf32, #tpu.memory_space<vmem>>)
    %dma_wait3A_66 = arith.constant 0 : i32
    %dma_wait3A_67 = arith.constant 0 : i32
    %dma_wait3A_68 = tpu.memref_slice %arg3[%dma_wait3A_66, %dma_wait3A_67] : memref<12160x768xf32, #tpu.memory_space<hbm>> -> memref<12160x768xf32, #tpu.memory_space<hbm>>
    tpu.wait_indirect_dma semaphore(%arg23 : memref<!tpu.dma_semaphore, #tpu.memory_space<semaphore_mem>>) src(%dma_wait3A_68 : memref<12160x768xf32, #tpu.memory_space<hbm>>) dst(%arg21 : memref<16x768xf32, #tpu.memory_space<vmem>>)
    %dma_wait3A_69 = arith.constant 0 : i32
    %dma_wait3A_70 = tpu.memref_slice %arg2[%add3A_15, %dma_wait3A_69] : memref<2048x768xf32, #tpu.memory_space<hbm>> -> memref<16x768xf32, #tpu.memory_space<hbm>>
    %dma_wait3A_71 = arith.constant 0 : i32
    %dma_wait3A_72 = tpu.memref_slice %arg2[%add3A_15, %dma_wait3A_71] : memref<2048x768xf32, #tpu.memory_space<hbm>> -> memref<16x768xf32, #tpu.memory_space<hbm>>
    tpu.wait_dma2 semaphore(%arg23 : memref<!tpu.dma_semaphore, #tpu.memory_space<semaphore_mem>>) src(%dma_wait3A_72 : memref<16x768xf32, #tpu.memory_space<hbm>>) dst(%arg22 : memref<16x768xf32, #tpu.memory_space<vmem>>)
    %scan3A_73 = arith.constant 0 : i32
    %scan3A_74 = arith.constant 0 : i32
    %scan3A_75 = arith.constant 16 : i32
    %scan3A_76 = arith.addi %scan3A_74, %scan3A_75 : i32
    %scan3A_77 = arith.constant 1 : i32
    %scan3A_78 = scf.for %scan3A_156 = %scan3A_74 to %scan3A_76 step %scan3A_77 iter_args(%scan3A_157 = %scan3A_73) -> (i32)  : i32 {
      %get3A = arith.index_cast %scan3A_156 : i32 to index
      %get3A_158 = arith.constant 0 : index
      %get3A_159 = tpu.vector_load %arg18[%get3A, %get3A_158] {strides = array<i32>} : memref<16x16xf32, #tpu.memory_space<vmem>>, vector<1x16xf32>,
      %get3A_160 = vector.shape_cast %get3A_159 : vector<1x16xf32> to vector<16xf32>
      %get3A_161 = arith.index_cast %scan3A_156 : i32 to index
      %get3A_162 = arith.constant 0 : index
      %get3A_163 = tpu.vector_load %arg19[%get3A_161, %get3A_162] {strides = array<i32>} : memref<16x16xf32, #tpu.memory_space<vmem>>, vector<1x16xf32>,
      %get3A_164 = vector.shape_cast %get3A_163 : vector<1x16xf32> to vector<16xf32>
      %scan3A_165 = arith.constant 0 : i32
      %scan3A_166 = arith.constant 0 : i32
      %scan3A_167 = arith.constant 48 : i32
      %scan3A_168 = arith.addi %scan3A_166, %scan3A_167 : i32
      %scan3A_169 = arith.constant 8 : i32
      %scan3A_170 = scf.for %scan3A_172 = %scan3A_166 to %scan3A_168 step %scan3A_169 iter_args(%scan3A_173 = %scan3A_165) -> (i32)  : i32 {
        %mul3A_174 = arith.constant 16 : i32
        %mul3A_175 = arith.muli %scan3A_172, %mul3A_174 : i32
        %get3A_176 = arith.index_cast %scan3A_156 : i32 to index
        %get3A_177 = arith.index_cast %mul3A_175 : i32 to index
        %get3A_178 = tpu.vector_load %arg22[%get3A_176, %get3A_177] {strides = array<i32>} : memref<16x768xf32, #tpu.memory_space<vmem>>, vector<1x16xf32>,
        %get3A_179 = vector.shape_cast %get3A_178 : vector<1x16xf32> to vector<16xf32>
        %get3A_180 = arith.index_cast %scan3A_156 : i32 to index
        %get3A_181 = arith.index_cast %mul3A_175 : i32 to index
        %get3A_182 = tpu.vector_load %arg20[%get3A_180, %get3A_181] {strides = array<i32>} : memref<16x768xf32, #tpu.memory_space<vmem>>, vector<1x16xf32>,
        %get3A_183 = vector.shape_cast %get3A_182 : vector<1x16xf32> to vector<16xf32>
        %mul3A_184 = arith.mulf %get3A_160, %get3A_183 : vector<16xf32>
        %add3A_185 = arith.addf %get3A_179, %mul3A_184 : vector<16xf32>
        %get3A_186 = arith.index_cast %scan3A_156 : i32 to index
        %get3A_187 = arith.index_cast %mul3A_175 : i32 to index
        %get3A_188 = tpu.vector_load %arg21[%get3A_186, %get3A_187] {strides = array<i32>} : memref<16x768xf32, #tpu.memory_space<vmem>>, vector<1x16xf32>,
        %get3A_189 = vector.shape_cast %get3A_188 : vector<1x16xf32> to vector<16xf32>
        %mul3A_190 = arith.mulf %get3A_164, %get3A_189 : vector<16xf32>
        %add3A_191 = arith.addf %add3A_185, %mul3A_190 : vector<16xf32>
        %swap3A = arith.index_cast %scan3A_156 : i32 to index
        %swap3A_192 = arith.index_cast %mul3A_175 : i32 to index
        %swap3A_193 = tpu.vector_load %arg22[%swap3A, %swap3A_192] {strides = array<i32>} : memref<16x768xf32, #tpu.memory_space<vmem>>, vector<1x16xf32>,
        %swap3A_194 = vector.shape_cast %swap3A_193 : vector<1x16xf32> to vector<16xf32>
        %swap3A_195 = vector.shape_cast %add3A_191 : vector<16xf32> to vector<1x16xf32>
        tpu.vector_store %arg22[%swap3A, %swap3A_192], %swap3A_195 {strides = array<i32>} : memref<16x768xf32, #tpu.memory_space<vmem>>, vector<1x16xf32>,
        %scan3A_196 = arith.constant 0 : i32
        %scan3A_197 = arith.constant 1 : i32
        %scan3A_198 = arith.addi %scan3A_172, %scan3A_197 : i32
        %mul3A_199 = arith.constant 16 : i32
        %mul3A_200 = arith.muli %scan3A_198, %mul3A_199 : i32
        %get3A_201 = arith.index_cast %scan3A_156 : i32 to index
        %get3A_202 = arith.index_cast %mul3A_200 : i32 to index
        %get3A_203 = tpu.vector_load %arg22[%get3A_201, %get3A_202] {strides = array<i32>} : memref<16x768xf32, #tpu.memory_space<vmem>>, vector<1x16xf32>,
        %get3A_204 = vector.shape_cast %get3A_203 : vector<1x16xf32> to vector<16xf32>
        %get3A_205 = arith.index_cast %scan3A_156 : i32 to index
        %get3A_206 = arith.index_cast %mul3A_200 : i32 to index
        %get3A_207 = tpu.vector_load %arg20[%get3A_205, %get3A_206] {strides = array<i32>} : memref<16x768xf32, #tpu.memory_space<vmem>>, vector<1x16xf32>,
        %get3A_208 = vector.shape_cast %get3A_207 : vector<1x16xf32> to vector<16xf32>
        %mul3A_209 = arith.mulf %get3A_160, %get3A_208 : vector<16xf32>
        %add3A_210 = arith.addf %get3A_204, %mul3A_209 : vector<16xf32>
        %get3A_211 = arith.index_cast %scan3A_156 : i32 to index
        %get3A_212 = arith.index_cast %mul3A_200 : i32 to index
        %get3A_213 = tpu.vector_load %arg21[%get3A_211, %get3A_212] {strides = array<i32>} : memref<16x768xf32, #tpu.memory_space<vmem>>, vector<1x16xf32>,
        %get3A_214 = vector.shape_cast %get3A_213 : vector<1x16xf32> to vector<16xf32>
        %mul3A_215 = arith.mulf %get3A_164, %get3A_214 : vector<16xf32>
        %add3A_216 = arith.addf %add3A_210, %mul3A_215 : vector<16xf32>
        %swap3A_217 = arith.index_cast %scan3A_156 : i32 to index
        %swap3A_218 = arith.index_cast %mul3A_200 : i32 to index
        %swap3A_219 = tpu.vector_load %arg22[%swap3A_217, %swap3A_218] {strides = array<i32>} : memref<16x768xf32, #tpu.memory_space<vmem>>, vector<1x16xf32>,
        %swap3A_220 = vector.shape_cast %swap3A_219 : vector<1x16xf32> to vector<16xf32>
        %swap3A_221 = vector.shape_cast %add3A_216 : vector<16xf32> to vector<1x16xf32>
        tpu.vector_store %arg22[%swap3A_217, %swap3A_218], %swap3A_221 {strides = array<i32>} : memref<16x768xf32, #tpu.memory_space<vmem>>, vector<1x16xf32>,
        %scan3A_222 = arith.constant 0 : i32
        %scan3A_223 = arith.constant 2 : i32
        %scan3A_224 = arith.addi %scan3A_172, %scan3A_223 : i32
        %mul3A_225 = arith.constant 16 : i32
        %mul3A_226 = arith.muli %scan3A_224, %mul3A_225 : i32
        %get3A_227 = arith.index_cast %scan3A_156 : i32 to index
        %get3A_228 = arith.index_cast %mul3A_226 : i32 to index
        %get3A_229 = tpu.vector_load %arg22[%get3A_227, %get3A_228] {strides = array<i32>} : memref<16x768xf32, #tpu.memory_space<vmem>>, vector<1x16xf32>,
        %get3A_230 = vector.shape_cast %get3A_229 : vector<1x16xf32> to vector<16xf32>
        %get3A_231 = arith.index_cast %scan3A_156 : i32 to index
        %get3A_232 = arith.index_cast %mul3A_226 : i32 to index
        %get3A_233 = tpu.vector_load %arg20[%get3A_231, %get3A_232] {strides = array<i32>} : memref<16x768xf32, #tpu.memory_space<vmem>>, vector<1x16xf32>,
        %get3A_234 = vector.shape_cast %get3A_233 : vector<1x16xf32> to vector<16xf32>
        %mul3A_235 = arith.mulf %get3A_160, %get3A_234 : vector<16xf32>
        %add3A_236 = arith.addf %get3A_230, %mul3A_235 : vector<16xf32>
        %get3A_237 = arith.index_cast %scan3A_156 : i32 to index
        %get3A_238 = arith.index_cast %mul3A_226 : i32 to index
        %get3A_239 = tpu.vector_load %arg21[%get3A_237, %get3A_238] {strides = array<i32>} : memref<16x768xf32, #tpu.memory_space<vmem>>, vector<1x16xf32>,
        %get3A_240 = vector.shape_cast %get3A_239 : vector<1x16xf32> to vector<16xf32>
        %mul3A_241 = arith.mulf %get3A_164, %get3A_240 : vector<16xf32>
        %add3A_242 = arith.addf %add3A_236, %mul3A_241 : vector<16xf32>
        %swap3A_243 = arith.index_cast %scan3A_156 : i32 to index
        %swap3A_244 = arith.index_cast %mul3A_226 : i32 to index
        %swap3A_245 = tpu.vector_load %arg22[%swap3A_243, %swap3A_244] {strides = array<i32>} : memref<16x768xf32, #tpu.memory_space<vmem>>, vector<1x16xf32>,
        %swap3A_246 = vector.shape_cast %swap3A_245 : vector<1x16xf32> to vector<16xf32>
        %swap3A_247 = vector.shape_cast %add3A_242 : vector<16xf32> to vector<1x16xf32>
        tpu.vector_store %arg22[%swap3A_243, %swap3A_244], %swap3A_247 {strides = array<i32>} : memref<16x768xf32, #tpu.memory_space<vmem>>, vector<1x16xf32>,
        %scan3A_248 = arith.constant 0 : i32
        %scan3A_249 = arith.constant 3 : i32
        %scan3A_250 = arith.addi %scan3A_172, %scan3A_249 : i32
        %mul3A_251 = arith.constant 16 : i32
        %mul3A_252 = arith.muli %scan3A_250, %mul3A_251 : i32
        %get3A_253 = arith.index_cast %scan3A_156 : i32 to index
        %get3A_254 = arith.index_cast %mul3A_252 : i32 to index
        %get3A_255 = tpu.vector_load %arg22[%get3A_253, %get3A_254] {strides = array<i32>} : memref<16x768xf32, #tpu.memory_space<vmem>>, vector<1x16xf32>,
        %get3A_256 = vector.shape_cast %get3A_255 : vector<1x16xf32> to vector<16xf32>
        %get3A_257 = arith.index_cast %scan3A_156 : i32 to index
        %get3A_258 = arith.index_cast %mul3A_252 : i32 to index
        %get3A_259 = tpu.vector_load %arg20[%get3A_257, %get3A_258] {strides = array<i32>} : memref<16x768xf32, #tpu.memory_space<vmem>>, vector<1x16xf32>,
        %get3A_260 = vector.shape_cast %get3A_259 : vector<1x16xf32> to vector<16xf32>
        %mul3A_261 = arith.mulf %get3A_160, %get3A_260 : vector<16xf32>
        %add3A_262 = arith.addf %get3A_256, %mul3A_261 : vector<16xf32>
        %get3A_263 = arith.index_cast %scan3A_156 : i32 to index
        %get3A_264 = arith.index_cast %mul3A_252 : i32 to index
        %get3A_265 = tpu.vector_load %arg21[%get3A_263, %get3A_264] {strides = array<i32>} : memref<16x768xf32, #tpu.memory_space<vmem>>, vector<1x16xf32>,
        %get3A_266 = vector.shape_cast %get3A_265 : vector<1x16xf32> to vector<16xf32>
        %mul3A_267 = arith.mulf %get3A_164, %get3A_266 : vector<16xf32>
        %add3A_268 = arith.addf %add3A_262, %mul3A_267 : vector<16xf32>
        %swap3A_269 = arith.index_cast %scan3A_156 : i32 to index
        %swap3A_270 = arith.index_cast %mul3A_252 : i32 to index
        %swap3A_271 = tpu.vector_load %arg22[%swap3A_269, %swap3A_270] {strides = array<i32>} : memref<16x768xf32, #tpu.memory_space<vmem>>, vector<1x16xf32>,
        %swap3A_272 = vector.shape_cast %swap3A_271 : vector<1x16xf32> to vector<16xf32>
        %swap3A_273 = vector.shape_cast %add3A_268 : vector<16xf32> to vector<1x16xf32>
        tpu.vector_store %arg22[%swap3A_269, %swap3A_270], %swap3A_273 {strides = array<i32>} : memref<16x768xf32, #tpu.memory_space<vmem>>, vector<1x16xf32>,
        %scan3A_274 = arith.constant 0 : i32
        %scan3A_275 = arith.constant 4 : i32
        %scan3A_276 = arith.addi %scan3A_172, %scan3A_275 : i32
        %mul3A_277 = arith.constant 16 : i32
        %mul3A_278 = arith.muli %scan3A_276, %mul3A_277 : i32
        %get3A_279 = arith.index_cast %scan3A_156 : i32 to index
        %get3A_280 = arith.index_cast %mul3A_278 : i32 to index
        %get3A_281 = tpu.vector_load %arg22[%get3A_279, %get3A_280] {strides = array<i32>} : memref<16x768xf32, #tpu.memory_space<vmem>>, vector<1x16xf32>,
        %get3A_282 = vector.shape_cast %get3A_281 : vector<1x16xf32> to vector<16xf32>
        %get3A_283 = arith.index_cast %scan3A_156 : i32 to index
        %get3A_284 = arith.index_cast %mul3A_278 : i32 to index
        %get3A_285 = tpu.vector_load %arg20[%get3A_283, %get3A_284] {strides = array<i32>} : memref<16x768xf32, #tpu.memory_space<vmem>>, vector<1x16xf32>,
        %get3A_286 = vector.shape_cast %get3A_285 : vector<1x16xf32> to vector<16xf32>
        %mul3A_287 = arith.mulf %get3A_160, %get3A_286 : vector<16xf32>
        %add3A_288 = arith.addf %get3A_282, %mul3A_287 : vector<16xf32>
        %get3A_289 = arith.index_cast %scan3A_156 : i32 to index
        %get3A_290 = arith.index_cast %mul3A_278 : i32 to index
        %get3A_291 = tpu.vector_load %arg21[%get3A_289, %get3A_290] {strides = array<i32>} : memref<16x768xf32, #tpu.memory_space<vmem>>, vector<1x16xf32>,
        %get3A_292 = vector.shape_cast %get3A_291 : vector<1x16xf32> to vector<16xf32>
        %mul3A_293 = arith.mulf %get3A_164, %get3A_292 : vector<16xf32>
        %add3A_294 = arith.addf %add3A_288, %mul3A_293 : vector<16xf32>
        %swap3A_295 = arith.index_cast %scan3A_156 : i32 to index
        %swap3A_296 = arith.index_cast %mul3A_278 : i32 to index
        %swap3A_297 = tpu.vector_load %arg22[%swap3A_295, %swap3A_296] {strides = array<i32>} : memref<16x768xf32, #tpu.memory_space<vmem>>, vector<1x16xf32>,
        %swap3A_298 = vector.shape_cast %swap3A_297 : vector<1x16xf32> to vector<16xf32>
        %swap3A_299 = vector.shape_cast %add3A_294 : vector<16xf32> to vector<1x16xf32>
        tpu.vector_store %arg22[%swap3A_295, %swap3A_296], %swap3A_299 {strides = array<i32>} : memref<16x768xf32, #tpu.memory_space<vmem>>, vector<1x16xf32>,
        %scan3A_300 = arith.constant 0 : i32
        %scan3A_301 = arith.constant 5 : i32
        %scan3A_302 = arith.addi %scan3A_172, %scan3A_301 : i32
        %mul3A_303 = arith.constant 16 : i32
        %mul3A_304 = arith.muli %scan3A_302, %mul3A_303 : i32
        %get3A_305 = arith.index_cast %scan3A_156 : i32 to index
        %get3A_306 = arith.index_cast %mul3A_304 : i32 to index
        %get3A_307 = tpu.vector_load %arg22[%get3A_305, %get3A_306] {strides = array<i32>} : memref<16x768xf32, #tpu.memory_space<vmem>>, vector<1x16xf32>,
        %get3A_308 = vector.shape_cast %get3A_307 : vector<1x16xf32> to vector<16xf32>
        %get3A_309 = arith.index_cast %scan3A_156 : i32 to index
        %get3A_310 = arith.index_cast %mul3A_304 : i32 to index
        %get3A_311 = tpu.vector_load %arg20[%get3A_309, %get3A_310] {strides = array<i32>} : memref<16x768xf32, #tpu.memory_space<vmem>>, vector<1x16xf32>,
        %get3A_312 = vector.shape_cast %get3A_311 : vector<1x16xf32> to vector<16xf32>
        %mul3A_313 = arith.mulf %get3A_160, %get3A_312 : vector<16xf32>
        %add3A_314 = arith.addf %get3A_308, %mul3A_313 : vector<16xf32>
        %get3A_315 = arith.index_cast %scan3A_156 : i32 to index
        %get3A_316 = arith.index_cast %mul3A_304 : i32 to index
        %get3A_317 = tpu.vector_load %arg21[%get3A_315, %get3A_316] {strides = array<i32>} : memref<16x768xf32, #tpu.memory_space<vmem>>, vector<1x16xf32>,
        %get3A_318 = vector.shape_cast %get3A_317 : vector<1x16xf32> to vector<16xf32>
        %mul3A_319 = arith.mulf %get3A_164, %get3A_318 : vector<16xf32>
        %add3A_320 = arith.addf %add3A_314, %mul3A_319 : vector<16xf32>
        %swap3A_321 = arith.index_cast %scan3A_156 : i32 to index
        %swap3A_322 = arith.index_cast %mul3A_304 : i32 to index
        %swap3A_323 = tpu.vector_load %arg22[%swap3A_321, %swap3A_322] {strides = array<i32>} : memref<16x768xf32, #tpu.memory_space<vmem>>, vector<1x16xf32>,
        %swap3A_324 = vector.shape_cast %swap3A_323 : vector<1x16xf32> to vector<16xf32>
        %swap3A_325 = vector.shape_cast %add3A_320 : vector<16xf32> to vector<1x16xf32>
        tpu.vector_store %arg22[%swap3A_321, %swap3A_322], %swap3A_325 {strides = array<i32>} : memref<16x768xf32, #tpu.memory_space<vmem>>, vector<1x16xf32>,
        %scan3A_326 = arith.constant 0 : i32
        %scan3A_327 = arith.constant 6 : i32
        %scan3A_328 = arith.addi %scan3A_172, %scan3A_327 : i32
        %mul3A_329 = arith.constant 16 : i32
        %mul3A_330 = arith.muli %scan3A_328, %mul3A_329 : i32
        %get3A_331 = arith.index_cast %scan3A_156 : i32 to index
        %get3A_332 = arith.index_cast %mul3A_330 : i32 to index
        %get3A_333 = tpu.vector_load %arg22[%get3A_331, %get3A_332] {strides = array<i32>} : memref<16x768xf32, #tpu.memory_space<vmem>>, vector<1x16xf32>,
        %get3A_334 = vector.shape_cast %get3A_333 : vector<1x16xf32> to vector<16xf32>
        %get3A_335 = arith.index_cast %scan3A_156 : i32 to index
        %get3A_336 = arith.index_cast %mul3A_330 : i32 to index
        %get3A_337 = tpu.vector_load %arg20[%get3A_335, %get3A_336] {strides = array<i32>} : memref<16x768xf32, #tpu.memory_space<vmem>>, vector<1x16xf32>,
        %get3A_338 = vector.shape_cast %get3A_337 : vector<1x16xf32> to vector<16xf32>
        %mul3A_339 = arith.mulf %get3A_160, %get3A_338 : vector<16xf32>
        %add3A_340 = arith.addf %get3A_334, %mul3A_339 : vector<16xf32>
        %get3A_341 = arith.index_cast %scan3A_156 : i32 to index
        %get3A_342 = arith.index_cast %mul3A_330 : i32 to index
        %get3A_343 = tpu.vector_load %arg21[%get3A_341, %get3A_342] {strides = array<i32>} : memref<16x768xf32, #tpu.memory_space<vmem>>, vector<1x16xf32>,
        %get3A_344 = vector.shape_cast %get3A_343 : vector<1x16xf32> to vector<16xf32>
        %mul3A_345 = arith.mulf %get3A_164, %get3A_344 : vector<16xf32>
        %add3A_346 = arith.addf %add3A_340, %mul3A_345 : vector<16xf32>
        %swap3A_347 = arith.index_cast %scan3A_156 : i32 to index
        %swap3A_348 = arith.index_cast %mul3A_330 : i32 to index
        %swap3A_349 = tpu.vector_load %arg22[%swap3A_347, %swap3A_348] {strides = array<i32>} : memref<16x768xf32, #tpu.memory_space<vmem>>, vector<1x16xf32>,
        %swap3A_350 = vector.shape_cast %swap3A_349 : vector<1x16xf32> to vector<16xf32>
        %swap3A_351 = vector.shape_cast %add3A_346 : vector<16xf32> to vector<1x16xf32>
        tpu.vector_store %arg22[%swap3A_347, %swap3A_348], %swap3A_351 {strides = array<i32>} : memref<16x768xf32, #tpu.memory_space<vmem>>, vector<1x16xf32>,
        %scan3A_352 = arith.constant 0 : i32
        %scan3A_353 = arith.constant 7 : i32
        %scan3A_354 = arith.addi %scan3A_172, %scan3A_353 : i32
        %mul3A_355 = arith.constant 16 : i32
        %mul3A_356 = arith.muli %scan3A_354, %mul3A_355 : i32
        %get3A_357 = arith.index_cast %scan3A_156 : i32 to index
        %get3A_358 = arith.index_cast %mul3A_356 : i32 to index
        %get3A_359 = tpu.vector_load %arg22[%get3A_357, %get3A_358] {strides = array<i32>} : memref<16x768xf32, #tpu.memory_space<vmem>>, vector<1x16xf32>,
        %get3A_360 = vector.shape_cast %get3A_359 : vector<1x16xf32> to vector<16xf32>
        %get3A_361 = arith.index_cast %scan3A_156 : i32 to index
        %get3A_362 = arith.index_cast %mul3A_356 : i32 to index
        %get3A_363 = tpu.vector_load %arg20[%get3A_361, %get3A_362] {strides = array<i32>} : memref<16x768xf32, #tpu.memory_space<vmem>>, vector<1x16xf32>,
        %get3A_364 = vector.shape_cast %get3A_363 : vector<1x16xf32> to vector<16xf32>
        %mul3A_365 = arith.mulf %get3A_160, %get3A_364 : vector<16xf32>
        %add3A_366 = arith.addf %get3A_360, %mul3A_365 : vector<16xf32>
        %get3A_367 = arith.index_cast %scan3A_156 : i32 to index
        %get3A_368 = arith.index_cast %mul3A_356 : i32 to index
        %get3A_369 = tpu.vector_load %arg21[%get3A_367, %get3A_368] {strides = array<i32>} : memref<16x768xf32, #tpu.memory_space<vmem>>, vector<1x16xf32>,
        %get3A_370 = vector.shape_cast %get3A_369 : vector<1x16xf32> to vector<16xf32>
        %mul3A_371 = arith.mulf %get3A_164, %get3A_370 : vector<16xf32>
        %add3A_372 = arith.addf %add3A_366, %mul3A_371 : vector<16xf32>
        %swap3A_373 = arith.index_cast %scan3A_156 : i32 to index
        %swap3A_374 = arith.index_cast %mul3A_356 : i32 to index
        %swap3A_375 = tpu.vector_load %arg22[%swap3A_373, %swap3A_374] {strides = array<i32>} : memref<16x768xf32, #tpu.memory_space<vmem>>, vector<1x16xf32>,
        %swap3A_376 = vector.shape_cast %swap3A_375 : vector<1x16xf32> to vector<16xf32>
        %swap3A_377 = vector.shape_cast %add3A_372 : vector<16xf32> to vector<1x16xf32>
        tpu.vector_store %arg22[%swap3A_373, %swap3A_374], %swap3A_377 {strides = array<i32>} : memref<16x768xf32, #tpu.memory_space<vmem>>, vector<1x16xf32>,
        %scan3A_378 = arith.constant 0 : i32
        scf.yield %scan3A_378 : i32
      }
      %scan3A_171 = arith.constant 48 : i32
      scf.yield %scan3A_170 : i32
    }
    %scan3A_79 = arith.constant 16 : i32
    %add3A_80 = arith.constant 16 : i32
    %add3A_81 = arith.addi %mul3A_2, %add3A_80 : i32
    %dma_start3A_82 = arith.constant 0 : i32
    %dma_start3A_83 = tpu.memref_slice %arg8[%add3A_81, %dma_start3A_82] : memref<2048x768xf32, #tpu.memory_space<hbm>> -> memref<16x768xf32, #tpu.memory_space<hbm>>
    %dma_start3A_84 = arith.constant 0 : i32
    %dma_start3A_85 = tpu.memref_slice %arg8[%add3A_81, %dma_start3A_84] : memref<2048x768xf32, #tpu.memory_space<hbm>> -> memref<16x768xf32, #tpu.memory_space<hbm>>
    tpu.enqueue_dma source(%arg22 : memref<16x768xf32, #tpu.memory_space<vmem>>) target(%dma_start3A_85 : memref<16x768xf32, #tpu.memory_space<hbm>>) target_semaphore(%arg24 : memref<!tpu.dma_semaphore, #tpu.memory_space<semaphore_mem>>)
    %dma_wait3A_86 = arith.constant 0 : i32
    %dma_wait3A_87 = tpu.memref_slice %arg8[%add3A_81, %dma_wait3A_86] : memref<2048x768xf32, #tpu.memory_space<hbm>> -> memref<16x768xf32, #tpu.memory_space<hbm>>
    %dma_wait3A_88 = arith.constant 0 : i32
    %dma_wait3A_89 = tpu.memref_slice %arg8[%add3A_81, %dma_wait3A_88] : memref<2048x768xf32, #tpu.memory_space<hbm>> -> memref<16x768xf32, #tpu.memory_space<hbm>>
    tpu.wait_dma2 semaphore(%arg24 : memref<!tpu.dma_semaphore, #tpu.memory_space<semaphore_mem>>) src(%arg22 : memref<16x768xf32, #tpu.memory_space<vmem>>) dst(%dma_wait3A_89 : memref<16x768xf32, #tpu.memory_space<hbm>>)
    %add3A_90 = arith.constant 48 : i32
    %add3A_91 = arith.addi %mul3A_2, %add3A_90 : i32
    "tpu.region"() ({
      %run_scoped3A = tpu.sem_alloc : memref<!tpu.dma_semaphore, #tpu.memory_space<semaphore_mem>>
      %dma_start3A_156 = tpu.memref_slice %arg4[%add3A_91] : memref<2048xi32, #tpu.memory_space<hbm>> -> memref<16xi32, #tpu.memory_space<hbm>>
      %dma_start3A_157 = tpu.memref_slice %arg4[%add3A_91] : memref<2048xi32, #tpu.memory_space<hbm>> -> memref<16xi32, #tpu.memory_space<hbm>>
      tpu.enqueue_dma source(%dma_start3A_157 : memref<16xi32, #tpu.memory_space<hbm>>) target(%arg16 : memref<16xi32, #tpu.memory_space<vmem>>) target_semaphore(%run_scoped3A : memref<!tpu.dma_semaphore, #tpu.memory_space<semaphore_mem>>)
      %dma_wait3A_158 = tpu.memref_slice %arg4[%add3A_91] : memref<2048xi32, #tpu.memory_space<hbm>> -> memref<16xi32, #tpu.memory_space<hbm>>
      %dma_wait3A_159 = tpu.memref_slice %arg4[%add3A_91] : memref<2048xi32, #tpu.memory_space<hbm>> -> memref<16xi32, #tpu.memory_space<hbm>>
      tpu.wait_dma2 semaphore(%run_scoped3A : memref<!tpu.dma_semaphore, #tpu.memory_space<semaphore_mem>>) src(%dma_wait3A_159 : memref<16xi32, #tpu.memory_space<hbm>>) dst(%arg16 : memref<16xi32, #tpu.memory_space<vmem>>)
      tpu.yield
    }) : () -> ()
    "tpu.region"() ({
      %run_scoped3A = tpu.sem_alloc : memref<!tpu.dma_semaphore, #tpu.memory_space<semaphore_mem>>
      %dma_start3A_156 = tpu.memref_slice %arg5[%add3A_91] : memref<2048xi32, #tpu.memory_space<hbm>> -> memref<16xi32, #tpu.memory_space<hbm>>
      %dma_start3A_157 = tpu.memref_slice %arg5[%add3A_91] : memref<2048xi32, #tpu.memory_space<hbm>> -> memref<16xi32, #tpu.memory_space<hbm>>
      tpu.enqueue_dma source(%dma_start3A_157 : memref<16xi32, #tpu.memory_space<hbm>>) target(%arg17 : memref<16xi32, #tpu.memory_space<vmem>>) target_semaphore(%run_scoped3A : memref<!tpu.dma_semaphore, #tpu.memory_space<semaphore_mem>>)
      %dma_wait3A_158 = tpu.memref_slice %arg5[%add3A_91] : memref<2048xi32, #tpu.memory_space<hbm>> -> memref<16xi32, #tpu.memory_space<hbm>>
      %dma_wait3A_159 = tpu.memref_slice %arg5[%add3A_91] : memref<2048xi32, #tpu.memory_space<hbm>> -> memref<16xi32, #tpu.memory_space<hbm>>
      tpu.wait_dma2 semaphore(%run_scoped3A : memref<!tpu.dma_semaphore, #tpu.memory_space<semaphore_mem>>) src(%dma_wait3A_159 : memref<16xi32, #tpu.memory_space<hbm>>) dst(%arg17 : memref<16xi32, #tpu.memory_space<vmem>>)
      tpu.yield
    }) : () -> ()
    "tpu.region"() ({
      %run_scoped3A = tpu.sem_alloc : memref<!tpu.dma_semaphore, #tpu.memory_space<semaphore_mem>>
      %dma_start3A_156 = arith.constant 0 : i32
      %dma_start3A_157 = tpu.memref_slice %arg6[%add3A_91, %dma_start3A_156] : memref<2048x16xf32, #tpu.memory_space<hbm>> -> memref<16x16xf32, #tpu.memory_space<hbm>>
      %dma_start3A_158 = arith.constant 0 : i32
      %dma_start3A_159 = tpu.memref_slice %arg6[%add3A_91, %dma_start3A_158] : memref<2048x16xf32, #tpu.memory_space<hbm>> -> memref<16x16xf32, #tpu.memory_space<hbm>>
      tpu.enqueue_dma source(%dma_start3A_159 : memref<16x16xf32, #tpu.memory_space<hbm>>) target(%arg18 : memref<16x16xf32, #tpu.memory_space<vmem>>) target_semaphore(%run_scoped3A : memref<!tpu.dma_semaphore, #tpu.memory_space<semaphore_mem>>)
      %dma_wait3A_160 = arith.constant 0 : i32
      %dma_wait3A_161 = tpu.memref_slice %arg6[%add3A_91, %dma_wait3A_160] : memref<2048x16xf32, #tpu.memory_space<hbm>> -> memref<16x16xf32, #tpu.memory_space<hbm>>
      %dma_wait3A_162 = arith.constant 0 : i32
      %dma_wait3A_163 = tpu.memref_slice %arg6[%add3A_91, %dma_wait3A_162] : memref<2048x16xf32, #tpu.memory_space<hbm>> -> memref<16x16xf32, #tpu.memory_space<hbm>>
      tpu.wait_dma2 semaphore(%run_scoped3A : memref<!tpu.dma_semaphore, #tpu.memory_space<semaphore_mem>>) src(%dma_wait3A_163 : memref<16x16xf32, #tpu.memory_space<hbm>>) dst(%arg18 : memref<16x16xf32, #tpu.memory_space<vmem>>)
      tpu.yield
    }) : () -> ()
    "tpu.region"() ({
      %run_scoped3A = tpu.sem_alloc : memref<!tpu.dma_semaphore, #tpu.memory_space<semaphore_mem>>
      %dma_start3A_156 = arith.constant 0 : i32
      %dma_start3A_157 = tpu.memref_slice %arg7[%add3A_91, %dma_start3A_156] : memref<2048x16xf32, #tpu.memory_space<hbm>> -> memref<16x16xf32, #tpu.memory_space<hbm>>
      %dma_start3A_158 = arith.constant 0 : i32
      %dma_start3A_159 = tpu.memref_slice %arg7[%add3A_91, %dma_start3A_158] : memref<2048x16xf32, #tpu.memory_space<hbm>> -> memref<16x16xf32, #tpu.memory_space<hbm>>
      tpu.enqueue_dma source(%dma_start3A_159 : memref<16x16xf32, #tpu.memory_space<hbm>>) target(%arg19 : memref<16x16xf32, #tpu.memory_space<vmem>>) target_semaphore(%run_scoped3A : memref<!tpu.dma_semaphore, #tpu.memory_space<semaphore_mem>>)
      %dma_wait3A_160 = arith.constant 0 : i32
      %dma_wait3A_161 = tpu.memref_slice %arg7[%add3A_91, %dma_wait3A_160] : memref<2048x16xf32, #tpu.memory_space<hbm>> -> memref<16x16xf32, #tpu.memory_space<hbm>>
      %dma_wait3A_162 = arith.constant 0 : i32
      %dma_wait3A_163 = tpu.memref_slice %arg7[%add3A_91, %dma_wait3A_162] : memref<2048x16xf32, #tpu.memory_space<hbm>> -> memref<16x16xf32, #tpu.memory_space<hbm>>
      tpu.wait_dma2 semaphore(%run_scoped3A : memref<!tpu.dma_semaphore, #tpu.memory_space<semaphore_mem>>) src(%dma_wait3A_163 : memref<16x16xf32, #tpu.memory_space<hbm>>) dst(%arg19 : memref<16x16xf32, #tpu.memory_space<vmem>>)
      tpu.yield
    }) : () -> ()
    %dma_start3A_92 = arith.constant 0 : i32
    %dma_start3A_93 = arith.constant 0 : i32
    %dma_start3A_94 = tpu.memref_slice %arg3[%dma_start3A_92, %dma_start3A_93] : memref<12160x768xf32, #tpu.memory_space<hbm>> -> memref<12160x768xf32, #tpu.memory_space<hbm>>
    tpu.enqueue_indirect_dma source(%dma_start3A_94 : memref<12160x768xf32, #tpu.memory_space<hbm>>) target(%arg20 : memref<16x768xf32, #tpu.memory_space<vmem>>) offsets(%arg16 : memref<16xi32, #tpu.memory_space<vmem>>) semaphore(%arg23 : memref<!tpu.dma_semaphore, #tpu.memory_space<semaphore_mem>>)
    %dma_start3A_95 = arith.constant 0 : i32
    %dma_start3A_96 = arith.constant 0 : i32
    %dma_start3A_97 = tpu.memref_slice %arg3[%dma_start3A_95, %dma_start3A_96] : memref<12160x768xf32, #tpu.memory_space<hbm>> -> memref<12160x768xf32, #tpu.memory_space<hbm>>
    tpu.enqueue_indirect_dma source(%dma_start3A_97 : memref<12160x768xf32, #tpu.memory_space<hbm>>) target(%arg21 : memref<16x768xf32, #tpu.memory_space<vmem>>) offsets(%arg17 : memref<16xi32, #tpu.memory_space<vmem>>) semaphore(%arg23 : memref<!tpu.dma_semaphore, #tpu.memory_space<semaphore_mem>>)
    %dma_start3A_98 = arith.constant 0 : i32
    %dma_start3A_99 = tpu.memref_slice %arg2[%add3A_91, %dma_start3A_98] : memref<2048x768xf32, #tpu.memory_space<hbm>> -> memref<16x768xf32, #tpu.memory_space<hbm>>
    %dma_start3A_100 = arith.constant 0 : i32
    %dma_start3A_101 = tpu.memref_slice %arg2[%add3A_91, %dma_start3A_100] : memref<2048x768xf32, #tpu.memory_space<hbm>> -> memref<16x768xf32, #tpu.memory_space<hbm>>
    tpu.enqueue_dma source(%dma_start3A_101 : memref<16x768xf32, #tpu.memory_space<hbm>>) target(%arg22 : memref<16x768xf32, #tpu.memory_space<vmem>>) target_semaphore(%arg23 : memref<!tpu.dma_semaphore, #tpu.memory_space<semaphore_mem>>)
    %dma_wait3A_102 = arith.constant 0 : i32
    %dma_wait3A_103 = arith.constant 0 : i32
    %dma_wait3A_104 = tpu.memref_slice %arg3[%dma_wait3A_102, %dma_wait3A_103] : memref<12160x768xf32, #tpu.memory_space<hbm>> -> memref<12160x768xf32, #tpu.memory_space<hbm>>
    tpu.wait_indirect_dma semaphore(%arg23 : memref<!tpu.dma_semaphore, #tpu.memory_space<semaphore_mem>>) src(%dma_wait3A_104 : memref<12160x768xf32, #tpu.memory_space<hbm>>) dst(%arg13 : memref<16x768xf32, #tpu.memory_space<vmem>>)
    %dma_wait3A_105 = arith.constant 0 : i32
    %dma_wait3A_106 = arith.constant 0 : i32
    %dma_wait3A_107 = tpu.memref_slice %arg3[%dma_wait3A_105, %dma_wait3A_106] : memref<12160x768xf32, #tpu.memory_space<hbm>> -> memref<12160x768xf32, #tpu.memory_space<hbm>>
    tpu.wait_indirect_dma semaphore(%arg23 : memref<!tpu.dma_semaphore, #tpu.memory_space<semaphore_mem>>) src(%dma_wait3A_107 : memref<12160x768xf32, #tpu.memory_space<hbm>>) dst(%arg14 : memref<16x768xf32, #tpu.memory_space<vmem>>)
    %dma_wait3A_108 = arith.constant 0 : i32
    %dma_wait3A_109 = tpu.memref_slice %arg2[%add3A_52, %dma_wait3A_108] : memref<2048x768xf32, #tpu.memory_space<hbm>> -> memref<16x768xf32, #tpu.memory_space<hbm>>
    %dma_wait3A_110 = arith.constant 0 : i32
    %dma_wait3A_111 = tpu.memref_slice %arg2[%add3A_52, %dma_wait3A_110] : memref<2048x768xf32, #tpu.memory_space<hbm>> -> memref<16x768xf32, #tpu.memory_space<hbm>>
    tpu.wait_dma2 semaphore(%arg23 : memref<!tpu.dma_semaphore, #tpu.memory_space<semaphore_mem>>) src(%dma_wait3A_111 : memref<16x768xf32, #tpu.memory_space<hbm>>) dst(%arg15 : memref<16x768xf32, #tpu.memory_space<vmem>>)
    %scan3A_112 = arith.constant 0 : i32
    %scan3A_113 = arith.constant 0 : i32
    %scan3A_114 = arith.constant 16 : i32
    %scan3A_115 = arith.addi %scan3A_113, %scan3A_114 : i32
    %scan3A_116 = arith.constant 1 : i32
    %scan3A_117 = scf.for %scan3A_156 = %scan3A_113 to %scan3A_115 step %scan3A_116 iter_args(%scan3A_157 = %scan3A_112) -> (i32)  : i32 {
      %get3A = arith.index_cast %scan3A_156 : i32 to index
      %get3A_158 = arith.constant 0 : index
      %get3A_159 = tpu.vector_load %arg11[%get3A, %get3A_158] {strides = array<i32>} : memref<16x16xf32, #tpu.memory_space<vmem>>, vector<1x16xf32>,
      %get3A_160 = vector.shape_cast %get3A_159 : vector<1x16xf32> to vector<16xf32>
      %get3A_161 = arith.index_cast %scan3A_156 : i32 to index
      %get3A_162 = arith.constant 0 : index
      %get3A_163 = tpu.vector_load %arg12[%get3A_161, %get3A_162] {strides = array<i32>} : memref<16x16xf32, #tpu.memory_space<vmem>>, vector<1x16xf32>,
      %get3A_164 = vector.shape_cast %get3A_163 : vector<1x16xf32> to vector<16xf32>
      %scan3A_165 = arith.constant 0 : i32
      %scan3A_166 = arith.constant 0 : i32
      %scan3A_167 = arith.constant 48 : i32
      %scan3A_168 = arith.addi %scan3A_166, %scan3A_167 : i32
      %scan3A_169 = arith.constant 8 : i32
      %scan3A_170 = scf.for %scan3A_172 = %scan3A_166 to %scan3A_168 step %scan3A_169 iter_args(%scan3A_173 = %scan3A_165) -> (i32)  : i32 {
        %mul3A_174 = arith.constant 16 : i32
        %mul3A_175 = arith.muli %scan3A_172, %mul3A_174 : i32
        %get3A_176 = arith.index_cast %scan3A_156 : i32 to index
        %get3A_177 = arith.index_cast %mul3A_175 : i32 to index
        %get3A_178 = tpu.vector_load %arg15[%get3A_176, %get3A_177] {strides = array<i32>} : memref<16x768xf32, #tpu.memory_space<vmem>>, vector<1x16xf32>,
        %get3A_179 = vector.shape_cast %get3A_178 : vector<1x16xf32> to vector<16xf32>
        %get3A_180 = arith.index_cast %scan3A_156 : i32 to index
        %get3A_181 = arith.index_cast %mul3A_175 : i32 to index
        %get3A_182 = tpu.vector_load %arg13[%get3A_180, %get3A_181] {strides = array<i32>} : memref<16x768xf32, #tpu.memory_space<vmem>>, vector<1x16xf32>,
        %get3A_183 = vector.shape_cast %get3A_182 : vector<1x16xf32> to vector<16xf32>
        %mul3A_184 = arith.mulf %get3A_160, %get3A_183 : vector<16xf32>
        %add3A_185 = arith.addf %get3A_179, %mul3A_184 : vector<16xf32>
        %get3A_186 = arith.index_cast %scan3A_156 : i32 to index
        %get3A_187 = arith.index_cast %mul3A_175 : i32 to index
        %get3A_188 = tpu.vector_load %arg14[%get3A_186, %get3A_187] {strides = array<i32>} : memref<16x768xf32, #tpu.memory_space<vmem>>, vector<1x16xf32>,
        %get3A_189 = vector.shape_cast %get3A_188 : vector<1x16xf32> to vector<16xf32>
        %mul3A_190 = arith.mulf %get3A_164, %get3A_189 : vector<16xf32>
        %add3A_191 = arith.addf %add3A_185, %mul3A_190 : vector<16xf32>
        %swap3A = arith.index_cast %scan3A_156 : i32 to index
        %swap3A_192 = arith.index_cast %mul3A_175 : i32 to index
        %swap3A_193 = tpu.vector_load %arg15[%swap3A, %swap3A_192] {strides = array<i32>} : memref<16x768xf32, #tpu.memory_space<vmem>>, vector<1x16xf32>,
        %swap3A_194 = vector.shape_cast %swap3A_193 : vector<1x16xf32> to vector<16xf32>
        %swap3A_195 = vector.shape_cast %add3A_191 : vector<16xf32> to vector<1x16xf32>
        tpu.vector_store %arg15[%swap3A, %swap3A_192], %swap3A_195 {strides = array<i32>} : memref<16x768xf32, #tpu.memory_space<vmem>>, vector<1x16xf32>,
        %scan3A_196 = arith.constant 0 : i32
        %scan3A_197 = arith.constant 1 : i32
        %scan3A_198 = arith.addi %scan3A_172, %scan3A_197 : i32
        %mul3A_199 = arith.constant 16 : i32
        %mul3A_200 = arith.muli %scan3A_198, %mul3A_199 : i32
        %get3A_201 = arith.index_cast %scan3A_156 : i32 to index
        %get3A_202 = arith.index_cast %mul3A_200 : i32 to index
        %get3A_203 = tpu.vector_load %arg15[%get3A_201, %get3A_202] {strides = array<i32>} : memref<16x768xf32, #tpu.memory_space<vmem>>, vector<1x16xf32>,
        %get3A_204 = vector.shape_cast %get3A_203 : vector<1x16xf32> to vector<16xf32>
        %get3A_205 = arith.index_cast %scan3A_156 : i32 to index
        %get3A_206 = arith.index_cast %mul3A_200 : i32 to index
        %get3A_207 = tpu.vector_load %arg13[%get3A_205, %get3A_206] {strides = array<i32>} : memref<16x768xf32, #tpu.memory_space<vmem>>, vector<1x16xf32>,
        %get3A_208 = vector.shape_cast %get3A_207 : vector<1x16xf32> to vector<16xf32>
        %mul3A_209 = arith.mulf %get3A_160, %get3A_208 : vector<16xf32>
        %add3A_210 = arith.addf %get3A_204, %mul3A_209 : vector<16xf32>
        %get3A_211 = arith.index_cast %scan3A_156 : i32 to index
        %get3A_212 = arith.index_cast %mul3A_200 : i32 to index
        %get3A_213 = tpu.vector_load %arg14[%get3A_211, %get3A_212] {strides = array<i32>} : memref<16x768xf32, #tpu.memory_space<vmem>>, vector<1x16xf32>,
        %get3A_214 = vector.shape_cast %get3A_213 : vector<1x16xf32> to vector<16xf32>
        %mul3A_215 = arith.mulf %get3A_164, %get3A_214 : vector<16xf32>
        %add3A_216 = arith.addf %add3A_210, %mul3A_215 : vector<16xf32>
        %swap3A_217 = arith.index_cast %scan3A_156 : i32 to index
        %swap3A_218 = arith.index_cast %mul3A_200 : i32 to index
        %swap3A_219 = tpu.vector_load %arg15[%swap3A_217, %swap3A_218] {strides = array<i32>} : memref<16x768xf32, #tpu.memory_space<vmem>>, vector<1x16xf32>,
        %swap3A_220 = vector.shape_cast %swap3A_219 : vector<1x16xf32> to vector<16xf32>
        %swap3A_221 = vector.shape_cast %add3A_216 : vector<16xf32> to vector<1x16xf32>
        tpu.vector_store %arg15[%swap3A_217, %swap3A_218], %swap3A_221 {strides = array<i32>} : memref<16x768xf32, #tpu.memory_space<vmem>>, vector<1x16xf32>,
        %scan3A_222 = arith.constant 0 : i32
        %scan3A_223 = arith.constant 2 : i32
        %scan3A_224 = arith.addi %scan3A_172, %scan3A_223 : i32
        %mul3A_225 = arith.constant 16 : i32
        %mul3A_226 = arith.muli %scan3A_224, %mul3A_225 : i32
        %get3A_227 = arith.index_cast %scan3A_156 : i32 to index
        %get3A_228 = arith.index_cast %mul3A_226 : i32 to index
        %get3A_229 = tpu.vector_load %arg15[%get3A_227, %get3A_228] {strides = array<i32>} : memref<16x768xf32, #tpu.memory_space<vmem>>, vector<1x16xf32>,
        %get3A_230 = vector.shape_cast %get3A_229 : vector<1x16xf32> to vector<16xf32>
        %get3A_231 = arith.index_cast %scan3A_156 : i32 to index
        %get3A_232 = arith.index_cast %mul3A_226 : i32 to index
        %get3A_233 = tpu.vector_load %arg13[%get3A_231, %get3A_232] {strides = array<i32>} : memref<16x768xf32, #tpu.memory_space<vmem>>, vector<1x16xf32>,
        %get3A_234 = vector.shape_cast %get3A_233 : vector<1x16xf32> to vector<16xf32>
        %mul3A_235 = arith.mulf %get3A_160, %get3A_234 : vector<16xf32>
        %add3A_236 = arith.addf %get3A_230, %mul3A_235 : vector<16xf32>
        %get3A_237 = arith.index_cast %scan3A_156 : i32 to index
        %get3A_238 = arith.index_cast %mul3A_226 : i32 to index
        %get3A_239 = tpu.vector_load %arg14[%get3A_237, %get3A_238] {strides = array<i32>} : memref<16x768xf32, #tpu.memory_space<vmem>>, vector<1x16xf32>,
        %get3A_240 = vector.shape_cast %get3A_239 : vector<1x16xf32> to vector<16xf32>
        %mul3A_241 = arith.mulf %get3A_164, %get3A_240 : vector<16xf32>
        %add3A_242 = arith.addf %add3A_236, %mul3A_241 : vector<16xf32>
        %swap3A_243 = arith.index_cast %scan3A_156 : i32 to index
        %swap3A_244 = arith.index_cast %mul3A_226 : i32 to index
        %swap3A_245 = tpu.vector_load %arg15[%swap3A_243, %swap3A_244] {strides = array<i32>} : memref<16x768xf32, #tpu.memory_space<vmem>>, vector<1x16xf32>,
        %swap3A_246 = vector.shape_cast %swap3A_245 : vector<1x16xf32> to vector<16xf32>
        %swap3A_247 = vector.shape_cast %add3A_242 : vector<16xf32> to vector<1x16xf32>
        tpu.vector_store %arg15[%swap3A_243, %swap3A_244], %swap3A_247 {strides = array<i32>} : memref<16x768xf32, #tpu.memory_space<vmem>>, vector<1x16xf32>,
        %scan3A_248 = arith.constant 0 : i32
        %scan3A_249 = arith.constant 3 : i32
        %scan3A_250 = arith.addi %scan3A_172, %scan3A_249 : i32
        %mul3A_251 = arith.constant 16 : i32
        %mul3A_252 = arith.muli %scan3A_250, %mul3A_251 : i32
        %get3A_253 = arith.index_cast %scan3A_156 : i32 to index
        %get3A_254 = arith.index_cast %mul3A_252 : i32 to index
        %get3A_255 = tpu.vector_load %arg15[%get3A_253, %get3A_254] {strides = array<i32>} : memref<16x768xf32, #tpu.memory_space<vmem>>, vector<1x16xf32>,
        %get3A_256 = vector.shape_cast %get3A_255 : vector<1x16xf32> to vector<16xf32>
        %get3A_257 = arith.index_cast %scan3A_156 : i32 to index
        %get3A_258 = arith.index_cast %mul3A_252 : i32 to index
        %get3A_259 = tpu.vector_load %arg13[%get3A_257, %get3A_258] {strides = array<i32>} : memref<16x768xf32, #tpu.memory_space<vmem>>, vector<1x16xf32>,
        %get3A_260 = vector.shape_cast %get3A_259 : vector<1x16xf32> to vector<16xf32>
        %mul3A_261 = arith.mulf %get3A_160, %get3A_260 : vector<16xf32>
        %add3A_262 = arith.addf %get3A_256, %mul3A_261 : vector<16xf32>
        %get3A_263 = arith.index_cast %scan3A_156 : i32 to index
        %get3A_264 = arith.index_cast %mul3A_252 : i32 to index
        %get3A_265 = tpu.vector_load %arg14[%get3A_263, %get3A_264] {strides = array<i32>} : memref<16x768xf32, #tpu.memory_space<vmem>>, vector<1x16xf32>,
        %get3A_266 = vector.shape_cast %get3A_265 : vector<1x16xf32> to vector<16xf32>
        %mul3A_267 = arith.mulf %get3A_164, %get3A_266 : vector<16xf32>
        %add3A_268 = arith.addf %add3A_262, %mul3A_267 : vector<16xf32>
        %swap3A_269 = arith.index_cast %scan3A_156 : i32 to index
        %swap3A_270 = arith.index_cast %mul3A_252 : i32 to index
        %swap3A_271 = tpu.vector_load %arg15[%swap3A_269, %swap3A_270] {strides = array<i32>} : memref<16x768xf32, #tpu.memory_space<vmem>>, vector<1x16xf32>,
        %swap3A_272 = vector.shape_cast %swap3A_271 : vector<1x16xf32> to vector<16xf32>
        %swap3A_273 = vector.shape_cast %add3A_268 : vector<16xf32> to vector<1x16xf32>
        tpu.vector_store %arg15[%swap3A_269, %swap3A_270], %swap3A_273 {strides = array<i32>} : memref<16x768xf32, #tpu.memory_space<vmem>>, vector<1x16xf32>,
        %scan3A_274 = arith.constant 0 : i32
        %scan3A_275 = arith.constant 4 : i32
        %scan3A_276 = arith.addi %scan3A_172, %scan3A_275 : i32
        %mul3A_277 = arith.constant 16 : i32
        %mul3A_278 = arith.muli %scan3A_276, %mul3A_277 : i32
        %get3A_279 = arith.index_cast %scan3A_156 : i32 to index
        %get3A_280 = arith.index_cast %mul3A_278 : i32 to index
        %get3A_281 = tpu.vector_load %arg15[%get3A_279, %get3A_280] {strides = array<i32>} : memref<16x768xf32, #tpu.memory_space<vmem>>, vector<1x16xf32>,
        %get3A_282 = vector.shape_cast %get3A_281 : vector<1x16xf32> to vector<16xf32>
        %get3A_283 = arith.index_cast %scan3A_156 : i32 to index
        %get3A_284 = arith.index_cast %mul3A_278 : i32 to index
        %get3A_285 = tpu.vector_load %arg13[%get3A_283, %get3A_284] {strides = array<i32>} : memref<16x768xf32, #tpu.memory_space<vmem>>, vector<1x16xf32>,
        %get3A_286 = vector.shape_cast %get3A_285 : vector<1x16xf32> to vector<16xf32>
        %mul3A_287 = arith.mulf %get3A_160, %get3A_286 : vector<16xf32>
        %add3A_288 = arith.addf %get3A_282, %mul3A_287 : vector<16xf32>
        %get3A_289 = arith.index_cast %scan3A_156 : i32 to index
        %get3A_290 = arith.index_cast %mul3A_278 : i32 to index
        %get3A_291 = tpu.vector_load %arg14[%get3A_289, %get3A_290] {strides = array<i32>} : memref<16x768xf32, #tpu.memory_space<vmem>>, vector<1x16xf32>,
        %get3A_292 = vector.shape_cast %get3A_291 : vector<1x16xf32> to vector<16xf32>
        %mul3A_293 = arith.mulf %get3A_164, %get3A_292 : vector<16xf32>
        %add3A_294 = arith.addf %add3A_288, %mul3A_293 : vector<16xf32>
        %swap3A_295 = arith.index_cast %scan3A_156 : i32 to index
        %swap3A_296 = arith.index_cast %mul3A_278 : i32 to index
        %swap3A_297 = tpu.vector_load %arg15[%swap3A_295, %swap3A_296] {strides = array<i32>} : memref<16x768xf32, #tpu.memory_space<vmem>>, vector<1x16xf32>,
        %swap3A_298 = vector.shape_cast %swap3A_297 : vector<1x16xf32> to vector<16xf32>
        %swap3A_299 = vector.shape_cast %add3A_294 : vector<16xf32> to vector<1x16xf32>
        tpu.vector_store %arg15[%swap3A_295, %swap3A_296], %swap3A_299 {strides = array<i32>} : memref<16x768xf32, #tpu.memory_space<vmem>>, vector<1x16xf32>,
        %scan3A_300 = arith.constant 0 : i32
        %scan3A_301 = arith.constant 5 : i32
        %scan3A_302 = arith.addi %scan3A_172, %scan3A_301 : i32
        %mul3A_303 = arith.constant 16 : i32
        %mul3A_304 = arith.muli %scan3A_302, %mul3A_303 : i32
        %get3A_305 = arith.index_cast %scan3A_156 : i32 to index
        %get3A_306 = arith.index_cast %mul3A_304 : i32 to index
        %get3A_307 = tpu.vector_load %arg15[%get3A_305, %get3A_306] {strides = array<i32>} : memref<16x768xf32, #tpu.memory_space<vmem>>, vector<1x16xf32>,
        %get3A_308 = vector.shape_cast %get3A_307 : vector<1x16xf32> to vector<16xf32>
        %get3A_309 = arith.index_cast %scan3A_156 : i32 to index
        %get3A_310 = arith.index_cast %mul3A_304 : i32 to index
        %get3A_311 = tpu.vector_load %arg13[%get3A_309, %get3A_310] {strides = array<i32>} : memref<16x768xf32, #tpu.memory_space<vmem>>, vector<1x16xf32>,
        %get3A_312 = vector.shape_cast %get3A_311 : vector<1x16xf32> to vector<16xf32>
        %mul3A_313 = arith.mulf %get3A_160, %get3A_312 : vector<16xf32>
        %add3A_314 = arith.addf %get3A_308, %mul3A_313 : vector<16xf32>
        %get3A_315 = arith.index_cast %scan3A_156 : i32 to index
        %get3A_316 = arith.index_cast %mul3A_304 : i32 to index
        %get3A_317 = tpu.vector_load %arg14[%get3A_315, %get3A_316] {strides = array<i32>} : memref<16x768xf32, #tpu.memory_space<vmem>>, vector<1x16xf32>,
        %get3A_318 = vector.shape_cast %get3A_317 : vector<1x16xf32> to vector<16xf32>
        %mul3A_319 = arith.mulf %get3A_164, %get3A_318 : vector<16xf32>
        %add3A_320 = arith.addf %add3A_314, %mul3A_319 : vector<16xf32>
        %swap3A_321 = arith.index_cast %scan3A_156 : i32 to index
        %swap3A_322 = arith.index_cast %mul3A_304 : i32 to index
        %swap3A_323 = tpu.vector_load %arg15[%swap3A_321, %swap3A_322] {strides = array<i32>} : memref<16x768xf32, #tpu.memory_space<vmem>>, vector<1x16xf32>,
        %swap3A_324 = vector.shape_cast %swap3A_323 : vector<1x16xf32> to vector<16xf32>
        %swap3A_325 = vector.shape_cast %add3A_320 : vector<16xf32> to vector<1x16xf32>
        tpu.vector_store %arg15[%swap3A_321, %swap3A_322], %swap3A_325 {strides = array<i32>} : memref<16x768xf32, #tpu.memory_space<vmem>>, vector<1x16xf32>,
        %scan3A_326 = arith.constant 0 : i32
        %scan3A_327 = arith.constant 6 : i32
        %scan3A_328 = arith.addi %scan3A_172, %scan3A_327 : i32
        %mul3A_329 = arith.constant 16 : i32
        %mul3A_330 = arith.muli %scan3A_328, %mul3A_329 : i32
        %get3A_331 = arith.index_cast %scan3A_156 : i32 to index
        %get3A_332 = arith.index_cast %mul3A_330 : i32 to index
        %get3A_333 = tpu.vector_load %arg15[%get3A_331, %get3A_332] {strides = array<i32>} : memref<16x768xf32, #tpu.memory_space<vmem>>, vector<1x16xf32>,
        %get3A_334 = vector.shape_cast %get3A_333 : vector<1x16xf32> to vector<16xf32>
        %get3A_335 = arith.index_cast %scan3A_156 : i32 to index
        %get3A_336 = arith.index_cast %mul3A_330 : i32 to index
        %get3A_337 = tpu.vector_load %arg13[%get3A_335, %get3A_336] {strides = array<i32>} : memref<16x768xf32, #tpu.memory_space<vmem>>, vector<1x16xf32>,
        %get3A_338 = vector.shape_cast %get3A_337 : vector<1x16xf32> to vector<16xf32>
        %mul3A_339 = arith.mulf %get3A_160, %get3A_338 : vector<16xf32>
        %add3A_340 = arith.addf %get3A_334, %mul3A_339 : vector<16xf32>
        %get3A_341 = arith.index_cast %scan3A_156 : i32 to index
        %get3A_342 = arith.index_cast %mul3A_330 : i32 to index
        %get3A_343 = tpu.vector_load %arg14[%get3A_341, %get3A_342] {strides = array<i32>} : memref<16x768xf32, #tpu.memory_space<vmem>>, vector<1x16xf32>,
        %get3A_344 = vector.shape_cast %get3A_343 : vector<1x16xf32> to vector<16xf32>
        %mul3A_345 = arith.mulf %get3A_164, %get3A_344 : vector<16xf32>
        %add3A_346 = arith.addf %add3A_340, %mul3A_345 : vector<16xf32>
        %swap3A_347 = arith.index_cast %scan3A_156 : i32 to index
        %swap3A_348 = arith.index_cast %mul3A_330 : i32 to index
        %swap3A_349 = tpu.vector_load %arg15[%swap3A_347, %swap3A_348] {strides = array<i32>} : memref<16x768xf32, #tpu.memory_space<vmem>>, vector<1x16xf32>,
        %swap3A_350 = vector.shape_cast %swap3A_349 : vector<1x16xf32> to vector<16xf32>
        %swap3A_351 = vector.shape_cast %add3A_346 : vector<16xf32> to vector<1x16xf32>
        tpu.vector_store %arg15[%swap3A_347, %swap3A_348], %swap3A_351 {strides = array<i32>} : memref<16x768xf32, #tpu.memory_space<vmem>>, vector<1x16xf32>,
        %scan3A_352 = arith.constant 0 : i32
        %scan3A_353 = arith.constant 7 : i32
        %scan3A_354 = arith.addi %scan3A_172, %scan3A_353 : i32
        %mul3A_355 = arith.constant 16 : i32
        %mul3A_356 = arith.muli %scan3A_354, %mul3A_355 : i32
        %get3A_357 = arith.index_cast %scan3A_156 : i32 to index
        %get3A_358 = arith.index_cast %mul3A_356 : i32 to index
        %get3A_359 = tpu.vector_load %arg15[%get3A_357, %get3A_358] {strides = array<i32>} : memref<16x768xf32, #tpu.memory_space<vmem>>, vector<1x16xf32>,
        %get3A_360 = vector.shape_cast %get3A_359 : vector<1x16xf32> to vector<16xf32>
        %get3A_361 = arith.index_cast %scan3A_156 : i32 to index
        %get3A_362 = arith.index_cast %mul3A_356 : i32 to index
        %get3A_363 = tpu.vector_load %arg13[%get3A_361, %get3A_362] {strides = array<i32>} : memref<16x768xf32, #tpu.memory_space<vmem>>, vector<1x16xf32>,
        %get3A_364 = vector.shape_cast %get3A_363 : vector<1x16xf32> to vector<16xf32>
        %mul3A_365 = arith.mulf %get3A_160, %get3A_364 : vector<16xf32>
        %add3A_366 = arith.addf %get3A_360, %mul3A_365 : vector<16xf32>
        %get3A_367 = arith.index_cast %scan3A_156 : i32 to index
        %get3A_368 = arith.index_cast %mul3A_356 : i32 to index
        %get3A_369 = tpu.vector_load %arg14[%get3A_367, %get3A_368] {strides = array<i32>} : memref<16x768xf32, #tpu.memory_space<vmem>>, vector<1x16xf32>,
        %get3A_370 = vector.shape_cast %get3A_369 : vector<1x16xf32> to vector<16xf32>
        %mul3A_371 = arith.mulf %get3A_164, %get3A_370 : vector<16xf32>
        %add3A_372 = arith.addf %add3A_366, %mul3A_371 : vector<16xf32>
        %swap3A_373 = arith.index_cast %scan3A_156 : i32 to index
        %swap3A_374 = arith.index_cast %mul3A_356 : i32 to index
        %swap3A_375 = tpu.vector_load %arg15[%swap3A_373, %swap3A_374] {strides = array<i32>} : memref<16x768xf32, #tpu.memory_space<vmem>>, vector<1x16xf32>,
        %swap3A_376 = vector.shape_cast %swap3A_375 : vector<1x16xf32> to vector<16xf32>
        %swap3A_377 = vector.shape_cast %add3A_372 : vector<16xf32> to vector<1x16xf32>
        tpu.vector_store %arg15[%swap3A_373, %swap3A_374], %swap3A_377 {strides = array<i32>} : memref<16x768xf32, #tpu.memory_space<vmem>>, vector<1x16xf32>,
        %scan3A_378 = arith.constant 0 : i32
        scf.yield %scan3A_378 : i32
      }
      %scan3A_171 = arith.constant 48 : i32
      scf.yield %scan3A_170 : i32
    }
    %scan3A_118 = arith.constant 16 : i32
    %add3A_119 = arith.constant 32 : i32
    %add3A_120 = arith.addi %mul3A_2, %add3A_119 : i32
    %dma_start3A_121 = arith.constant 0 : i32
    %dma_start3A_122 = tpu.memref_slice %arg8[%add3A_120, %dma_start3A_121] : memref<2048x768xf32, #tpu.memory_space<hbm>> -> memref<16x768xf32, #tpu.memory_space<hbm>>
    %dma_start3A_123 = arith.constant 0 : i32
    %dma_start3A_124 = tpu.memref_slice %arg8[%add3A_120, %dma_start3A_123] : memref<2048x768xf32, #tpu.memory_space<hbm>> -> memref<16x768xf32, #tpu.memory_space<hbm>>
    tpu.enqueue_dma source(%arg15 : memref<16x768xf32, #tpu.memory_space<vmem>>) target(%dma_start3A_124 : memref<16x768xf32, #tpu.memory_space<hbm>>) target_semaphore(%arg24 : memref<!tpu.dma_semaphore, #tpu.memory_space<semaphore_mem>>)
    %dma_wait3A_125 = arith.constant 0 : i32
    %dma_wait3A_126 = arith.constant 0 : i32
    %dma_wait3A_127 = tpu.memref_slice %arg3[%dma_wait3A_125, %dma_wait3A_126] : memref<12160x768xf32, #tpu.memory_space<hbm>> -> memref<12160x768xf32, #tpu.memory_space<hbm>>
    tpu.wait_indirect_dma semaphore(%arg23 : memref<!tpu.dma_semaphore, #tpu.memory_space<semaphore_mem>>) src(%dma_wait3A_127 : memref<12160x768xf32, #tpu.memory_space<hbm>>) dst(%arg20 : memref<16x768xf32, #tpu.memory_space<vmem>>)
    %dma_wait3A_128 = arith.constant 0 : i32
    %dma_wait3A_129 = arith.constant 0 : i32
    %dma_wait3A_130 = tpu.memref_slice %arg3[%dma_wait3A_128, %dma_wait3A_129] : memref<12160x768xf32, #tpu.memory_space<hbm>> -> memref<12160x768xf32, #tpu.memory_space<hbm>>
    tpu.wait_indirect_dma semaphore(%arg23 : memref<!tpu.dma_semaphore, #tpu.memory_space<semaphore_mem>>) src(%dma_wait3A_130 : memref<12160x768xf32, #tpu.memory_space<hbm>>) dst(%arg21 : memref<16x768xf32, #tpu.memory_space<vmem>>)
    %dma_wait3A_131 = arith.constant 0 : i32
    %dma_wait3A_132 = tpu.memref_slice %arg2[%add3A_91, %dma_wait3A_131] : memref<2048x768xf32, #tpu.memory_space<hbm>> -> memref<16x768xf32, #tpu.memory_space<hbm>>
    %dma_wait3A_133 = arith.constant 0 : i32
    %dma_wait3A_134 = tpu.memref_slice %arg2[%add3A_91, %dma_wait3A_133] : memref<2048x768xf32, #tpu.memory_space<hbm>> -> memref<16x768xf32, #tpu.memory_space<hbm>>
    tpu.wait_dma2 semaphore(%arg23 : memref<!tpu.dma_semaphore, #tpu.memory_space<semaphore_mem>>) src(%dma_wait3A_134 : memref<16x768xf32, #tpu.memory_space<hbm>>) dst(%arg22 : memref<16x768xf32, #tpu.memory_space<vmem>>)
    %scan3A_135 = arith.constant 0 : i32
    %scan3A_136 = arith.constant 0 : i32
    %scan3A_137 = arith.constant 16 : i32
    %scan3A_138 = arith.addi %scan3A_136, %scan3A_137 : i32
    %scan3A_139 = arith.constant 1 : i32
    %scan3A_140 = scf.for %scan3A_156 = %scan3A_136 to %scan3A_138 step %scan3A_139 iter_args(%scan3A_157 = %scan3A_135) -> (i32)  : i32 {
      %get3A = arith.index_cast %scan3A_156 : i32 to index
      %get3A_158 = arith.constant 0 : index
      %get3A_159 = tpu.vector_load %arg18[%get3A, %get3A_158] {strides = array<i32>} : memref<16x16xf32, #tpu.memory_space<vmem>>, vector<1x16xf32>,
      %get3A_160 = vector.shape_cast %get3A_159 : vector<1x16xf32> to vector<16xf32>
      %get3A_161 = arith.index_cast %scan3A_156 : i32 to index
      %get3A_162 = arith.constant 0 : index
      %get3A_163 = tpu.vector_load %arg19[%get3A_161, %get3A_162] {strides = array<i32>} : memref<16x16xf32, #tpu.memory_space<vmem>>, vector<1x16xf32>,
      %get3A_164 = vector.shape_cast %get3A_163 : vector<1x16xf32> to vector<16xf32>
      %scan3A_165 = arith.constant 0 : i32
      %scan3A_166 = arith.constant 0 : i32
      %scan3A_167 = arith.constant 48 : i32
      %scan3A_168 = arith.addi %scan3A_166, %scan3A_167 : i32
      %scan3A_169 = arith.constant 8 : i32
      %scan3A_170 = scf.for %scan3A_172 = %scan3A_166 to %scan3A_168 step %scan3A_169 iter_args(%scan3A_173 = %scan3A_165) -> (i32)  : i32 {
        %mul3A_174 = arith.constant 16 : i32
        %mul3A_175 = arith.muli %scan3A_172, %mul3A_174 : i32
        %get3A_176 = arith.index_cast %scan3A_156 : i32 to index
        %get3A_177 = arith.index_cast %mul3A_175 : i32 to index
        %get3A_178 = tpu.vector_load %arg22[%get3A_176, %get3A_177] {strides = array<i32>} : memref<16x768xf32, #tpu.memory_space<vmem>>, vector<1x16xf32>,
        %get3A_179 = vector.shape_cast %get3A_178 : vector<1x16xf32> to vector<16xf32>
        %get3A_180 = arith.index_cast %scan3A_156 : i32 to index
        %get3A_181 = arith.index_cast %mul3A_175 : i32 to index
        %get3A_182 = tpu.vector_load %arg20[%get3A_180, %get3A_181] {strides = array<i32>} : memref<16x768xf32, #tpu.memory_space<vmem>>, vector<1x16xf32>,
        %get3A_183 = vector.shape_cast %get3A_182 : vector<1x16xf32> to vector<16xf32>
        %mul3A_184 = arith.mulf %get3A_160, %get3A_183 : vector<16xf32>
        %add3A_185 = arith.addf %get3A_179, %mul3A_184 : vector<16xf32>
        %get3A_186 = arith.index_cast %scan3A_156 : i32 to index
        %get3A_187 = arith.index_cast %mul3A_175 : i32 to index
        %get3A_188 = tpu.vector_load %arg21[%get3A_186, %get3A_187] {strides = array<i32>} : memref<16x768xf32, #tpu.memory_space<vmem>>, vector<1x16xf32>,
        %get3A_189 = vector.shape_cast %get3A_188 : vector<1x16xf32> to vector<16xf32>
        %mul3A_190 = arith.mulf %get3A_164, %get3A_189 : vector<16xf32>
        %add3A_191 = arith.addf %add3A_185, %mul3A_190 : vector<16xf32>
        %swap3A = arith.index_cast %scan3A_156 : i32 to index
        %swap3A_192 = arith.index_cast %mul3A_175 : i32 to index
        %swap3A_193 = tpu.vector_load %arg22[%swap3A, %swap3A_192] {strides = array<i32>} : memref<16x768xf32, #tpu.memory_space<vmem>>, vector<1x16xf32>,
        %swap3A_194 = vector.shape_cast %swap3A_193 : vector<1x16xf32> to vector<16xf32>
        %swap3A_195 = vector.shape_cast %add3A_191 : vector<16xf32> to vector<1x16xf32>
        tpu.vector_store %arg22[%swap3A, %swap3A_192], %swap3A_195 {strides = array<i32>} : memref<16x768xf32, #tpu.memory_space<vmem>>, vector<1x16xf32>,
        %scan3A_196 = arith.constant 0 : i32
        %scan3A_197 = arith.constant 1 : i32
        %scan3A_198 = arith.addi %scan3A_172, %scan3A_197 : i32
        %mul3A_199 = arith.constant 16 : i32
        %mul3A_200 = arith.muli %scan3A_198, %mul3A_199 : i32
        %get3A_201 = arith.index_cast %scan3A_156 : i32 to index
        %get3A_202 = arith.index_cast %mul3A_200 : i32 to index
        %get3A_203 = tpu.vector_load %arg22[%get3A_201, %get3A_202] {strides = array<i32>} : memref<16x768xf32, #tpu.memory_space<vmem>>, vector<1x16xf32>,
        %get3A_204 = vector.shape_cast %get3A_203 : vector<1x16xf32> to vector<16xf32>
        %get3A_205 = arith.index_cast %scan3A_156 : i32 to index
        %get3A_206 = arith.index_cast %mul3A_200 : i32 to index
        %get3A_207 = tpu.vector_load %arg20[%get3A_205, %get3A_206] {strides = array<i32>} : memref<16x768xf32, #tpu.memory_space<vmem>>, vector<1x16xf32>,
        %get3A_208 = vector.shape_cast %get3A_207 : vector<1x16xf32> to vector<16xf32>
        %mul3A_209 = arith.mulf %get3A_160, %get3A_208 : vector<16xf32>
        %add3A_210 = arith.addf %get3A_204, %mul3A_209 : vector<16xf32>
        %get3A_211 = arith.index_cast %scan3A_156 : i32 to index
        %get3A_212 = arith.index_cast %mul3A_200 : i32 to index
        %get3A_213 = tpu.vector_load %arg21[%get3A_211, %get3A_212] {strides = array<i32>} : memref<16x768xf32, #tpu.memory_space<vmem>>, vector<1x16xf32>,
        %get3A_214 = vector.shape_cast %get3A_213 : vector<1x16xf32> to vector<16xf32>
        %mul3A_215 = arith.mulf %get3A_164, %get3A_214 : vector<16xf32>
        %add3A_216 = arith.addf %add3A_210, %mul3A_215 : vector<16xf32>
        %swap3A_217 = arith.index_cast %scan3A_156 : i32 to index
        %swap3A_218 = arith.index_cast %mul3A_200 : i32 to index
        %swap3A_219 = tpu.vector_load %arg22[%swap3A_217, %swap3A_218] {strides = array<i32>} : memref<16x768xf32, #tpu.memory_space<vmem>>, vector<1x16xf32>,
        %swap3A_220 = vector.shape_cast %swap3A_219 : vector<1x16xf32> to vector<16xf32>
        %swap3A_221 = vector.shape_cast %add3A_216 : vector<16xf32> to vector<1x16xf32>
        tpu.vector_store %arg22[%swap3A_217, %swap3A_218], %swap3A_221 {strides = array<i32>} : memref<16x768xf32, #tpu.memory_space<vmem>>, vector<1x16xf32>,
        %scan3A_222 = arith.constant 0 : i32
        %scan3A_223 = arith.constant 2 : i32
        %scan3A_224 = arith.addi %scan3A_172, %scan3A_223 : i32
        %mul3A_225 = arith.constant 16 : i32
        %mul3A_226 = arith.muli %scan3A_224, %mul3A_225 : i32
        %get3A_227 = arith.index_cast %scan3A_156 : i32 to index
        %get3A_228 = arith.index_cast %mul3A_226 : i32 to index
        %get3A_229 = tpu.vector_load %arg22[%get3A_227, %get3A_228] {strides = array<i32>} : memref<16x768xf32, #tpu.memory_space<vmem>>, vector<1x16xf32>,
        %get3A_230 = vector.shape_cast %get3A_229 : vector<1x16xf32> to vector<16xf32>
        %get3A_231 = arith.index_cast %scan3A_156 : i32 to index
        %get3A_232 = arith.index_cast %mul3A_226 : i32 to index
        %get3A_233 = tpu.vector_load %arg20[%get3A_231, %get3A_232] {strides = array<i32>} : memref<16x768xf32, #tpu.memory_space<vmem>>, vector<1x16xf32>,
        %get3A_234 = vector.shape_cast %get3A_233 : vector<1x16xf32> to vector<16xf32>
        %mul3A_235 = arith.mulf %get3A_160, %get3A_234 : vector<16xf32>
        %add3A_236 = arith.addf %get3A_230, %mul3A_235 : vector<16xf32>
        %get3A_237 = arith.index_cast %scan3A_156 : i32 to index
        %get3A_238 = arith.index_cast %mul3A_226 : i32 to index
        %get3A_239 = tpu.vector_load %arg21[%get3A_237, %get3A_238] {strides = array<i32>} : memref<16x768xf32, #tpu.memory_space<vmem>>, vector<1x16xf32>,
        %get3A_240 = vector.shape_cast %get3A_239 : vector<1x16xf32> to vector<16xf32>
        %mul3A_241 = arith.mulf %get3A_164, %get3A_240 : vector<16xf32>
        %add3A_242 = arith.addf %add3A_236, %mul3A_241 : vector<16xf32>
        %swap3A_243 = arith.index_cast %scan3A_156 : i32 to index
        %swap3A_244 = arith.index_cast %mul3A_226 : i32 to index
        %swap3A_245 = tpu.vector_load %arg22[%swap3A_243, %swap3A_244] {strides = array<i32>} : memref<16x768xf32, #tpu.memory_space<vmem>>, vector<1x16xf32>,
        %swap3A_246 = vector.shape_cast %swap3A_245 : vector<1x16xf32> to vector<16xf32>
        %swap3A_247 = vector.shape_cast %add3A_242 : vector<16xf32> to vector<1x16xf32>
        tpu.vector_store %arg22[%swap3A_243, %swap3A_244], %swap3A_247 {strides = array<i32>} : memref<16x768xf32, #tpu.memory_space<vmem>>, vector<1x16xf32>,
        %scan3A_248 = arith.constant 0 : i32
        %scan3A_249 = arith.constant 3 : i32
        %scan3A_250 = arith.addi %scan3A_172, %scan3A_249 : i32
        %mul3A_251 = arith.constant 16 : i32
        %mul3A_252 = arith.muli %scan3A_250, %mul3A_251 : i32
        %get3A_253 = arith.index_cast %scan3A_156 : i32 to index
        %get3A_254 = arith.index_cast %mul3A_252 : i32 to index
        %get3A_255 = tpu.vector_load %arg22[%get3A_253, %get3A_254] {strides = array<i32>} : memref<16x768xf32, #tpu.memory_space<vmem>>, vector<1x16xf32>,
        %get3A_256 = vector.shape_cast %get3A_255 : vector<1x16xf32> to vector<16xf32>
        %get3A_257 = arith.index_cast %scan3A_156 : i32 to index
        %get3A_258 = arith.index_cast %mul3A_252 : i32 to index
        %get3A_259 = tpu.vector_load %arg20[%get3A_257, %get3A_258] {strides = array<i32>} : memref<16x768xf32, #tpu.memory_space<vmem>>, vector<1x16xf32>,
        %get3A_260 = vector.shape_cast %get3A_259 : vector<1x16xf32> to vector<16xf32>
        %mul3A_261 = arith.mulf %get3A_160, %get3A_260 : vector<16xf32>
        %add3A_262 = arith.addf %get3A_256, %mul3A_261 : vector<16xf32>
        %get3A_263 = arith.index_cast %scan3A_156 : i32 to index
        %get3A_264 = arith.index_cast %mul3A_252 : i32 to index
        %get3A_265 = tpu.vector_load %arg21[%get3A_263, %get3A_264] {strides = array<i32>} : memref<16x768xf32, #tpu.memory_space<vmem>>, vector<1x16xf32>,
        %get3A_266 = vector.shape_cast %get3A_265 : vector<1x16xf32> to vector<16xf32>
        %mul3A_267 = arith.mulf %get3A_164, %get3A_266 : vector<16xf32>
        %add3A_268 = arith.addf %add3A_262, %mul3A_267 : vector<16xf32>
        %swap3A_269 = arith.index_cast %scan3A_156 : i32 to index
        %swap3A_270 = arith.index_cast %mul3A_252 : i32 to index
        %swap3A_271 = tpu.vector_load %arg22[%swap3A_269, %swap3A_270] {strides = array<i32>} : memref<16x768xf32, #tpu.memory_space<vmem>>, vector<1x16xf32>,
        %swap3A_272 = vector.shape_cast %swap3A_271 : vector<1x16xf32> to vector<16xf32>
        %swap3A_273 = vector.shape_cast %add3A_268 : vector<16xf32> to vector<1x16xf32>
        tpu.vector_store %arg22[%swap3A_269, %swap3A_270], %swap3A_273 {strides = array<i32>} : memref<16x768xf32, #tpu.memory_space<vmem>>, vector<1x16xf32>,
        %scan3A_274 = arith.constant 0 : i32
        %scan3A_275 = arith.constant 4 : i32
        %scan3A_276 = arith.addi %scan3A_172, %scan3A_275 : i32
        %mul3A_277 = arith.constant 16 : i32
        %mul3A_278 = arith.muli %scan3A_276, %mul3A_277 : i32
        %get3A_279 = arith.index_cast %scan3A_156 : i32 to index
        %get3A_280 = arith.index_cast %mul3A_278 : i32 to index
        %get3A_281 = tpu.vector_load %arg22[%get3A_279, %get3A_280] {strides = array<i32>} : memref<16x768xf32, #tpu.memory_space<vmem>>, vector<1x16xf32>,
        %get3A_282 = vector.shape_cast %get3A_281 : vector<1x16xf32> to vector<16xf32>
        %get3A_283 = arith.index_cast %scan3A_156 : i32 to index
        %get3A_284 = arith.index_cast %mul3A_278 : i32 to index
        %get3A_285 = tpu.vector_load %arg20[%get3A_283, %get3A_284] {strides = array<i32>} : memref<16x768xf32, #tpu.memory_space<vmem>>, vector<1x16xf32>,
        %get3A_286 = vector.shape_cast %get3A_285 : vector<1x16xf32> to vector<16xf32>
        %mul3A_287 = arith.mulf %get3A_160, %get3A_286 : vector<16xf32>
        %add3A_288 = arith.addf %get3A_282, %mul3A_287 : vector<16xf32>
        %get3A_289 = arith.index_cast %scan3A_156 : i32 to index
        %get3A_290 = arith.index_cast %mul3A_278 : i32 to index
        %get3A_291 = tpu.vector_load %arg21[%get3A_289, %get3A_290] {strides = array<i32>} : memref<16x768xf32, #tpu.memory_space<vmem>>, vector<1x16xf32>,
        %get3A_292 = vector.shape_cast %get3A_291 : vector<1x16xf32> to vector<16xf32>
        %mul3A_293 = arith.mulf %get3A_164, %get3A_292 : vector<16xf32>
        %add3A_294 = arith.addf %add3A_288, %mul3A_293 : vector<16xf32>
        %swap3A_295 = arith.index_cast %scan3A_156 : i32 to index
        %swap3A_296 = arith.index_cast %mul3A_278 : i32 to index
        %swap3A_297 = tpu.vector_load %arg22[%swap3A_295, %swap3A_296] {strides = array<i32>} : memref<16x768xf32, #tpu.memory_space<vmem>>, vector<1x16xf32>,
        %swap3A_298 = vector.shape_cast %swap3A_297 : vector<1x16xf32> to vector<16xf32>
        %swap3A_299 = vector.shape_cast %add3A_294 : vector<16xf32> to vector<1x16xf32>
        tpu.vector_store %arg22[%swap3A_295, %swap3A_296], %swap3A_299 {strides = array<i32>} : memref<16x768xf32, #tpu.memory_space<vmem>>, vector<1x16xf32>,
        %scan3A_300 = arith.constant 0 : i32
        %scan3A_301 = arith.constant 5 : i32
        %scan3A_302 = arith.addi %scan3A_172, %scan3A_301 : i32
        %mul3A_303 = arith.constant 16 : i32
        %mul3A_304 = arith.muli %scan3A_302, %mul3A_303 : i32
        %get3A_305 = arith.index_cast %scan3A_156 : i32 to index
        %get3A_306 = arith.index_cast %mul3A_304 : i32 to index
        %get3A_307 = tpu.vector_load %arg22[%get3A_305, %get3A_306] {strides = array<i32>} : memref<16x768xf32, #tpu.memory_space<vmem>>, vector<1x16xf32>,
        %get3A_308 = vector.shape_cast %get3A_307 : vector<1x16xf32> to vector<16xf32>
        %get3A_309 = arith.index_cast %scan3A_156 : i32 to index
        %get3A_310 = arith.index_cast %mul3A_304 : i32 to index
        %get3A_311 = tpu.vector_load %arg20[%get3A_309, %get3A_310] {strides = array<i32>} : memref<16x768xf32, #tpu.memory_space<vmem>>, vector<1x16xf32>,
        %get3A_312 = vector.shape_cast %get3A_311 : vector<1x16xf32> to vector<16xf32>
        %mul3A_313 = arith.mulf %get3A_160, %get3A_312 : vector<16xf32>
        %add3A_314 = arith.addf %get3A_308, %mul3A_313 : vector<16xf32>
        %get3A_315 = arith.index_cast %scan3A_156 : i32 to index
        %get3A_316 = arith.index_cast %mul3A_304 : i32 to index
        %get3A_317 = tpu.vector_load %arg21[%get3A_315, %get3A_316] {strides = array<i32>} : memref<16x768xf32, #tpu.memory_space<vmem>>, vector<1x16xf32>,
        %get3A_318 = vector.shape_cast %get3A_317 : vector<1x16xf32> to vector<16xf32>
        %mul3A_319 = arith.mulf %get3A_164, %get3A_318 : vector<16xf32>
        %add3A_320 = arith.addf %add3A_314, %mul3A_319 : vector<16xf32>
        %swap3A_321 = arith.index_cast %scan3A_156 : i32 to index
        %swap3A_322 = arith.index_cast %mul3A_304 : i32 to index
        %swap3A_323 = tpu.vector_load %arg22[%swap3A_321, %swap3A_322] {strides = array<i32>} : memref<16x768xf32, #tpu.memory_space<vmem>>, vector<1x16xf32>,
        %swap3A_324 = vector.shape_cast %swap3A_323 : vector<1x16xf32> to vector<16xf32>
        %swap3A_325 = vector.shape_cast %add3A_320 : vector<16xf32> to vector<1x16xf32>
        tpu.vector_store %arg22[%swap3A_321, %swap3A_322], %swap3A_325 {strides = array<i32>} : memref<16x768xf32, #tpu.memory_space<vmem>>, vector<1x16xf32>,
        %scan3A_326 = arith.constant 0 : i32
        %scan3A_327 = arith.constant 6 : i32
        %scan3A_328 = arith.addi %scan3A_172, %scan3A_327 : i32
        %mul3A_329 = arith.constant 16 : i32
        %mul3A_330 = arith.muli %scan3A_328, %mul3A_329 : i32
        %get3A_331 = arith.index_cast %scan3A_156 : i32 to index
        %get3A_332 = arith.index_cast %mul3A_330 : i32 to index
        %get3A_333 = tpu.vector_load %arg22[%get3A_331, %get3A_332] {strides = array<i32>} : memref<16x768xf32, #tpu.memory_space<vmem>>, vector<1x16xf32>,
        %get3A_334 = vector.shape_cast %get3A_333 : vector<1x16xf32> to vector<16xf32>
        %get3A_335 = arith.index_cast %scan3A_156 : i32 to index
        %get3A_336 = arith.index_cast %mul3A_330 : i32 to index
        %get3A_337 = tpu.vector_load %arg20[%get3A_335, %get3A_336] {strides = array<i32>} : memref<16x768xf32, #tpu.memory_space<vmem>>, vector<1x16xf32>,
        %get3A_338 = vector.shape_cast %get3A_337 : vector<1x16xf32> to vector<16xf32>
        %mul3A_339 = arith.mulf %get3A_160, %get3A_338 : vector<16xf32>
        %add3A_340 = arith.addf %get3A_334, %mul3A_339 : vector<16xf32>
        %get3A_341 = arith.index_cast %scan3A_156 : i32 to index
        %get3A_342 = arith.index_cast %mul3A_330 : i32 to index
        %get3A_343 = tpu.vector_load %arg21[%get3A_341, %get3A_342] {strides = array<i32>} : memref<16x768xf32, #tpu.memory_space<vmem>>, vector<1x16xf32>,
        %get3A_344 = vector.shape_cast %get3A_343 : vector<1x16xf32> to vector<16xf32>
        %mul3A_345 = arith.mulf %get3A_164, %get3A_344 : vector<16xf32>
        %add3A_346 = arith.addf %add3A_340, %mul3A_345 : vector<16xf32>
        %swap3A_347 = arith.index_cast %scan3A_156 : i32 to index
        %swap3A_348 = arith.index_cast %mul3A_330 : i32 to index
        %swap3A_349 = tpu.vector_load %arg22[%swap3A_347, %swap3A_348] {strides = array<i32>} : memref<16x768xf32, #tpu.memory_space<vmem>>, vector<1x16xf32>,
        %swap3A_350 = vector.shape_cast %swap3A_349 : vector<1x16xf32> to vector<16xf32>
        %swap3A_351 = vector.shape_cast %add3A_346 : vector<16xf32> to vector<1x16xf32>
        tpu.vector_store %arg22[%swap3A_347, %swap3A_348], %swap3A_351 {strides = array<i32>} : memref<16x768xf32, #tpu.memory_space<vmem>>, vector<1x16xf32>,
        %scan3A_352 = arith.constant 0 : i32
        %scan3A_353 = arith.constant 7 : i32
        %scan3A_354 = arith.addi %scan3A_172, %scan3A_353 : i32
        %mul3A_355 = arith.constant 16 : i32
        %mul3A_356 = arith.muli %scan3A_354, %mul3A_355 : i32
        %get3A_357 = arith.index_cast %scan3A_156 : i32 to index
        %get3A_358 = arith.index_cast %mul3A_356 : i32 to index
        %get3A_359 = tpu.vector_load %arg22[%get3A_357, %get3A_358] {strides = array<i32>} : memref<16x768xf32, #tpu.memory_space<vmem>>, vector<1x16xf32>,
        %get3A_360 = vector.shape_cast %get3A_359 : vector<1x16xf32> to vector<16xf32>
        %get3A_361 = arith.index_cast %scan3A_156 : i32 to index
        %get3A_362 = arith.index_cast %mul3A_356 : i32 to index
        %get3A_363 = tpu.vector_load %arg20[%get3A_361, %get3A_362] {strides = array<i32>} : memref<16x768xf32, #tpu.memory_space<vmem>>, vector<1x16xf32>,
        %get3A_364 = vector.shape_cast %get3A_363 : vector<1x16xf32> to vector<16xf32>
        %mul3A_365 = arith.mulf %get3A_160, %get3A_364 : vector<16xf32>
        %add3A_366 = arith.addf %get3A_360, %mul3A_365 : vector<16xf32>
        %get3A_367 = arith.index_cast %scan3A_156 : i32 to index
        %get3A_368 = arith.index_cast %mul3A_356 : i32 to index
        %get3A_369 = tpu.vector_load %arg21[%get3A_367, %get3A_368] {strides = array<i32>} : memref<16x768xf32, #tpu.memory_space<vmem>>, vector<1x16xf32>,
        %get3A_370 = vector.shape_cast %get3A_369 : vector<1x16xf32> to vector<16xf32>
        %mul3A_371 = arith.mulf %get3A_164, %get3A_370 : vector<16xf32>
        %add3A_372 = arith.addf %add3A_366, %mul3A_371 : vector<16xf32>
        %swap3A_373 = arith.index_cast %scan3A_156 : i32 to index
        %swap3A_374 = arith.index_cast %mul3A_356 : i32 to index
        %swap3A_375 = tpu.vector_load %arg22[%swap3A_373, %swap3A_374] {strides = array<i32>} : memref<16x768xf32, #tpu.memory_space<vmem>>, vector<1x16xf32>,
        %swap3A_376 = vector.shape_cast %swap3A_375 : vector<1x16xf32> to vector<16xf32>
        %swap3A_377 = vector.shape_cast %add3A_372 : vector<16xf32> to vector<1x16xf32>
        tpu.vector_store %arg22[%swap3A_373, %swap3A_374], %swap3A_377 {strides = array<i32>} : memref<16x768xf32, #tpu.memory_space<vmem>>, vector<1x16xf32>,
        %scan3A_378 = arith.constant 0 : i32
        scf.yield %scan3A_378 : i32
      }
      %scan3A_171 = arith.constant 48 : i32
      scf.yield %scan3A_170 : i32
    }
    %scan3A_141 = arith.constant 16 : i32
    %add3A_142 = arith.constant 48 : i32
    %add3A_143 = arith.addi %mul3A_2, %add3A_142 : i32
    %dma_start3A_144 = arith.constant 0 : i32
    %dma_start3A_145 = tpu.memref_slice %arg8[%add3A_143, %dma_start3A_144] : memref<2048x768xf32, #tpu.memory_space<hbm>> -> memref<16x768xf32, #tpu.memory_space<hbm>>
    %dma_start3A_146 = arith.constant 0 : i32
    %dma_start3A_147 = tpu.memref_slice %arg8[%add3A_143, %dma_start3A_146] : memref<2048x768xf32, #tpu.memory_space<hbm>> -> memref<16x768xf32, #tpu.memory_space<hbm>>
    tpu.enqueue_dma source(%arg22 : memref<16x768xf32, #tpu.memory_space<vmem>>) target(%dma_start3A_147 : memref<16x768xf32, #tpu.memory_space<hbm>>) target_semaphore(%arg24 : memref<!tpu.dma_semaphore, #tpu.memory_space<semaphore_mem>>)
    %dma_wait3A_148 = arith.constant 0 : i32
    %dma_wait3A_149 = tpu.memref_slice %arg8[%add3A_120, %dma_wait3A_148] : memref<2048x768xf32, #tpu.memory_space<hbm>> -> memref<16x768xf32, #tpu.memory_space<hbm>>
    %dma_wait3A_150 = arith.constant 0 : i32
    %dma_wait3A_151 = tpu.memref_slice %arg8[%add3A_120, %dma_wait3A_150] : memref<2048x768xf32, #tpu.memory_space<hbm>> -> memref<16x768xf32, #tpu.memory_space<hbm>>
    tpu.wait_dma2 semaphore(%arg24 : memref<!tpu.dma_semaphore, #tpu.memory_space<semaphore_mem>>) src(%arg15 : memref<16x768xf32, #tpu.memory_space<vmem>>) dst(%dma_wait3A_151 : memref<16x768xf32, #tpu.memory_space<hbm>>)
    %dma_wait3A_152 = arith.constant 0 : i32
    %dma_wait3A_153 = tpu.memref_slice %arg8[%add3A_143, %dma_wait3A_152] : memref<2048x768xf32, #tpu.memory_space<hbm>> -> memref<16x768xf32, #tpu.memory_space<hbm>>
    %dma_wait3A_154 = arith.constant 0 : i32
    %dma_wait3A_155 = tpu.memref_slice %arg8[%add3A_143, %dma_wait3A_154] : memref<2048x768xf32, #tpu.memory_space<hbm>> -> memref<16x768xf32, #tpu.memory_space<hbm>>
    tpu.wait_dma2 semaphore(%arg24 : memref<!tpu.dma_semaphore, #tpu.memory_space<semaphore_mem>>) src(%arg22 : memref<16x768xf32, #tpu.memory_space<vmem>>) dst(%dma_wait3A_155 : memref<16x768xf32, #tpu.memory_space<hbm>>)
    return
  }
}

module attributes {stable_mosaic.version = 14 : i64} {
  func.func @_route_body(%arg0: memref<2048x768xf32, #tpu.memory_space<vmem>>, %arg1: memref<768x64xf32, #tpu.memory_space<vmem>>, %arg2: memref<1x64xf32, #tpu.memory_space<vmem>>, %arg3: memref<2048x1xi32, #tpu.memory_space<vmem>>, %arg4: memref<2048x1xi32, #tpu.memory_space<vmem>>, %arg5: memref<128x1xi32, #tpu.memory_space<vmem>>, %arg6: memref<2048x16xf32, #tpu.memory_space<vmem>>, %arg7: memref<2048x16xf32, #tpu.memory_space<vmem>>) attributes {dimension_semantics = [], scalar_prefetch = 0 : i64, scratch_operands = 0 : i64, tpu.core_type = #tpu.core_type<tc>} {
    %get3A = arith.constant 0 : index
    %get3A_0 = arith.constant 0 : index
    %get3A_1 = vector.load %arg0[%get3A, %get3A_0] : memref<2048x768xf32, #tpu.memory_space<vmem>>, vector<2048x768xf32>
    %get3A_2 = arith.constant 0 : index
    %get3A_3 = arith.constant 0 : index
    %get3A_4 = vector.load %arg1[%get3A_2, %get3A_3] : memref<768x64xf32, #tpu.memory_space<vmem>>, vector<768x64xf32>
    %dot_general3A = arith.constant dense<0.000000e+00> : vector<2048x64xf32>
    %dot_general3A_5 = tpu.matmul %get3A_1, %get3A_4, %dot_general3A {dimension_numbers = #tpu.dot_dimension_numbers<[1], [0], [0], [1], [0, 0, 1, 1], [], []>, transpose_lhs_hint = false} : vector<2048x768xf32>, vector<768x64xf32>, vector<2048x64xf32> -> vector<2048x64xf32>
    %get3A_6 = arith.constant 0 : index
    %get3A_7 = arith.constant 0 : index
    %get3A_8 = vector.load %arg2[%get3A_6, %get3A_7] : memref<1x64xf32, #tpu.memory_space<vmem>>, vector<1x64xf32>
    %add3A = vector.broadcast %get3A_8 : vector<1x64xf32> to vector<2048x64xf32>
    %add3A_9 = arith.addf %dot_general3A_5, %add3A : vector<2048x64xf32>
    %logistic3A = arith.negf %add3A_9 : vector<2048x64xf32>
    %logistic3A_10 = math.exp %logistic3A : vector<2048x64xf32>
    %logistic3A_11 = arith.constant 1.000000e+00 : f32
    %logistic3A_12 = vector.broadcast %logistic3A_11 : f32 to vector<2048x64xf32>
    %logistic3A_13 = arith.addf %logistic3A_12, %logistic3A_10 : vector<2048x64xf32>
    %logistic3A_14 = arith.divf %logistic3A_12, %logistic3A_13 : vector<2048x64xf32>
    %iota3A = tpu.iota {dimensions = array<i32: 1>} : vector<2048x64xi32>
    %reduce_max3A = arith.constant dense<0xFF800000> : vector<2048xf32>
    %reduce_max3A_15 = vector.multi_reduction <maximumf>, %logistic3A_14, %reduce_max3A [1] : vector<2048x64xf32> to vector<2048xf32>
    %broadcast_in_dim3A = vector.shape_cast %reduce_max3A_15 : vector<2048xf32> to vector<2048x1xf32>
    %eq3A = vector.broadcast %broadcast_in_dim3A : vector<2048x1xf32> to vector<2048x64xf32>
    %eq3A_16 = arith.cmpf oeq, %logistic3A_14, %eq3A : vector<2048x64xf32>
    %jit3A = arith.constant 64 : i32
    %broadcast_in_dim3A_17 = vector.broadcast %jit3A : i32 to vector<2048x64xi32>
    %select_n3A = arith.select %eq3A_16, %iota3A, %broadcast_in_dim3A_17 : vector<2048x64xi1>, vector<2048x64xi32>
    %reduce_min3A = arith.constant dense<2147483647> : vector<2048xi32>
    %reduce_min3A_18 = vector.multi_reduction <minsi>, %select_n3A, %reduce_min3A [1] : vector<2048x64xi32> to vector<2048xi32>
    %broadcast_in_dim3A_19 = vector.shape_cast %reduce_min3A_18 : vector<2048xi32> to vector<2048x1xi32>
    %eq3A_20 = vector.broadcast %broadcast_in_dim3A_19 : vector<2048x1xi32> to vector<2048x64xi32>
    %eq3A_21 = arith.cmpi eq, %iota3A, %eq3A_20 : vector<2048x64xi32>
    %jit3A_22 = arith.constant 0xFF800000 : f32
    %broadcast_in_dim3A_23 = vector.broadcast %jit3A_22 : f32 to vector<2048x64xf32>
    %select_n3A_24 = arith.select %eq3A_21, %broadcast_in_dim3A_23, %logistic3A_14 : vector<2048x64xi1>, vector<2048x64xf32>
    %reduce_max3A_25 = arith.constant dense<0xFF800000> : vector<2048xf32>
    %reduce_max3A_26 = vector.multi_reduction <maximumf>, %select_n3A_24, %reduce_max3A_25 [1] : vector<2048x64xf32> to vector<2048xf32>
    %broadcast_in_dim3A_27 = vector.shape_cast %reduce_max3A_26 : vector<2048xf32> to vector<2048x1xf32>
    %eq3A_28 = vector.broadcast %broadcast_in_dim3A_27 : vector<2048x1xf32> to vector<2048x64xf32>
    %eq3A_29 = arith.cmpf oeq, %select_n3A_24, %eq3A_28 : vector<2048x64xf32>
    %jit3A_30 = arith.constant 64 : i32
    %broadcast_in_dim3A_31 = vector.broadcast %jit3A_30 : i32 to vector<2048x64xi32>
    %select_n3A_32 = arith.select %eq3A_29, %iota3A, %broadcast_in_dim3A_31 : vector<2048x64xi1>, vector<2048x64xi32>
    %reduce_min3A_33 = arith.constant dense<2147483647> : vector<2048xi32>
    %reduce_min3A_34 = vector.multi_reduction <minsi>, %select_n3A_32, %reduce_min3A_33 [1] : vector<2048x64xi32> to vector<2048xi32>
    %broadcast_in_dim3A_35 = vector.shape_cast %reduce_min3A_34 : vector<2048xi32> to vector<2048x1xi32>
    %broadcast_in_dim3A_36 = arith.constant 1.000000e+00 : f32
    %broadcast_in_dim3A_37 = vector.broadcast %broadcast_in_dim3A_36 : f32 to vector<1x16xf32>
    %sub3A = arith.subf %broadcast_in_dim3A, %broadcast_in_dim3A_27 : vector<2048x1xf32>
    %logistic3A_38 = arith.negf %sub3A : vector<2048x1xf32>
    %logistic3A_39 = math.exp %logistic3A_38 : vector<2048x1xf32>
    %logistic3A_40 = arith.constant 1.000000e+00 : f32
    %logistic3A_41 = vector.broadcast %logistic3A_40 : f32 to vector<2048x1xf32>
    %logistic3A_42 = arith.addf %logistic3A_41, %logistic3A_39 : vector<2048x1xf32>
    %logistic3A_43 = arith.divf %logistic3A_41, %logistic3A_42 : vector<2048x1xf32>
    %mul3A = vector.broadcast %logistic3A_43 : vector<2048x1xf32> to vector<2048x16xf32>
    %mul3A_44 = vector.broadcast %broadcast_in_dim3A_37 : vector<1x16xf32> to vector<2048x16xf32>
    %mul3A_45 = arith.mulf %mul3A, %mul3A_44 : vector<2048x16xf32>
    %swap3A = arith.constant 0 : index
    %swap3A_46 = arith.constant 0 : index
    %swap3A_47 = vector.load %arg6[%swap3A, %swap3A_46] : memref<2048x16xf32, #tpu.memory_space<vmem>>, vector<2048x16xf32>
    tpu.vector_store %arg6[%swap3A, %swap3A_46], %mul3A_45 {strides = array<i32>} : memref<2048x16xf32, #tpu.memory_space<vmem>>, vector<2048x16xf32>,
    %sub3A_48 = arith.subf %broadcast_in_dim3A_27, %broadcast_in_dim3A : vector<2048x1xf32>
    %logistic3A_49 = arith.negf %sub3A_48 : vector<2048x1xf32>
    %logistic3A_50 = math.exp %logistic3A_49 : vector<2048x1xf32>
    %logistic3A_51 = arith.constant 1.000000e+00 : f32
    %logistic3A_52 = vector.broadcast %logistic3A_51 : f32 to vector<2048x1xf32>
    %logistic3A_53 = arith.addf %logistic3A_52, %logistic3A_50 : vector<2048x1xf32>
    %logistic3A_54 = arith.divf %logistic3A_52, %logistic3A_53 : vector<2048x1xf32>
    %mul3A_55 = vector.broadcast %logistic3A_54 : vector<2048x1xf32> to vector<2048x16xf32>
    %mul3A_56 = vector.broadcast %broadcast_in_dim3A_37 : vector<1x16xf32> to vector<2048x16xf32>
    %mul3A_57 = arith.mulf %mul3A_55, %mul3A_56 : vector<2048x16xf32>
    %swap3A_58 = arith.constant 0 : index
    %swap3A_59 = arith.constant 0 : index
    %swap3A_60 = vector.load %arg7[%swap3A_58, %swap3A_59] : memref<2048x16xf32, #tpu.memory_space<vmem>>, vector<2048x16xf32>
    tpu.vector_store %arg7[%swap3A_58, %swap3A_59], %mul3A_57 {strides = array<i32>} : memref<2048x16xf32, #tpu.memory_space<vmem>>, vector<2048x16xf32>,
    %eq3A_61 = vector.broadcast %broadcast_in_dim3A_19 : vector<2048x1xi32> to vector<2048x64xi32>
    %eq3A_62 = arith.cmpi eq, %iota3A, %eq3A_61 : vector<2048x64xi32>
    %convert_element_type3A = arith.extui %eq3A_62 : vector<2048x64xi1> to vector<2048x64xi32>
    %convert_element_type3A_63 = arith.sitofp %convert_element_type3A : vector<2048x64xi32> to vector<2048x64xf32>
    %eq3A_64 = vector.broadcast %broadcast_in_dim3A_35 : vector<2048x1xi32> to vector<2048x64xi32>
    %eq3A_65 = arith.cmpi eq, %iota3A, %eq3A_64 : vector<2048x64xi32>
    %convert_element_type3A_66 = arith.extui %eq3A_65 : vector<2048x64xi1> to vector<2048x64xi32>
    %convert_element_type3A_67 = arith.sitofp %convert_element_type3A_66 : vector<2048x64xi32> to vector<2048x64xf32>
    %add3A_68 = arith.addf %convert_element_type3A_63, %convert_element_type3A_67 : vector<2048x64xf32>
    %iota3A_69 = tpu.iota {dimensions = array<i32: 0>} : vector<256x256xi32>
    %iota3A_70 = tpu.iota {dimensions = array<i32: 1>} : vector<256x256xi32>
    %gt3A = arith.cmpi sgt, %iota3A_69, %iota3A_70 : vector<256x256xi32>
    %convert_element_type3A_71 = arith.extui %gt3A : vector<256x256xi1> to vector<256x256xi32>
    %convert_element_type3A_72 = arith.sitofp %convert_element_type3A_71 : vector<256x256xi32> to vector<256x256xf32>
    %reshape3A = vector.shape_cast %add3A_68 : vector<2048x64xf32> to vector<8x256x64xf32>
    %dot_general3A_73 = arith.constant dense<0.000000e+00> : vector<256x8x64xf32>
    %dot_general3A_74 = tpu.matmul %convert_element_type3A_72, %reshape3A, %dot_general3A_73 {dimension_numbers = #tpu.dot_dimension_numbers<[1], [1], [0], [0, 2], [0, 0, 1, 0, 1, 2], [], []>, transpose_lhs_hint = false} : vector<256x256xf32>, vector<8x256x64xf32>, vector<256x8x64xf32> -> vector<256x8x64xf32>
    %transpose3A = tpu.transpose %dot_general3A_74, [1, 0, 2] : vector<256x8x64xf32> -> vector<8x256x64xf32>
    %reduce_sum3A = arith.constant dense<0.000000e+00> : vector<8x64xf32>
    %reduce_sum3A_75 = vector.multi_reduction <add>, %reshape3A, %reduce_sum3A [1] : vector<8x256x64xf32> to vector<8x64xf32>
    %iota3A_76 = tpu.iota {dimensions = array<i32: 0>} : vector<8x8xi32>
    %iota3A_77 = tpu.iota {dimensions = array<i32: 1>} : vector<8x8xi32>
    %gt3A_78 = arith.cmpi sgt, %iota3A_76, %iota3A_77 : vector<8x8xi32>
    %convert_element_type3A_79 = arith.extui %gt3A_78 : vector<8x8xi1> to vector<8x8xi32>
    %convert_element_type3A_80 = arith.sitofp %convert_element_type3A_79 : vector<8x8xi32> to vector<8x8xf32>
    %dot_general3A_81 = arith.constant dense<0.000000e+00> : vector<8x64xf32>
    %dot_general3A_82 = tpu.matmul %convert_element_type3A_80, %reduce_sum3A_75, %dot_general3A_81 {dimension_numbers = #tpu.dot_dimension_numbers<[1], [0], [0], [1], [0, 0, 1, 1], [], []>, transpose_lhs_hint = false} : vector<8x8xf32>, vector<8x64xf32>, vector<8x64xf32> -> vector<8x64xf32>
    %broadcast_in_dim3A_83 = vector.shape_cast %dot_general3A_82 : vector<8x64xf32> to vector<8x1x64xf32>
    %add3A_84 = vector.broadcast %broadcast_in_dim3A_83 : vector<8x1x64xf32> to vector<8x256x64xf32>
    %add3A_85 = arith.addf %transpose3A, %add3A_84 : vector<8x256x64xf32>
    %reshape3A_86 = vector.shape_cast %add3A_85 : vector<8x256x64xf32> to vector<2048x64xf32>
    %mul3A_87 = arith.mulf %convert_element_type3A_63, %reshape3A_86 : vector<2048x64xf32>
    %reduce_sum3A_88 = arith.constant dense<0.000000e+00> : vector<2048xf32>
    %reduce_sum3A_89 = vector.multi_reduction <add>, %mul3A_87, %reduce_sum3A_88 [1] : vector<2048x64xf32> to vector<2048xf32>
    %broadcast_in_dim3A_90 = vector.shape_cast %reduce_sum3A_89 : vector<2048xf32> to vector<2048x1xf32>
    %add3A_91 = arith.addf %reshape3A_86, %convert_element_type3A_63 : vector<2048x64xf32>
    %mul3A_92 = arith.mulf %convert_element_type3A_67, %add3A_91 : vector<2048x64xf32>
    %reduce_sum3A_93 = arith.constant dense<0.000000e+00> : vector<2048xf32>
    %reduce_sum3A_94 = vector.multi_reduction <add>, %mul3A_92, %reduce_sum3A_93 [1] : vector<2048x64xf32> to vector<2048xf32>
    %broadcast_in_dim3A_95 = vector.shape_cast %reduce_sum3A_94 : vector<2048xf32> to vector<2048x1xf32>
    %reduce_sum3A_96 = arith.constant dense<0.000000e+00> : vector<64xf32>
    %reduce_sum3A_97 = vector.multi_reduction <add>, %add3A_68, %reduce_sum3A_96 [0] : vector<2048x64xf32> to vector<64xf32>
    %broadcast_in_dim3A_98 = vector.shape_cast %reduce_sum3A_97 : vector<64xf32> to vector<1x64xf32>
    %add3A_99 = arith.constant 1.270000e+02 : f32
    %add3A_100 = vector.broadcast %add3A_99 : f32 to vector<1x64xf32>
    %add3A_101 = arith.addf %broadcast_in_dim3A_98, %add3A_100 : vector<1x64xf32>
    %mul3A_102 = arith.constant 7.812500e-03 : f32
    %mul3A_103 = vector.broadcast %mul3A_102 : f32 to vector<1x64xf32>
    %mul3A_104 = arith.mulf %add3A_101, %mul3A_103 : vector<1x64xf32>
    %floor3A = math.floor %mul3A_104 : vector<1x64xf32>
    %iota3A_105 = tpu.iota {dimensions = array<i32: 0>} : vector<64x64xi32>
    %iota3A_106 = tpu.iota {dimensions = array<i32: 1>} : vector<64x64xi32>
    %le3A = arith.cmpi sle, %iota3A_105, %iota3A_106 : vector<64x64xi32>
    %convert_element_type3A_107 = arith.extui %le3A : vector<64x64xi1> to vector<64x64xi32>
    %convert_element_type3A_108 = arith.sitofp %convert_element_type3A_107 : vector<64x64xi32> to vector<64x64xf32>
    %dot_general3A_109 = arith.constant dense<0.000000e+00> : vector<1x64xf32>
    %dot_general3A_110 = tpu.matmul %floor3A, %convert_element_type3A_108, %dot_general3A_109 {dimension_numbers = #tpu.dot_dimension_numbers<[1], [0], [0], [1], [0, 0, 1, 1], [], []>, transpose_lhs_hint = false} : vector<1x64xf32>, vector<64x64xf32>, vector<1x64xf32> -> vector<1x64xf32>
    %sub3A_111 = arith.subf %dot_general3A_110, %floor3A : vector<1x64xf32>
    %mul3A_112 = arith.constant 1.280000e+02 : f32
    %mul3A_113 = vector.broadcast %mul3A_112 : f32 to vector<1x64xf32>
    %mul3A_114 = arith.mulf %sub3A_111, %mul3A_113 : vector<1x64xf32>
    %mul3A_115 = vector.broadcast %mul3A_114 : vector<1x64xf32> to vector<2048x64xf32>
    %mul3A_116 = arith.mulf %convert_element_type3A_63, %mul3A_115 : vector<2048x64xf32>
    %reduce_sum3A_117 = arith.constant dense<0.000000e+00> : vector<2048xf32>
    %reduce_sum3A_118 = vector.multi_reduction <add>, %mul3A_116, %reduce_sum3A_117 [1] : vector<2048x64xf32> to vector<2048xf32>
    %broadcast_in_dim3A_119 = vector.shape_cast %reduce_sum3A_118 : vector<2048xf32> to vector<2048x1xf32>
    %add3A_120 = arith.addf %broadcast_in_dim3A_119, %broadcast_in_dim3A_90 : vector<2048x1xf32>
    %mul3A_121 = vector.broadcast %mul3A_114 : vector<1x64xf32> to vector<2048x64xf32>
    %mul3A_122 = arith.mulf %convert_element_type3A_67, %mul3A_121 : vector<2048x64xf32>
    %reduce_sum3A_123 = arith.constant dense<0.000000e+00> : vector<2048xf32>
    %reduce_sum3A_124 = vector.multi_reduction <add>, %mul3A_122, %reduce_sum3A_123 [1] : vector<2048x64xf32> to vector<2048xf32>
    %broadcast_in_dim3A_125 = vector.shape_cast %reduce_sum3A_124 : vector<2048xf32> to vector<2048x1xf32>
    %add3A_126 = arith.addf %broadcast_in_dim3A_125, %broadcast_in_dim3A_95 : vector<2048x1xf32>
    %convert_element_type3A_127 = arith.fptosi %add3A_120 : vector<2048x1xf32> to vector<2048x1xi32>
    %swap3A_128 = arith.constant 0 : index
    %swap3A_129 = arith.constant 0 : index
    %swap3A_130 = vector.load %arg3[%swap3A_128, %swap3A_129] : memref<2048x1xi32, #tpu.memory_space<vmem>>, vector<2048x1xi32>
    tpu.vector_store %arg3[%swap3A_128, %swap3A_129], %convert_element_type3A_127 {strides = array<i32>} : memref<2048x1xi32, #tpu.memory_space<vmem>>, vector<2048x1xi32>,
    %convert_element_type3A_131 = arith.fptosi %add3A_126 : vector<2048x1xf32> to vector<2048x1xi32>
    %swap3A_132 = arith.constant 0 : index
    %swap3A_133 = arith.constant 0 : index
    %swap3A_134 = vector.load %arg4[%swap3A_132, %swap3A_133] : memref<2048x1xi32, #tpu.memory_space<vmem>>, vector<2048x1xi32>
    tpu.vector_store %arg4[%swap3A_132, %swap3A_133], %convert_element_type3A_131 {strides = array<i32>} : memref<2048x1xi32, #tpu.memory_space<vmem>>, vector<2048x1xi32>,
    %iota3A_135 = tpu.iota {dimensions = array<i32: 0>} : vector<128x64xi32>
    %convert_element_type3A_136 = arith.sitofp %iota3A_135 : vector<128x64xi32> to vector<128x64xf32>
    %ge3A = vector.broadcast %dot_general3A_110 : vector<1x64xf32> to vector<128x64xf32>
    %ge3A_137 = arith.cmpf oge, %convert_element_type3A_136, %ge3A : vector<128x64xf32>
    %convert_element_type3A_138 = arith.extui %ge3A_137 : vector<128x64xi1> to vector<128x64xi32>
    %convert_element_type3A_139 = arith.sitofp %convert_element_type3A_138 : vector<128x64xi32> to vector<128x64xf32>
    %reduce_sum3A_140 = arith.constant dense<0.000000e+00> : vector<128xf32>
    %reduce_sum3A_141 = vector.multi_reduction <add>, %convert_element_type3A_139, %reduce_sum3A_140 [1] : vector<128x64xf32> to vector<128xf32>
    %broadcast_in_dim3A_142 = vector.shape_cast %reduce_sum3A_141 : vector<128xf32> to vector<128x1xf32>
    %min3A = arith.constant 6.300000e+01 : f32
    %min3A_143 = vector.broadcast %min3A : f32 to vector<128x1xf32>
    %min3A_144 = arith.minimumf %broadcast_in_dim3A_142, %min3A_143 : vector<128x1xf32>
    %convert_element_type3A_145 = arith.fptosi %min3A_144 : vector<128x1xf32> to vector<128x1xi32>
    %swap3A_146 = arith.constant 0 : index
    %swap3A_147 = arith.constant 0 : index
    %swap3A_148 = vector.load %arg5[%swap3A_146, %swap3A_147] : memref<128x1xi32, #tpu.memory_space<vmem>>, vector<128x1xi32>
    tpu.vector_store %arg5[%swap3A_146, %swap3A_147], %convert_element_type3A_145 {strides = array<i32>} : memref<128x1xi32, #tpu.memory_space<vmem>>, vector<128x1xi32>,
    return
  }
}

module attributes {stable_mosaic.version = 14 : i64} {
  func.func @_shared_body(%arg0: i32, %arg1: memref<512x768xf32, #tpu.memory_space<vmem>>, %arg2: memref<768x3072xf32, #tpu.memory_space<vmem>>, %arg3: memref<1x3072xf32, #tpu.memory_space<vmem>>, %arg4: memref<3072x768xf32, #tpu.memory_space<vmem>>, %arg5: memref<1x768xf32, #tpu.memory_space<vmem>>, %arg6: memref<512x768xf32, #tpu.memory_space<vmem>>) attributes {dimension_semantics = [#tpu.dimension_semantics<arbitrary>], iteration_bounds = array<i64: 4>, scalar_prefetch = 0 : i64, scratch_operands = 0 : i64, tpu.core_type = #tpu.core_type<tc>, window_params = [{transform_indices = @transform_0, window_bounds = array<i64: 512, 768>}, {pipeline_mode = #tpu.pipeline_mode<synchronous>, transform_indices = @transform_1, window_bounds = array<i64: 768, 3072>}, {pipeline_mode = #tpu.pipeline_mode<synchronous>, transform_indices = @transform_2, window_bounds = array<i64: 1, 3072>}, {pipeline_mode = #tpu.pipeline_mode<synchronous>, transform_indices = @transform_3, window_bounds = array<i64: 3072, 768>}, {pipeline_mode = #tpu.pipeline_mode<synchronous>, transform_indices = @transform_4, window_bounds = array<i64: 1, 768>}, {transform_indices = @transform_5, window_bounds = array<i64: 512, 768>}]} {
    %get3A = arith.constant 0 : index
    %get3A_0 = arith.constant 0 : index
    %get3A_1 = vector.load %arg1[%get3A, %get3A_0] : memref<512x768xf32, #tpu.memory_space<vmem>>, vector<512x768xf32>
    %get3A_2 = arith.constant 0 : index
    %get3A_3 = arith.constant 0 : index
    %get3A_4 = vector.load %arg2[%get3A_2, %get3A_3] : memref<768x3072xf32, #tpu.memory_space<vmem>>, vector<768x3072xf32>
    %dot_general3A = arith.constant dense<0.000000e+00> : vector<512x3072xf32>
    %dot_general3A_5 = tpu.matmul %get3A_1, %get3A_4, %dot_general3A {dimension_numbers = #tpu.dot_dimension_numbers<[1], [0], [0], [1], [0, 0, 1, 1], [], []>, transpose_lhs_hint = false} : vector<512x768xf32>, vector<768x3072xf32>, vector<512x3072xf32> -> vector<512x3072xf32>
    %get3A_6 = arith.constant 0 : index
    %get3A_7 = arith.constant 0 : index
    %get3A_8 = vector.load %arg3[%get3A_6, %get3A_7] : memref<1x3072xf32, #tpu.memory_space<vmem>>, vector<1x3072xf32>
    %add3A = vector.broadcast %get3A_8 : vector<1x3072xf32> to vector<512x3072xf32>
    %add3A_9 = arith.addf %dot_general3A_5, %add3A : vector<512x3072xf32>
    %logistic3A = arith.negf %add3A_9 : vector<512x3072xf32>
    %logistic3A_10 = math.exp %logistic3A : vector<512x3072xf32>
    %logistic3A_11 = arith.constant 1.000000e+00 : f32
    %logistic3A_12 = vector.broadcast %logistic3A_11 : f32 to vector<512x3072xf32>
    %logistic3A_13 = arith.addf %logistic3A_12, %logistic3A_10 : vector<512x3072xf32>
    %logistic3A_14 = arith.divf %logistic3A_12, %logistic3A_13 : vector<512x3072xf32>
    %mul3A = arith.mulf %add3A_9, %logistic3A_14 : vector<512x3072xf32>
    %get3A_15 = arith.constant 0 : index
    %get3A_16 = arith.constant 0 : index
    %get3A_17 = vector.load %arg4[%get3A_15, %get3A_16] : memref<3072x768xf32, #tpu.memory_space<vmem>>, vector<3072x768xf32>
    %dot_general3A_18 = arith.constant dense<0.000000e+00> : vector<512x768xf32>
    %dot_general3A_19 = tpu.matmul %mul3A, %get3A_17, %dot_general3A_18 {dimension_numbers = #tpu.dot_dimension_numbers<[1], [0], [0], [1], [0, 0, 1, 1], [], []>, transpose_lhs_hint = false} : vector<512x3072xf32>, vector<3072x768xf32>, vector<512x768xf32> -> vector<512x768xf32>
    %add3A_20 = arith.addf %get3A_1, %dot_general3A_19 : vector<512x768xf32>
    %get3A_21 = arith.constant 0 : index
    %get3A_22 = arith.constant 0 : index
    %get3A_23 = vector.load %arg5[%get3A_21, %get3A_22] : memref<1x768xf32, #tpu.memory_space<vmem>>, vector<1x768xf32>
    %add3A_24 = vector.broadcast %get3A_23 : vector<1x768xf32> to vector<512x768xf32>
    %add3A_25 = arith.addf %add3A_20, %add3A_24 : vector<512x768xf32>
    %swap3A = arith.constant 0 : index
    %swap3A_26 = arith.constant 0 : index
    %swap3A_27 = vector.load %arg6[%swap3A, %swap3A_26] : memref<512x768xf32, #tpu.memory_space<vmem>>, vector<512x768xf32>
    tpu.vector_store %arg6[%swap3A, %swap3A_26], %add3A_25 {strides = array<i32>} : memref<512x768xf32, #tpu.memory_space<vmem>>, vector<512x768xf32>,
    return
  }
  func.func @transform_0(%arg0: i32) -> (i32, i32) {
    %c0_i32 = arith.constant 0 : i32
    %c0_i32_0 = arith.constant 0 : i32
    return %arg0, %c0_i32 : i32, i32
  }
  func.func @transform_1(%arg0: i32) -> (i32, i32) {
    %c0_i32 = arith.constant 0 : i32
    %c0_i32_0 = arith.constant 0 : i32
    %c0_i32_1 = arith.constant 0 : i32
    return %c0_i32, %c0_i32_0 : i32, i32
  }
  func.func @transform_2(%arg0: i32) -> (i32, i32) {
    %c0_i32 = arith.constant 0 : i32
    %c0_i32_0 = arith.constant 0 : i32
    %c0_i32_1 = arith.constant 0 : i32
    return %c0_i32, %c0_i32_0 : i32, i32
  }
  func.func @transform_3(%arg0: i32) -> (i32, i32) {
    %c0_i32 = arith.constant 0 : i32
    %c0_i32_0 = arith.constant 0 : i32
    %c0_i32_1 = arith.constant 0 : i32
    return %c0_i32, %c0_i32_0 : i32, i32
  }
  func.func @transform_4(%arg0: i32) -> (i32, i32) {
    %c0_i32 = arith.constant 0 : i32
    %c0_i32_0 = arith.constant 0 : i32
    %c0_i32_1 = arith.constant 0 : i32
    return %c0_i32, %c0_i32_0 : i32, i32
  }
  func.func @transform_5(%arg0: i32) -> (i32, i32) {
    %c0_i32 = arith.constant 0 : i32
    %c0_i32_0 = arith.constant 0 : i32
    return %arg0, %c0_i32 : i32, i32
  }
}

module attributes {stable_mosaic.version = 14 : i64} {
  func.func @_expert_ffn_body(%arg0: i32, %arg1: memref<95xi32, #tpu.memory_space<smem>>, %arg2: memref<128x768xf32, #tpu.memory_space<vmem>>, %arg3: memref<1x768x3072xf32, #tpu.memory_space<vmem>>, %arg4: memref<1x1x3072xf32, #tpu.memory_space<vmem>>, %arg5: memref<1x3072x768xf32, #tpu.memory_space<vmem>>, %arg6: memref<1x1x768xf32, #tpu.memory_space<vmem>>, %arg7: memref<128x768xf32, #tpu.memory_space<vmem>>) attributes {dimension_semantics = [#tpu.dimension_semantics<arbitrary>], iteration_bounds = array<i64: 95>, scalar_prefetch = 1 : i64, scratch_operands = 0 : i64, tpu.core_type = #tpu.core_type<tc>, window_params = [{transform_indices = @transform_0, window_bounds = array<i64: 128, 768>}, {transform_indices = @transform_1, window_bounds = array<i64: 1, 768, 3072>}, {transform_indices = @transform_2, window_bounds = array<i64: 1, 1, 3072>}, {transform_indices = @transform_3, window_bounds = array<i64: 1, 3072, 768>}, {transform_indices = @transform_4, window_bounds = array<i64: 1, 1, 768>}, {transform_indices = @transform_5, window_bounds = array<i64: 128, 768>}]} {
    %get3A = arith.constant 0 : index
    %get3A_0 = arith.constant 0 : index
    %get3A_1 = vector.load %arg2[%get3A, %get3A_0] : memref<128x768xf32, #tpu.memory_space<vmem>>, vector<128x768xf32>
    %get3A_2 = arith.constant 0 : index
    %get3A_3 = arith.constant 0 : index
    %get3A_4 = arith.constant 0 : index
    %get3A_5 = vector.load %arg3[%get3A_2, %get3A_3, %get3A_4] : memref<1x768x3072xf32, #tpu.memory_space<vmem>>, vector<1x768x3072xf32>
    %get3A_6 = vector.shape_cast %get3A_5 : vector<1x768x3072xf32> to vector<768x3072xf32>
    %dot_general3A = arith.constant dense<0.000000e+00> : vector<128x3072xf32>
    %dot_general3A_7 = tpu.matmul %get3A_1, %get3A_6, %dot_general3A {dimension_numbers = #tpu.dot_dimension_numbers<[1], [0], [0], [1], [0, 0, 1, 1], [], []>, transpose_lhs_hint = false} : vector<128x768xf32>, vector<768x3072xf32>, vector<128x3072xf32> -> vector<128x3072xf32>
    %get3A_8 = arith.constant 0 : index
    %get3A_9 = arith.constant 0 : index
    %get3A_10 = arith.constant 0 : index
    %get3A_11 = vector.load %arg4[%get3A_8, %get3A_9, %get3A_10] : memref<1x1x3072xf32, #tpu.memory_space<vmem>>, vector<1x1x3072xf32>
    %get3A_12 = vector.shape_cast %get3A_11 : vector<1x1x3072xf32> to vector<1x3072xf32>
    %add3A = vector.broadcast %get3A_12 : vector<1x3072xf32> to vector<128x3072xf32>
    %add3A_13 = arith.addf %dot_general3A_7, %add3A : vector<128x3072xf32>
    %logistic3A = arith.negf %add3A_13 : vector<128x3072xf32>
    %logistic3A_14 = math.exp %logistic3A : vector<128x3072xf32>
    %logistic3A_15 = arith.constant 1.000000e+00 : f32
    %logistic3A_16 = vector.broadcast %logistic3A_15 : f32 to vector<128x3072xf32>
    %logistic3A_17 = arith.addf %logistic3A_16, %logistic3A_14 : vector<128x3072xf32>
    %logistic3A_18 = arith.divf %logistic3A_16, %logistic3A_17 : vector<128x3072xf32>
    %mul3A = arith.mulf %add3A_13, %logistic3A_18 : vector<128x3072xf32>
    %get3A_19 = arith.constant 0 : index
    %get3A_20 = arith.constant 0 : index
    %get3A_21 = arith.constant 0 : index
    %get3A_22 = vector.load %arg5[%get3A_19, %get3A_20, %get3A_21] : memref<1x3072x768xf32, #tpu.memory_space<vmem>>, vector<1x3072x768xf32>
    %get3A_23 = vector.shape_cast %get3A_22 : vector<1x3072x768xf32> to vector<3072x768xf32>
    %dot_general3A_24 = arith.constant dense<0.000000e+00> : vector<128x768xf32>
    %dot_general3A_25 = tpu.matmul %mul3A, %get3A_23, %dot_general3A_24 {dimension_numbers = #tpu.dot_dimension_numbers<[1], [0], [0], [1], [0, 0, 1, 1], [], []>, transpose_lhs_hint = false} : vector<128x3072xf32>, vector<3072x768xf32>, vector<128x768xf32> -> vector<128x768xf32>
    %get3A_26 = arith.constant 0 : index
    %get3A_27 = arith.constant 0 : index
    %get3A_28 = arith.constant 0 : index
    %get3A_29 = vector.load %arg6[%get3A_26, %get3A_27, %get3A_28] : memref<1x1x768xf32, #tpu.memory_space<vmem>>, vector<1x1x768xf32>
    %get3A_30 = vector.shape_cast %get3A_29 : vector<1x1x768xf32> to vector<1x768xf32>
    %add3A_31 = vector.broadcast %get3A_30 : vector<1x768xf32> to vector<128x768xf32>
    %add3A_32 = arith.addf %dot_general3A_25, %add3A_31 : vector<128x768xf32>
    %swap3A = arith.constant 0 : index
    %swap3A_33 = arith.constant 0 : index
    %swap3A_34 = vector.load %arg7[%swap3A, %swap3A_33] : memref<128x768xf32, #tpu.memory_space<vmem>>, vector<128x768xf32>
    tpu.vector_store %arg7[%swap3A, %swap3A_33], %add3A_32 {strides = array<i32>} : memref<128x768xf32, #tpu.memory_space<vmem>>, vector<128x768xf32>,
    return
  }
  func.func @transform_0(%arg0: i32, %arg1: memref<95xi32, #tpu.memory_space<smem>>) -> (i32, i32) {
    %c0_i32 = arith.constant 0 : i32
    %c0_i32_0 = arith.constant 0 : i32
    return %arg0, %c0_i32 : i32, i32
  }
  func.func @transform_1(%arg0: i32, %arg1: memref<95xi32, #tpu.memory_space<smem>>) -> (i32, i32, i32) {
    %get3A = arith.index_cast %arg0 : i32 to index
    %get3A_0 = memref.load %arg1[%get3A] : memref<95xi32, #tpu.memory_space<smem>>
    %c0_i32 = arith.constant 0 : i32
    %c0_i32_1 = arith.constant 0 : i32
    %c0_i32_2 = arith.constant 0 : i32
    return %get3A_0, %c0_i32, %c0_i32_1 : i32, i32, i32
  }
  func.func @transform_2(%arg0: i32, %arg1: memref<95xi32, #tpu.memory_space<smem>>) -> (i32, i32, i32) {
    %get3A = arith.index_cast %arg0 : i32 to index
    %get3A_0 = memref.load %arg1[%get3A] : memref<95xi32, #tpu.memory_space<smem>>
    %c0_i32 = arith.constant 0 : i32
    %c0_i32_1 = arith.constant 0 : i32
    %c0_i32_2 = arith.constant 0 : i32
    return %get3A_0, %c0_i32, %c0_i32_1 : i32, i32, i32
  }
  func.func @transform_3(%arg0: i32, %arg1: memref<95xi32, #tpu.memory_space<smem>>) -> (i32, i32, i32) {
    %get3A = arith.index_cast %arg0 : i32 to index
    %get3A_0 = memref.load %arg1[%get3A] : memref<95xi32, #tpu.memory_space<smem>>
    %c0_i32 = arith.constant 0 : i32
    %c0_i32_1 = arith.constant 0 : i32
    %c0_i32_2 = arith.constant 0 : i32
    return %get3A_0, %c0_i32, %c0_i32_1 : i32, i32, i32
  }
  func.func @transform_4(%arg0: i32, %arg1: memref<95xi32, #tpu.memory_space<smem>>) -> (i32, i32, i32) {
    %get3A = arith.index_cast %arg0 : i32 to index
    %get3A_0 = memref.load %arg1[%get3A] : memref<95xi32, #tpu.memory_space<smem>>
    %c0_i32 = arith.constant 0 : i32
    %c0_i32_1 = arith.constant 0 : i32
    %c0_i32_2 = arith.constant 0 : i32
    return %get3A_0, %c0_i32, %c0_i32_1 : i32, i32, i32
  }
  func.func @transform_5(%arg0: i32, %arg1: memref<95xi32, #tpu.memory_space<smem>>) -> (i32, i32) {
    %c0_i32 = arith.constant 0 : i32
    %c0_i32_0 = arith.constant 0 : i32
    return %arg0, %c0_i32 : i32, i32
  }
}

</mosaic_0001>

<sc_bundles>
// kernel: kernel.10.cloned.1.call-start
scs
__scs_entry_jumppad:
0x0: {  	(pc) =	sbr.rel $0x88, $3  }
0x1: {  	(tag) =	ssettag $0x0;
	lr =	simm.s32 $0x1  }
0x2: {  	[smem:$0x3F95] =	sst lr;
	_ =	strace $0xD0000000  }
0x3: {  	_ = 	snop  }
0x4: {  	_ = 	snop  }
0x5: {  	_ = 	snop  }
0x6: {  	_ = 	snop  }
0x7: {  	_ = 	snop  }
__scs_overlays_trampoline_lowered:
0x8: {  	[smem:$0x3FA4] =	sst s0  }
0x9: {  	[smem:$0x3FA5] =	sst s1  }
0xa: {  	[smem:$0x3FA6] =	sst s2  }
0xb: {  	[smem:$0x3FA7] =	sst s3  }
0xc: {  	[smem:$0x3FA8] =	sst s4  }
0xd: {  	[smem:$0x3FA9] =	sst s5  }
0xe: {  	[smem:$0x3FAA] =	sst s6  }
0xf: {  	[smem:$0x3FAB] =	sst s7  }
0x10: {  	[smem:$0x3FAC] =	sst s8  }
0x11: {  	[smem:$0x3FAD] =	sst s9;
	s0 =	simm.s32 @!p0 $0x0  }
0x12: {  	s1 =	sld [smem:$0x3F93];
	s0 =	simm.s32 @p0 $0x1  }
0x13: {  	[smem:$0x3FAE] =	sst s0;
	s0 =	simm.s32 @!p1 $0x0  }
0x14: {  	s2 =	sld [smem:$0x3F92];
	s0 =	simm.s32 @p1 $0x1  }
0x15: {  	[smem:$0x3FAF] =	sst s0;
	s0 =	simm.s32 @!p2 $0x0  }
0x16: {  	s3 =	sld [smem:$0x3FDB];
	s0 =	simm.s32 @p2 $0x1  }
0x17: {  	s4 =	simm.s32 $0x1BF5;
	[smem:$0x3FB1] =	sst s0  }
0x18: {  	s0 =	sld [smem:$0x3F94];
	_ =	swait.ge [sflag:s4], $0x0  }
0x19: {  	s7 =	sld [smem:$0x3F95]  }
0x1a: {  	s8 =	sadd.s32 $0xFFFFE003, lr  }
0x1b: {  	s9 =	sadd.s32 $0xFFFFFEF7, lr;
	s5 =	simm.s32 $0xFFFFFFFF;
	p2 =	slt.u32 s8, $0xFFFFF086  }
0x1c: {  	p1 =	slt.u32 s9, $0xF7A;
	s5 =	simm.s32 @!p2 $0x0  }
0x1d: {  	s5 =	simm.s32 @p1 $0x1;
	p0 =	seq.s32 s7, s2  }
0x1e: {  	s7 =	smul.u32 @!p0 $0xF7A, s2;
	p2 =	seq.s32 @!p0 s5, $0x0  }
0x1f: {  	s9 =	smul.u32 $0xF7A, s1;
	s8 =	simm.s32 @!p0 $0x1BF5;
	p2 =	por !p2, p0  }
0x20: {  	[sflag:s8] =	ssyncset.s32 @!p0 $0xFFFFF086;
	s6 =	sadd.s32 @!p0 s3, s7;
	s7 =	simm.s32 @!p0 $0x108  }
0x21: {  	s3 =	sadd.s32 s3, s9;
	s6 =	sadd.s32 @!p0 $0x88, s6;
	s7 =	simm.s32 @p2 $0x1082  }
0x22: {  	[simem:s7], [sflag:s8] =	dma.local @!p0 [hbm:s6], $0xF7A  }
0x23: {  	s9 =	sor.u32 $0xD0000000, s2;
	s6 =	simm.s32 $0x108;
	_ =	swait.ge @!p0 [sflag:s8], $0x0  }
0x24: {  	s3 =	sadd.s32 $0x88, s3;
	s6 =	simm.s32 @!p1 $0x1082;
	[sflag:s4] =	ssyncset.s32 $0xFFFFF086  }
0x25: {  	[simem:s6], [sflag:s4] =	dma.local [hbm:s3], $0xF7A  }
0x26: {  	[smem:$0x3F95] =	sst s1;
	(tag) =	ssettag s2;
	_ =	strace s9  }
0x27: {  	s1 =	sld [smem:$0x3FA5]  }
0x28: {  	s2 =	sld [smem:$0x3FA6]  }
0x29: {  	s4 =	sld [smem:$0x3FA8]  }
0x2a: {  	p0 =	seq.s32 s5, $0x0;
	s5 =	sld [smem:$0x3FA9]  }
0x2b: {  	s6 =	sld [smem:$0x3FAA]  }
0x2c: {  	s7 =	sld [smem:$0x3FAB]  }
0x2d: {  	s3 =	simm.s32 $0x108;
	s8 =	sld [smem:$0x3FAC]  }
0x2e: {  	s3 =	simm.s32 @!p0 $0x1082;
	s9 =	sld [smem:$0x3FAD]  }
0x2f: {  	lr =	sadd.s32 s0, s3;
	s0 =	sld [smem:$0x3FA4]  }
0x30: {  	s3 =	sld [smem:$0x3FA7]  }
0x31: {  	[smem:$0x3FB0] =	sst s10  }
0x32: {  	s10 =	sld [smem:$0x3FAE];
	_ =	sdelay $0x3  }
0x33: {  	p0 =	seq.s32 s10, $0x1;
	s10 =	sld [smem:$0x3FB0];
	_ =	sdelay $0x3  }
0x34: {  	[smem:$0x3FB0] =	sst s10  }
0x35: {  	s10 =	sld [smem:$0x3FAF];
	_ =	sdelay $0x3  }
0x36: {  	p1 =	seq.s32 s10, $0x1;
	s10 =	sld [smem:$0x3FB0];
	_ =	sdelay $0x3  }
0x37: {  	[smem:$0x3FB0] =	sst s10  }
0x38: {  	s10 =	sld [smem:$0x3FB1]  }
0x39: {  	_ = 	snop;
	(pc) =	sbr.ind lr, $3  }
0x3a: {  	_ = 	snop  }
0x3b: {  	_ = 	snop  }
0x3c: {  	p2 =	seq.s32 s10, $0x1;
	s10 =	sld [smem:$0x3FB0]  }
0x3d: {  	_ =	shalt  }
0x3e: {  	_ =	shalt  }
0x3f: {  	_ =	shalt  }
0x40: {  	_ =	shalt  }
0x41: {  	_ =	shalt  }
0x42: {  	_ =	shalt  }
0x43: {  	_ =	shalt  }
0x44: {  	_ =	shalt  }
0x45: {  	_ =	shalt  }
0x46: {  	_ =	shalt  }
0x47: {  	_ =	shalt  }
0x48: {  	_ =	shalt  }
0x49: {  	_ =	shalt  }
0x4a: {  	_ =	shalt  }
0x4b: {  	_ =	shalt  }
0x4c: {  	_ =	shalt  }
0x4d: {  	_ =	shalt  }
0x4e: {  	_ =	shalt  }
0x4f: {  	_ =	shalt  }
0x50: {  	_ =	shalt  }
0x51: {  	_ =	shalt  }
0x52: {  	_ =	shalt  }
0x53: {  	_ =	shalt  }
0x54: {  	_ =	shalt  }
0x55: {  	_ =	shalt  }
0x56: {  	_ =	shalt  }
0x57: {  	_ =	shalt  }
0x58: {  	_ =	shalt  }
0x59: {  	_ =	shalt  }
0x5a: {  	_ =	shalt  }
0x5b: {  	_ =	shalt  }
0x5c: {  	_ =	shalt  }
0x5d: {  	_ =	shalt  }
0x5e: {  	_ =	shalt  }
0x5f: {  	_ =	shalt  }
0x60: {  	_ =	shalt  }
0x61: {  	_ =	shalt  }
0x62: {  	_ =	shalt  }
0x63: {  	_ =	shalt  }
0x64: {  	_ =	shalt  }
0x65: {  	_ =	shalt  }
0x66: {  	_ =	shalt  }
0x67: {  	_ =	shalt  }
0x68: {  	_ =	shalt  }
0x69: {  	_ =	shalt  }
0x6a: {  	_ =	shalt  }
0x6b: {  	_ =	shalt  }
0x6c: {  	_ =	shalt  }
0x6d: {  	_ =	shalt  }
0x6e: {  	_ =	shalt  }
0x6f: {  	_ =	shalt  }
0x70: {  	_ =	shalt  }
0x71: {  	_ =	shalt  }
0x72: {  	_ =	shalt  }
0x73: {  	_ =	shalt  }
0x74: {  	_ =	shalt  }
0x75: {  	_ =	shalt  }
0x76: {  	_ =	shalt  }
0x77: {  	_ =	shalt  }
0x78: {  	_ =	shalt  }
0x79: {  	_ =	shalt  }
0x7a: {  	_ =	shalt  }
0x7b: {  	_ =	shalt  }
0x7c: {  	_ =	shalt  }
0x7d: {  	_ =	shalt  }
0x7e: {  	_ =	shalt  }
0x7f: {  	_ =	shalt  }
0x80: {  	_ =	shalt  }
0x81: {  	_ =	shalt  }
0x82: {  	_ =	shalt  }
0x83: {  	_ =	shalt  }
0x84: {  	_ =	shalt  }
0x85: {  	_ =	shalt  }
0x86: {  	_ =	shalt  }
0x87: {  	_ =	shalt  }
.Lfunc_end0:
.L_simem_size_0:
called_computation.1_lowered:
.L_overlay_start_0:
0x88: {  	s2 =	sld [smem:$0x3FD9]  }
0x89: {  	s3 =	sld [smem:$0x3FFE];
	_ =	sdelay $0x1  }
0x8a: {  	s1 =	srdreg.scid  }
0x8b: {  	s0 =	sand.u32 $0x1, s1  }
0x8c: {  	s17 =	sshll.u32 s0, $0xA;
	s2 =	sadd.s32 s3, s2  }
0x8d: {  	s2 =	sadd.s32 s2, s17  }
0x8e: {  	[smem:$0x3FBC] =	sst s2  }
0x8f: {  	_ = 	snop  }
0x90: {  	s2 =	sld [smem:$0x3FD0];
	(tm) =	ssettm $0x1  }
0x91: {  	s18 =	sld [smem:$0x3FFB];
	_ =	sdelay $0x3  }
0x92: {  	_ =	strace s18  }
0x93: {  	s3 =	sld [smem:$0x3FFC];
	_ =	sdelay $0x3  }
0x94: {  	_ =	strace s3  }
0x95: {  	s3 =	sld [smem:$0x3FFD];
	_ =	sdelay $0x3  }
0x96: {  	_ =	strace s3  }
0x97: {  	_ =	strace $0x8FFFFFFF  }
0x98: {  	s19 =	sld [smem:$0x3FDB];
	_ =	sdelay $0x1  }
0x99: {  	s4 =	simm.s32 $_scs_section_size  }
0x9a: {  	s5 =	simm.s32 $_size__tile_overlayer_lowered;
	s6 =	simm.s32 $_tile_overlayer_lowered  }
0x9b: {  	s22 =	simm.s32 $0x1BFF;
	s21 =	sshll.u32 s6, $0x1;
	s3 =	sadd.s32 s4, s19  }
0x9c: {  	s7 =	simm.s32 $0x0;
	s20 =	sshll.u32 s5, $0x1;
	s5 =	sadd.s32 s21, s3  }
0x9d: {  	[timem:s7], [sflag:s22] =	dma.local [hbm:s5], s20  }
0x9e: {  	_ =	swait.ge [sflag:s22], s20  }
0x9f: {  	s4 =	ssub.s32 $0x0, s20;
	[sflag:s22] =	ssyncset.done $0x0  }
0xa0: {  	[sflag:s22] =	ssyncadd.s32 s4;
	_ =	sdelay $0x1  }
0xa1: {  	s23 =	simm.s32 $0x1B8B  }
0xa2: {  	_ =	swait.ge [sflag:s23], $0x1  }
0xa3: {  	[sflag:s23] =	ssyncset.done $0x0  }
0xa4: {  	s25 =	simm.s32 $0x1B8E;
	s24 =	sld [smem:$0x3FFE];
	[sflag:s23] =	ssyncadd.s32 $0xFFFFFFFF  }
0xa5: {  	s26 =	simm.s32 $execute0_lowered;
	[smem:$0x3FD2] =	sst s25  }
0xa6: {  	s5 =	sshll.u32 s26, $0x1;
	_ =	strace $0x80000049;
	[dreg:$0x1] =	wrdreg $0xFFFFFFFF  }
0xa7: {  	s28 =	simm.s32 $_size_execute0_lowered;
	s3 =	sadd.s32 s3, s5;
	[dreg:$0x0] =	wrdreg $0x0  }
0xa8: {  	s5 =	sshll.u32 s28, $0x1;
	[dreg:$0x2] =	wrdreg s3  }
0xa9: {  	[dreg:$0x3] =	wrdreg s5  }
0xaa: {  	[dreg:$0x4] =	wrdreg $0xC0  }
0xab: {  	_ =	task [dreg:s7], $0x5FFFF  }
0xac: {  	[dreg:$0x1] =	wrdreg $0xFFFFFFFF  }
0xad: {  	[dreg:$0x0] =	wrdreg $0x60  }
0xae: {  	[dreg:$0x2] =	wrdreg s24  }
0xaf: {  	[dreg:$0x3] =	wrdreg s2  }
0xb0: {  	[dreg:$0x4] =	wrdreg $0x9  }
0xb1: {  	_ =	task.clear_ibuf [dreg:s7], $0x5FFFF;
	_ =	strace $0x90000049  }
0xb2: {  	s29 =	simm.s32 $0x9;
	_ =	strace $0x8000004B  }
0xb3: {  	_ =	swait.ge [sflag:s29], $0x1  }
0xb4: {  	[sflag:s29] =	ssyncadd.s32 $0xFFFFFFFF  }
0xb5: {  	_ =	strace $0x9000004B  }
0xb6: {  	_ =	sfence  }
0xb7: {  	s30 =	sld [smem:$0x0];
	_ =	sdelay $0x2  }
0xb8: {  	s31 =	sshll.u32 s1, $0xD;
	s1 =	sshrl.u32 s1, $0x2  }
0xb9: {  	s3 =	sand.u32 $0x4000, s31;
	s1 =	sadd.s32 s1, s30  }
0xba: {  	s0 =	sor.u32 s3, s0;
	s1 =	sshll.u32 s1, $0x11  }
0xbb: {  	s0 =	sor.u32 s1, s0  }
0xbc: {  	s0 =	sadd.s32 $0x8F2B, s0  }
0xbd: {  	[sflag:s0] =	ssyncadd.remote.s32 $0x1  }
0xbe: {  	_ =	sfence.sel $0xFFFF  }
0xbf: {  	[dreg:$0x0] =	wrdreg $0xFFFFFFFF;
	(pc) =	sbr.abs _section_cstart, $3  }
0xc0: {  	[dreg:$0x1] =	wrdreg $0xFFFFFFFF  }
0xc1: {  	_ =	task.clear_ibuf [dreg:s7], $0x2FFFF;
	_ =	strace $0x9FFFFFFF  }
0xc2: {  	(tm) =	ssettm $0x7FFFFFFF  }
0xc3: {  	_ =	shalt  }
tec
execute0_lowered:
.L_overlay_start_1:
0x0: {  	(tag) =	ssettag $0x1  }
0x1: {  	s0 =	rddreg [dreg:$0x0]  }
0x2: {  	s2 =	rddreg [dreg:$0x1];
	s1 =	simm.s32 $0x0;
	s3 =	srdreg.scid  }
0x3: {  	s6 =	stileid.u32;
	[smem:$0x7FF] =	sst s1;
	s4 =	sadd.s32 $0x1A00, s0  }
0x4: {  	s3 =	sand.u32 $0x1, s3;
	s5 =	sadd.s32 $0x1C00, s0;
	s6 =	sshll.u32 s6, $0x7  }
0x5: {  	s8 =	sadd.s32 $0xD400, s0;
	s19 =	sadd.s32 $0x15400, s0;
	s28 =	sadd.s32 $0x16A400, s0  }
0x6: {  	s29 =	sadd.s32 $0x16A500, s0;
	s7 =	sshll.u32 s3, $0x6;
	s3 =	ssub.s32 $0x2, s3  }
0x7: {  	s30 =	sadd.s32 $0x16A600, s0;
	s6 =	sor.u32 s7, s6;
	s9 =	sshrl.u32 s3, $0x1  }
0x8: {  	_ =	strace $0x8000004A;
	s10 =	sshrl.u32 s6, $0x3;
	s3 =	ssub.s32 s3, s9  }
0x9: {  	s21 =	sshll.u32 s6, $0x4;
	s23 =	sor.u32 $0x10, s6;
	s14 =	sor.u32 $0x20, s6  }
0xa: {  	s6 =	sor.u32 $0x30, s6;
	s20 =	sadd.s32 s4, s10;
	s11 =	sadd.s32 s5, s10  }
0xb: {  	s22 =	sadd.s32 s8, s21;
	s9 =	sadd.s32 s19, s21;
	[dreg:$0x3] =	wrdreg s20  }
0xc: {  	s24 =	smul.u32 $0x300, s10;
	s25 =	sshrl.u32 s23, $0x3;
	[dreg:$0x4] =	wrdreg s11  }
0xd: {  	s15 =	sshrl.u32 s14, $0x3;
	s16 =	sshll.u32 s6, $0x4;
	[dreg:$0x5] =	wrdreg s22  }
0xe: {  	s6 =	sshrl.u32 s6, $0x3;
	s31 =	smax.u32 s3, $0x1;
	[dreg:$0x6] =	wrdreg s9  }
0xf: {  	s12 =	sadd.s32 s4, s25;
	s26 =	sadd.s32 s5, s25;
	s11 =	sshll.u32 s23, $0x4  }
0x10: {  	s10 =	smul.u32 $0x300, s25;
	s7 =	sadd.s32 s19, s16;
	[dreg:$0x7] =	wrdreg s12  }
0x11: {  	s17 =	sadd.s32 s5, s15;
	s18 =	smul.u32 $0x300, s15;
	[dreg:$0x8] =	wrdreg s26  }
0x12: {  	s5 =	sadd.s32 s5, s6;
	s20 =	smul.u32 $0x300, s6;
	[dreg:$0xf] =	wrdreg s7  }
0x13: {  	s9 =	simm.s32 $0xD200;
	s13 =	sadd.s32 s8, s11;
	[dreg:$0x10] =	wrdreg s17  }
0x14: {  	s11 =	sadd.s32 s19, s11;
	[dreg:$0x12] =	wrdreg s5;
	s22 =	sadd.s32 s2, s24  }
0x15: {  	s5 =	simm.s32 $0xA200;
	s17 =	simm.s32 $0xAA00;
	[dreg:$0x9] =	wrdreg s13  }
0x16: {  	s7 =	simm.s32 $0xBA00;
	s12 =	simm.s32 $0x10200;
	[dreg:$0xa] =	wrdreg s11  }
0x17: {  	s13 =	sadd.s32 s4, s15;
	s11 =	sshll.u32 s14, $0x4;
	[dreg:$0x14] =	wrdreg s22  }
0x18: {  	s4 =	sadd.s32 s4, s6;
	s26 =	sadd.s32 s2, s18;
	[dreg:$0xb] =	wrdreg s13  }
0x19: {  	s6 =	simm.s32 $0xB200;
	s22 =	simm.s32 $0x10A00;
	[dreg:$0x11] =	wrdreg s4  }
0x1a: {  	s14 =	sadd.s32 s8, s11;
	s11 =	sadd.s32 s19, s11;
	[dreg:$0x19] =	wrdreg s26  }
0x1b: {  	s8 =	sadd.s32 s8, s16;
	s19 =	sadd.s32 $0x13A400, s0;
	[dreg:$0xc] =	wrdreg s14  }
0x1c: {  	s0 =	simm.s32 $0x3;
	s16 =	simm.s32 $0x7100;
	[dreg:$0xd] =	wrdreg s11  }
0x1d: {  	s13 =	simm.s32 $0x11200;
	[dreg:$0xe] =	wrdreg s8;
	s21 =	sadd.s32 s19, s24  }
0x1e: {  	s23 =	sadd.s32 s19, s10;
	s24 =	sadd.s32 s2, s10;
	[dreg:$0x13] =	wrdreg s21  }
0x1f: {  	s25 =	sadd.s32 s19, s18;
	s4 =	sadd.s32 s19, s20;
	[dreg:$0x15] =	wrdreg s23  }
0x20: {  	s2 =	sadd.s32 s2, s20;
	s18 =	simm.s32 $0xC200;
	[dreg:$0x16] =	wrdreg s24  }
0x21: {  	s8 =	simm.s32 $0xCA00;
	s19 =	simm.s32 $0xDA00;
	[dreg:$0x17] =	wrdreg s25  }
0x22: {  	v2 =	vlaneseq.u32;
	s10 =	simm.s32 $0xE200;
	s20 =	simm.s32 $0xEA00;
	[dreg:$0x18] =	wrdreg s4  }
0x23: {  	vm0 =	vmmov $0xffff;
	v1 =	vshrl.u32 v2, $0x3;
	s11 =	simm.s32 $0xF200;
	s14 =	simm.s32 $0x2;
	[dreg:$0x1a] =	wrdreg s2  }
0x24: {  	v0 =	vand.u32 $0x7, v2;
	v2 =	vor.u32 $0x8, v2;
	v1 =	vmul.u32 $0x8, v1;
	s21 =	simm.s32 $0xFA00;
	s23 =	simm.s32 $0x1;
	s24 =	simm.s32 $0x0  }
.LBB2_1:
0x25: {  	s2 =	rddreg [dreg:$0x3]  }
0x26: {  	[tilespmem:s1], [sflag:$0x3] =	stream.linear.gather [hbm4b:s2+s1], $0x10, $0x38;
	[tilespmem:$0x14200] =	vst v63  }
0x27: {  	_ =	swait.ge [sflag:s0], $0x10  }
0x28: {  	[sflag:s0] =	ssyncset.done $0x0  }
0x29: {  	s3 =	simm.s32 $0x80;
	s26 =	rddreg [dreg:$0x4];
	[sflag:s0] =	ssyncadd.s32 $0xFFFFFFF0  }
0x2a: {  	[tilespmem:s3], [sflag:$0x3] =	stream.linear.gather [hbm4b:s26+s1], $0x10, $0x38;
	[tilespmem:$0x14200] =	vst v63  }
0x2b: {  	_ =	swait.ge [sflag:s0], $0x10  }
0x2c: {  	[sflag:s0] =	ssyncset.done $0x0  }
0x2d: {  	s15 =	simm.s32 $0x100;
	s4 =	rddreg [dreg:$0x5];
	[sflag:s0] =	ssyncadd.s32 $0xFFFFFFF0  }
0x2e: {  	[tilespmem:s15], [sflag:$0x3] =	stream.linear.gather [hbm4b:s4+s1], $0x800, $0x38;
	[tilespmem:$0x14200] =	vst v63  }
0x2f: {  	_ =	swait.ge [sflag:s0], $0x800  }
0x30: {  	[sflag:s0] =	ssyncset.done $0x0  }
0x31: {  	s26 =	simm.s32 $0x900;
	s25 =	rddreg [dreg:$0x6];
	[sflag:s0] =	ssyncadd.s32 $0xFFFFF800  }
0x32: {  	[tilespmem:s26], [sflag:$0x3] =	stream.linear.gather [hbm4b:s25+s1], $0x800, $0x38;
	[tilespmem:$0x14200] =	vst v63  }
0x33: {  	_ =	swait.ge [sflag:s0], $0x800  }
0x34: {  	[sflag:s0] =	ssyncset.done $0x0  }
0x35: {  	[sflag:s0] =	ssyncadd.s32 $0xFFFFF800  }
0x36: {  	v3 =	vld [tilespmem:$0x0];
	_ =	sdelay $0x4  }
0x37: {  	v4 =	vshrl.u32 v3, $0x3  }
0x38: {  	v4 =	vmul.u32 $0x30, v4  }
0x39: {  	v3 =	vand.u32 $0x7, v3  }
0x3a: {  	v3 =	vor.u32 v3, v4  }
0x3b: {  	v4 =	vperm.xlane v3, v0;
	_ =	sdelay $0x1  }
0x3c: {  	v4 =	vadd.s32 v1, v4;
	_ =	sdelay $0x3  }
0x3d: {  	s3 =	simm.s32 $0x1100;
	v3 =	vperm.xlane v3, v2  }
0x3e: {  	[tilespmem:s3], [sflag:$0x1] =	stream.indirect_vreg.gather [hbm4b:s28+s1], $0x80, v4, vm0, $0xb8;
	[tilespmem:$0x14200] =	vst v63  }
0x3f: {  	s4 =	simm.s32 $0x1900;
	v3 =	vadd.s32 v1, v3  }
0x40: {  	[tilespmem:s4], [sflag:$0x1] =	stream.indirect_vreg.gather [hbm4b:s29+s1], $0x80, v4, vm0, $0xb8;
	[tilespmem:$0x14200] =	vst v63  }
0x41: {  	s15 =	simm.s32 $0x2100  }
0x42: {  	[tilespmem:s15], [sflag:$0x1] =	stream.indirect_vreg.gather [hbm4b:s30+s1], $0x80, v4, vm0, $0xb8;
	[tilespmem:$0x14200] =	vst v63  }
0x43: {  	s25 =	simm.s32 $0x2900  }
0x44: {  	[tilespmem:s25], [sflag:$0x1] =	stream.indirect_vreg.gather [hbm4b:s28+s1], $0x80, v3, vm0, $0xb8;
	[tilespmem:$0x14200] =	vst v63  }
0x45: {  	s26 =	simm.s32 $0x3100  }
0x46: {  	[tilespmem:s26], [sflag:$0x1] =	stream.indirect_vreg.gather [hbm4b:s29+s1], $0x80, v3, vm0, $0xb8;
	[tilespmem:$0x14200] =	vst v63  }
0x47: {  	s3 =	simm.s32 $0x3900  }
0x48: {  	[tilespmem:s3], [sflag:$0x1] =	stream.indirect_vreg.gather [hbm4b:s30+s1], $0x80, v3, vm0, $0xb8;
	[tilespmem:$0x14200] =	vst v63  }
0x49: {  	v3 =	vld [tilespmem:$0x80];
	_ =	sdelay $0x4  }
0x4a: {  	v61 =	vshrl.u32 v3, $0x3  }
0x4b: {  	v4 =	vmul.u32 $0x30, v61  }
0x4c: {  	v3 =	vand.u32 $0x7, v3  }
0x4d: {  	v3 =	vor.u32 v3, v4  }
0x4e: {  	v4 =	vperm.xlane v3, v0;
	_ =	sdelay $0x1  }
0x4f: {  	v4 =	vadd.s32 v1, v4;
	_ =	sdelay $0x3  }
0x50: {  	s4 =	simm.s32 $0x4100;
	v3 =	vperm.xlane v3, v2  }
0x51: {  	[tilespmem:s4], [sflag:$0x1] =	stream.indirect_vreg.gather [hbm4b:s28+s1], $0x80, v4, vm0, $0xb8;
	[tilespmem:$0x14200] =	vst v63  }
0x52: {  	s15 =	simm.s32 $0x4900;
	v3 =	vadd.s32 v1, v3  }
0x53: {  	[tilespmem:s15], [sflag:$0x1] =	stream.indirect_vreg.gather [hbm4b:s29+s1], $0x80, v4, vm0, $0xb8;
	[tilespmem:$0x14200] =	vst v63  }
0x54: {  	s25 =	simm.s32 $0x5100  }
0x55: {  	[tilespmem:s25], [sflag:$0x1] =	stream.indirect_vreg.gather [hbm4b:s30+s1], $0x80, v4, vm0, $0xb8;
	[tilespmem:$0x14200] =	vst v63  }
0x56: {  	s26 =	simm.s32 $0x5900  }
0x57: {  	[tilespmem:s26], [sflag:$0x1] =	stream.indirect_vreg.gather [hbm4b:s28+s1], $0x80, v3, vm0, $0xb8;
	[tilespmem:$0x14200] =	vst v63  }
0x58: {  	s3 =	simm.s32 $0x6100  }
0x59: {  	[tilespmem:s3], [sflag:$0x1] =	stream.indirect_vreg.gather [hbm4b:s29+s1], $0x80, v3, vm0, $0xb8;
	[tilespmem:$0x14200] =	vst v63  }
0x5a: {  	s4 =	simm.s32 $0x6900  }
0x5b: {  	[tilespmem:s4], [sflag:$0x1] =	stream.indirect_vreg.gather [hbm4b:s30+s1], $0x80, v3, vm0, $0xb8;
	[tilespmem:$0x14200] =	vst v63  }
0x5c: {  	s15 =	rddreg [dreg:$0x13]  }
0x5d: {  	[tilespmem:s16], [sflag:$0x1] =	stream.linear.gather [hbm4b:s15+s1], $0x3000, $0x38;
	[tilespmem:$0x14200] =	vst v63  }
0x5e: {  	s25 =	rddreg [dreg:$0x7];
	s26 =	simm.s32 $0xA100  }
0x5f: {  	[tilespmem:s26], [sflag:$0x3] =	stream.linear.gather [hbm4b:s25+s1], $0x10, $0x38;
	[tilespmem:$0x14200] =	vst v63  }
0x60: {  	_ =	swait.ge [sflag:s0], $0x10  }
0x61: {  	[sflag:s0] =	ssyncset.done $0x0  }
0x62: {  	s4 =	simm.s32 $0xA180;
	s3 =	rddreg [dreg:$0x8];
	[sflag:s0] =	ssyncadd.s32 $0xFFFFFFF0  }
0x63: {  	[tilespmem:s4], [sflag:$0x3] =	stream.linear.gather [hbm4b:s3+s1], $0x10, $0x38;
	[tilespmem:$0x14200] =	vst v63  }
0x64: {  	_ =	swait.ge [sflag:s0], $0x10  }
0x65: {  	[sflag:s0] =	ssyncset.done $0x0  }
0x66: {  	s15 =	rddreg [dreg:$0x9];
	[sflag:s0] =	ssyncadd.s32 $0xFFFFFFF0  }
0x67: {  	[tilespmem:s5], [sflag:$0x3] =	stream.linear.gather [hbm4b:s15+s1], $0x800, $0x38;
	[tilespmem:$0x14200] =	vst v63  }
0x68: {  	_ =	swait.ge [sflag:s0], $0x800  }
0x69: {  	[sflag:s0] =	ssyncset.done $0x0  }
0x6a: {  	s25 =	rddreg [dreg:$0xa];
	[sflag:s0] =	ssyncadd.s32 $0xFFFFF800  }
0x6b: {  	[tilespmem:s17], [sflag:$0x3] =	stream.linear.gather [hbm4b:s25+s1], $0x800, $0x38;
	[tilespmem:$0x14200] =	vst v63  }
0x6c: {  	_ =	swait.ge [sflag:s0], $0x800  }
0x6d: {  	[sflag:s0] =	ssyncset.done $0x0  }
0x6e: {  	[sflag:s0] =	ssyncadd.s32 $0xFFFFF800  }
0x6f: {  	v3 =	vld [tilespmem:$0xA100];
	_ =	sdelay $0x4  }
0x70: {  	v62 =	vshrl.u32 v3, $0x3  }
0x71: {  	v4 =	vmul.u32 $0x30, v62  }
0x72: {  	v3 =	vand.u32 $0x7, v3  }
0x73: {  	v3 =	vor.u32 v3, v4  }
0x74: {  	v4 =	vperm.xlane v3, v0;
	_ =	sdelay $0x1  }
0x75: {  	v4 =	vadd.s32 v1, v4;
	_ =	sdelay $0x3  }
0x76: {  	v3 =	vperm.xlane v3, v2  }
0x77: {  	[tilespmem:s6], [sflag:$0x1] =	stream.indirect_vreg.gather [hbm4b:s28+s1], $0x80, v4, vm0, $0xb8;
	[tilespmem:$0x14200] =	vst v63  }
0x78: {  	v3 =	vadd.s32 v1, v3  }
0x79: {  	[tilespmem:s7], [sflag:$0x1] =	stream.indirect_vreg.gather [hbm4b:s29+s1], $0x80, v4, vm0, $0xb8;
	[tilespmem:$0x14200] =	vst v63  }
0x7a: {  	_ = 	snop  }
0x7b: {  	[tilespmem:s18], [sflag:$0x1] =	stream.indirect_vreg.gather [hbm4b:s30+s1], $0x80, v4, vm0, $0xb8;
	[tilespmem:$0x14200] =	vst v63  }
0x7c: {  	_ = 	snop  }
0x7d: {  	[tilespmem:s8], [sflag:$0x1] =	stream.indirect_vreg.gather [hbm4b:s28+s1], $0x80, v3, vm0, $0xb8;
	[tilespmem:$0x14200] =	vst v63  }
0x7e: {  	_ = 	snop  }
0x7f: {  	[tilespmem:s9], [sflag:$0x1] =	stream.indirect_vreg.gather [hbm4b:s29+s1], $0x80, v3, vm0, $0xb8;
	[tilespmem:$0x14200] =	vst v63  }
0x80: {  	_ = 	snop  }
0x81: {  	[tilespmem:s19], [sflag:$0x1] =	stream.indirect_vreg.gather [hbm4b:s30+s1], $0x80, v3, vm0, $0xb8;
	[tilespmem:$0x14200] =	vst v63  }
0x82: {  	v3 =	vld [tilespmem:$0xA180];
	_ =	sdelay $0x4  }
0x83: {  	v63 =	vshrl.u32 v3, $0x3  }
0x84: {  	v4 =	vmul.u32 $0x30, v63  }
0x85: {  	v3 =	vand.u32 $0x7, v3  }
0x86: {  	v3 =	vor.u32 v3, v4  }
0x87: {  	v4 =	vperm.xlane v3, v0;
	_ =	sdelay $0x1  }
0x88: {  	v4 =	vadd.s32 v1, v4;
	_ =	sdelay $0x3  }
0x89: {  	v3 =	vperm.xlane v3, v2  }
0x8a: {  	[tilespmem:s10], [sflag:$0x1] =	stream.indirect_vreg.gather [hbm4b:s28+s1], $0x80, v4, vm0, $0xb8;
	[tilespmem:$0x14200] =	vst v63  }
0x8b: {  	v3 =	vadd.s32 v1, v3  }
0x8c: {  	[tilespmem:s20], [sflag:$0x1] =	stream.indirect_vreg.gather [hbm4b:s29+s1], $0x80, v4, vm0, $0xb8;
	[tilespmem:$0x14200] =	vst v63  }
0x8d: {  	_ = 	snop  }
0x8e: {  	[tilespmem:s11], [sflag:$0x1] =	stream.indirect_vreg.gather [hbm4b:s30+s1], $0x80, v4, vm0, $0xb8;
	[tilespmem:$0x14200] =	vst v63  }
0x8f: {  	_ = 	snop  }
0x90: {  	[tilespmem:s21], [sflag:$0x1] =	stream.indirect_vreg.gather [hbm4b:s28+s1], $0x80, v3, vm0, $0xb8;
	[tilespmem:$0x14200] =	vst v63  }
0x91: {  	_ = 	snop  }
0x92: {  	[tilespmem:s12], [sflag:$0x1] =	stream.indirect_vreg.gather [hbm4b:s29+s1], $0x80, v3, vm0, $0xb8;
	[tilespmem:$0x14200] =	vst v63  }
0x93: {  	_ = 	snop  }
0x94: {  	[tilespmem:s22], [sflag:$0x1] =	stream.indirect_vreg.gather [hbm4b:s30+s1], $0x80, v3, vm0, $0xb8;
	[tilespmem:$0x14200] =	vst v63  }
0x95: {  	s26 =	rddreg [dreg:$0x15]  }
0x96: {  	[tilespmem:s13], [sflag:$0x1] =	stream.linear.gather [hbm4b:s26+s1], $0x3000, $0x38;
	[tilespmem:$0x14200] =	vst v63  }
0x97: {  	_ =	swait.ge [sflag:s23], $0x3000  }
0x98: {  	[sflag:s23] =	ssyncset.done $0x0  }
0x99: {  	[sflag:s23] =	ssyncadd.s32 $0xFFFFD000  }
0x9a: {  	_ =	swait.ge [sflag:s23], $0x3000  }
0x9b: {  	[sflag:s23] =	ssyncset.done $0x0  }
0x9c: {  	[sflag:s23] =	ssyncadd.s32 $0xFFFFD000  }
0x9d: {  	_ =	swait.ge [sflag:s23], $0x3000  }
0x9e: {  	[sflag:s23] =	ssyncset.done $0x0  }
0x9f: {  	s15 =	simm.s32 $0x0;
	s25 =	simm.s32 $0x0;
	[sflag:s23] =	ssyncadd.s32 $0xFFFFD000  }
.LBB2_2:
0xa0: {  	s2 =	sshrl.u32 s25, $0x3  }
0xa1: {  	s3 =	sand.u32 $0x7, s15;
	s2 =	smul.u32 $0x6000, s2  }
0xa2: {  	s3 =	sshll.u32 s3, $0x9  }
0xa3: {  	s2 =	sor.u32 s3, s2;
	s3 =	sshll.u32 s25, $0x7  }
0xa4: {  	s4 =	sshra.s32 s2, $0x2;
	v3 =	vld [tilespmem:s3+$0x100]  }
0xa5: {  	v4 =	vld [tilespmem:s3+$0x900];
	s26 =	sadd.s32 $0x1140, s4  }
0xa6: {  	s2 =	sadd.s32 $0x7140, s4;
	v5 =	vld [tilespmem:s26+$0xFFFFFFC0]  }
0xa7: {  	s4 =	sadd.s32 $0x4140, s4;
	v6 =	vld [tilespmem:s2+$0xFFFFFFC0]  }
0xa8: {  	v7 =	vld [tilespmem:s4+$0xFFFFFFC0];
	_ =	sdelay $0x2  }
0xa9: {  	v5 =	vmul.f32 v5, v3;
	_ =	sdelay $0x1  }
0xaa: {  	v5 =	vadd.f32 v5, v6;
	v6 =	vmul.f32 v7, v4;
	_ =	sdelay $0x1  }
0xab: {  	v5 =	vadd.f32 v6, v5;
	_ =	sdelay $0x1  }
0xac: {  	[tilespmem:s2+$0xFFFFFFC0] =	vst v5  }
0xad: {  	v5 =	vld [tilespmem:s26+$0xFFFFFFD0]  }
0xae: {  	v6 =	vld [tilespmem:s2+$0xFFFFFFD0]  }
0xaf: {  	v7 =	vld [tilespmem:s4+$0xFFFFFFD0];
	_ =	sdelay $0x2  }
0xb0: {  	v5 =	vmul.f32 v5, v3;
	_ =	sdelay $0x1  }
0xb1: {  	v5 =	vadd.f32 v5, v6;
	v6 =	vmul.f32 v7, v4;
	_ =	sdelay $0x1  }
0xb2: {  	v5 =	vadd.f32 v6, v5;
	_ =	sdelay $0x1  }
0xb3: {  	[tilespmem:s2+$0xFFFFFFD0] =	vst v5  }
0xb4: {  	v5 =	vld [tilespmem:s26+$0xFFFFFFE0]  }
0xb5: {  	v6 =	vld [tilespmem:s2+$0xFFFFFFE0]  }
0xb6: {  	v7 =	vld [tilespmem:s4+$0xFFFFFFE0];
	_ =	sdelay $0x2  }
0xb7: {  	v5 =	vmul.f32 v5, v3;
	_ =	sdelay $0x1  }
0xb8: {  	v5 =	vadd.f32 v5, v6;
	v6 =	vmul.f32 v7, v4;
	_ =	sdelay $0x1  }
0xb9: {  	v5 =	vadd.f32 v6, v5;
	_ =	sdelay $0x1  }
0xba: {  	[tilespmem:s2+$0xFFFFFFE0] =	vst v5  }
0xbb: {  	v5 =	vld [tilespmem:s26+$0xFFFFFFF0]  }
0xbc: {  	v6 =	vld [tilespmem:s2+$0xFFFFFFF0]  }
0xbd: {  	v7 =	vld [tilespmem:s4+$0xFFFFFFF0];
	_ =	sdelay $0x2  }
0xbe: {  	v5 =	vmul.f32 v5, v3;
	_ =	sdelay $0x1  }
0xbf: {  	v5 =	vadd.f32 v5, v6;
	v6 =	vmul.f32 v7, v4;
	_ =	sdelay $0x1  }
0xc0: {  	v5 =	vadd.f32 v6, v5;
	_ =	sdelay $0x1  }
0xc1: {  	[tilespmem:s2+$0xFFFFFFF0] =	vst v5  }
0xc2: {  	v5 =	vld [tilespmem:s26+$0x0]  }
0xc3: {  	v6 =	vld [tilespmem:s2+$0x0]  }
0xc4: {  	v7 =	vld [tilespmem:s4+$0x0];
	_ =	sdelay $0x2  }
0xc5: {  	v5 =	vmul.f32 v5, v3;
	_ =	sdelay $0x1  }
0xc6: {  	v5 =	vadd.f32 v5, v6;
	v6 =	vmul.f32 v7, v4;
	_ =	sdelay $0x1  }
0xc7: {  	v5 =	vadd.f32 v6, v5;
	_ =	sdelay $0x1  }
0xc8: {  	[tilespmem:s2+$0x0] =	vst v5  }
0xc9: {  	v5 =	vld [tilespmem:s26+$0x10]  }
0xca: {  	v7 =	vld [tilespmem:s2+$0x10]  }
0xcb: {  	v6 =	vld [tilespmem:s4+$0x10];
	_ =	sdelay $0x2  }
0xcc: {  	v5 =	vmul.f32 v5, v3;
	_ =	sdelay $0x1  }
0xcd: {  	v6 =	vmul.f32 v6, v4;
	v5 =	vadd.f32 v5, v7;
	_ =	sdelay $0x1  }
0xce: {  	v5 =	vadd.f32 v6, v5;
	_ =	sdelay $0x1  }
0xcf: {  	[tilespmem:s2+$0x10] =	vst v5  }
0xd0: {  	v5 =	vld [tilespmem:s26+$0x20]  }
0xd1: {  	v7 =	vld [tilespmem:s2+$0x20]  }
0xd2: {  	v6 =	vld [tilespmem:s4+$0x20];
	_ =	sdelay $0x2  }
0xd3: {  	v5 =	vmul.f32 v5, v3;
	_ =	sdelay $0x1  }
0xd4: {  	v6 =	vmul.f32 v6, v4;
	v5 =	vadd.f32 v5, v7;
	_ =	sdelay $0x1  }
0xd5: {  	v5 =	vadd.f32 v6, v5;
	_ =	sdelay $0x1  }
0xd6: {  	[tilespmem:s2+$0x20] =	vst v5  }
0xd7: {  	v5 =	vld [tilespmem:s26+$0x30]  }
0xd8: {  	v7 =	vld [tilespmem:s2+$0x30]  }
0xd9: {  	v6 =	vld [tilespmem:s4+$0x30];
	_ =	sdelay $0x2  }
0xda: {  	v5 =	vmul.f32 v5, v3;
	_ =	sdelay $0x1  }
0xdb: {  	v6 =	vmul.f32 v6, v4;
	v5 =	vadd.f32 v5, v7;
	_ =	sdelay $0x1  }
0xdc: {  	v5 =	vadd.f32 v6, v5  }
0xdd: {  	s3 =	simm.s32 $0x0;
	s4 =	sadd.s32 $0x400, s4  }
.LBB2_3:
0xde: {  	s3 =	sadd.s32 $0x8, s3;
	[tilespmem:s2+$0x30] =	vst v5;
	s2 =	sadd.s32 $0x400, s2;
	s26 =	sadd.s32 $0x400, s26  }
0xdf: {  	v5 =	vld [tilespmem:s26+$0xFFFFFFC0];
	p0 =	slt.u32 s3, $0x28  }
0xe0: {  	v6 =	vld [tilespmem:s2+$0xFFFFFFC0]  }
0xe1: {  	v7 =	vld [tilespmem:s4+$0xFFFFFFC0];
	_ =	sdelay $0x2  }
0xe2: {  	v5 =	vmul.f32 v5, v3;
	_ =	sdelay $0x1  }
0xe3: {  	v5 =	vadd.f32 v5, v6;
	v6 =	vmul.f32 v7, v4;
	_ =	sdelay $0x1  }
0xe4: {  	v5 =	vadd.f32 v6, v5;
	_ =	sdelay $0x1  }
0xe5: {  	[tilespmem:s2+$0xFFFFFFC0] =	vst v5  }
0xe6: {  	v5 =	vld [tilespmem:s26+$0xFFFFFFD0]  }
0xe7: {  	v6 =	vld [tilespmem:s2+$0xFFFFFFD0]  }
0xe8: {  	v7 =	vld [tilespmem:s4+$0xFFFFFFD0];
	_ =	sdelay $0x2  }
0xe9: {  	v5 =	vmul.f32 v5, v3;
	_ =	sdelay $0x1  }
0xea: {  	v5 =	vadd.f32 v5, v6;
	v6 =	vmul.f32 v7, v4;
	_ =	sdelay $0x1  }
0xeb: {  	v5 =	vadd.f32 v6, v5;
	_ =	sdelay $0x1  }
0xec: {  	[tilespmem:s2+$0xFFFFFFD0] =	vst v5  }
0xed: {  	v5 =	vld [tilespmem:s26+$0xFFFFFFE0]  }
0xee: {  	v6 =	vld [tilespmem:s2+$0xFFFFFFE0]  }
0xef: {  	v7 =	vld [tilespmem:s4+$0xFFFFFFE0];
	_ =	sdelay $0x2  }
0xf0: {  	v5 =	vmul.f32 v5, v3;
	_ =	sdelay $0x1  }
0xf1: {  	v5 =	vadd.f32 v5, v6;
	v6 =	vmul.f32 v7, v4;
	_ =	sdelay $0x1  }
0xf2: {  	v5 =	vadd.f32 v6, v5;
	_ =	sdelay $0x1  }
0xf3: {  	[tilespmem:s2+$0xFFFFFFE0] =	vst v5  }
0xf4: {  	v5 =	vld [tilespmem:s26+$0xFFFFFFF0]  }
0xf5: {  	v6 =	vld [tilespmem:s2+$0xFFFFFFF0]  }
0xf6: {  	v7 =	vld [tilespmem:s4+$0xFFFFFFF0];
	_ =	sdelay $0x2  }
0xf7: {  	v5 =	vmul.f32 v5, v3;
	_ =	sdelay $0x1  }
0xf8: {  	v5 =	vadd.f32 v5, v6;
	v6 =	vmul.f32 v7, v4;
	_ =	sdelay $0x1  }
0xf9: {  	v5 =	vadd.f32 v6, v5;
	_ =	sdelay $0x1  }
0xfa: {  	[tilespmem:s2+$0xFFFFFFF0] =	vst v5  }
0xfb: {  	v5 =	vld [tilespmem:s26+$0x0]  }
0xfc: {  	v6 =	vld [tilespmem:s2+$0x0]  }
0xfd: {  	v7 =	vld [tilespmem:s4+$0x0];
	_ =	sdelay $0x2  }
0xfe: {  	v5 =	vmul.f32 v5, v3;
	_ =	sdelay $0x1  }
0xff: {  	v5 =	vadd.f32 v5, v6;
	v6 =	vmul.f32 v7, v4;
	_ =	sdelay $0x1  }
0x100: {  	v5 =	vadd.f32 v6, v5;
	_ =	sdelay $0x1  }
0x101: {  	[tilespmem:s2+$0x0] =	vst v5  }
0x102: {  	v5 =	vld [tilespmem:s26+$0x10]  }
0x103: {  	v6 =	vld [tilespmem:s4+$0x10]  }
0x104: {  	v7 =	vld [tilespmem:s2+$0x10];
	_ =	sdelay $0x2  }
0x105: {  	v5 =	vmul.f32 v5, v3;
	_ =	sdelay $0x1  }
0x106: {  	v6 =	vmul.f32 v6, v4;
	v5 =	vadd.f32 v5, v7;
	_ =	sdelay $0x1  }
0x107: {  	v5 =	vadd.f32 v6, v5;
	_ =	sdelay $0x1  }
0x108: {  	[tilespmem:s2+$0x10] =	vst v5  }
0x109: {  	v5 =	vld [tilespmem:s26+$0x20]  }
0x10a: {  	v6 =	vld [tilespmem:s4+$0x20]  }
0x10b: {  	v7 =	vld [tilespmem:s2+$0x20];
	_ =	sdelay $0x2  }
0x10c: {  	v5 =	vmul.f32 v5, v3;
	_ =	sdelay $0x1  }
0x10d: {  	v6 =	vmul.f32 v6, v4;
	v5 =	vadd.f32 v5, v7;
	_ =	sdelay $0x1  }
0x10e: {  	v5 =	vadd.f32 v6, v5;
	_ =	sdelay $0x1  }
0x10f: {  	[tilespmem:s2+$0x20] =	vst v5  }
0x110: {  	v5 =	vld [tilespmem:s26+$0x30]  }
0x111: {  	v6 =	vld [tilespmem:s4+$0x30]  }
0x112: {  	v7 =	vld [tilespmem:s2+$0x30];
	_ =	sdelay $0x2  }
0x113: {  	v5 =	vmul.f32 v5, v3  }
.Ltmp0:
0x114: {  	(pc) =	sbr.rel @p0 .LBB2_3-.Ltmp0, $3  }
0x115: {  	v6 =	vmul.f32 v6, v4;
	v5 =	vadd.f32 v5, v7;
	_ =	sdelay $0x1  }
0x116: {  	v5 =	vadd.f32 v6, v5  }
0x117: {  	s4 =	sadd.s32 $0x400, s4  }
0x118: {  	s25 =	sadd.s32 $0x1, s25  }
0x119: {  	p0 =	sne.s32 s25, $0x10  }
.Ltmp1:
0x11a: {  	_ = 	snop;
	(pc) =	sbr.rel @p0 .LBB2_2-.Ltmp1, $2  }
0x11b: {  	_ =	sdelay $0x2  }
0x11c: {  	[tilespmem:s2+$0x30] =	vst v5;
	s15 =	sadd.s32 $0x1, s15  }
0x11d: {  	s15 =	simm.s32 $0x0;
	s2 =	rddreg [dreg:$0x14]  }
0x11e: {  	[hbm4b:s2+s15] =	stream.linear.scatter [tilespmem:s16], [sflag:$0x2], $0x3000, $0x38;
	[tilespmem:$0x14200] =	vst v63  }
0x11f: {  	_ =	swait.ge [sflag:s14], $0x3000  }
0x120: {  	[sflag:s14] =	ssyncset.done $0x0  }
0x121: {  	s3 =	rddreg [dreg:$0xb];
	[sflag:s14] =	ssyncadd.s32 $0xFFFFD000  }
0x122: {  	[tilespmem:s15], [sflag:$0x3] =	stream.linear.gather [hbm4b:s3+s15], $0x10, $0x38;
	[tilespmem:$0x14200] =	vst v63  }
0x123: {  	_ =	swait.ge [sflag:s0], $0x10  }
0x124: {  	[sflag:s0] =	ssyncset.done $0x0  }
0x125: {  	s3 =	simm.s32 $0x80;
	s4 =	rddreg [dreg:$0x10];
	[sflag:s0] =	ssyncadd.s32 $0xFFFFFFF0  }
0x126: {  	[tilespmem:s3], [sflag:$0x3] =	stream.linear.gather [hbm4b:s4+s15], $0x10, $0x38;
	[tilespmem:$0x14200] =	vst v63  }
0x127: {  	_ =	swait.ge [sflag:s0], $0x10  }
0x128: {  	[sflag:s0] =	ssyncset.done $0x0  }
0x129: {  	s26 =	simm.s32 $0x100;
	s25 =	rddreg [dreg:$0xc];
	[sflag:s0] =	ssyncadd.s32 $0xFFFFFFF0  }
0x12a: {  	[tilespmem:s26], [sflag:$0x3] =	stream.linear.gather [hbm4b:s25+s15], $0x800, $0x38;
	[tilespmem:$0x14200] =	vst v63  }
0x12b: {  	_ =	swait.ge [sflag:s0], $0x800  }
0x12c: {  	[sflag:s0] =	ssyncset.done $0x0  }
0x12d: {  	s25 =	simm.s32 $0x900;
	s4 =	rddreg [dreg:$0xd];
	[sflag:s0] =	ssyncadd.s32 $0xFFFFF800  }
0x12e: {  	[tilespmem:s25], [sflag:$0x3] =	stream.linear.gather [hbm4b:s4+s15], $0x800, $0x38;
	[tilespmem:$0x14200] =	vst v63  }
0x12f: {  	_ =	swait.ge [sflag:s0], $0x800  }
0x130: {  	[sflag:s0] =	ssyncset.done $0x0  }
0x131: {  	[sflag:s0] =	ssyncadd.s32 $0xFFFFF800  }
0x132: {  	v3 =	vld [tilespmem:$0x0];
	_ =	sdelay $0x4  }
0x133: {  	v4 =	vshrl.u32 v3, $0x3  }
0x134: {  	v4 =	vmul.u32 $0x30, v4  }
0x135: {  	v3 =	vand.u32 $0x7, v3  }
0x136: {  	v3 =	vor.u32 v3, v4  }
0x137: {  	v4 =	vperm.xlane v3, v0;
	_ =	sdelay $0x1  }
0x138: {  	v4 =	vadd.s32 v1, v4;
	_ =	sdelay $0x3  }
0x139: {  	s26 =	simm.s32 $0x1100;
	v3 =	vperm.xlane v3, v2  }
0x13a: {  	[tilespmem:s26], [sflag:$0x1] =	stream.indirect_vreg.gather [hbm4b:s28+s15], $0x80, v4, vm0, $0xb8;
	[tilespmem:$0x14200] =	vst v63  }
0x13b: {  	s3 =	simm.s32 $0x1900;
	v3 =	vadd.s32 v1, v3  }
0x13c: {  	[tilespmem:s3], [sflag:$0x1] =	stream.indirect_vreg.gather [hbm4b:s29+s15], $0x80, v4, vm0, $0xb8;
	[tilespmem:$0x14200] =	vst v63  }
0x13d: {  	s4 =	simm.s32 $0x2100  }
0x13e: {  	[tilespmem:s4], [sflag:$0x1] =	stream.indirect_vreg.gather [hbm4b:s30+s15], $0x80, v4, vm0, $0xb8;
	[tilespmem:$0x14200] =	vst v63  }
0x13f: {  	s25 =	simm.s32 $0x2900  }
0x140: {  	[tilespmem:s25], [sflag:$0x1] =	stream.indirect_vreg.gather [hbm4b:s28+s15], $0x80, v3, vm0, $0xb8;
	[tilespmem:$0x14200] =	vst v63  }
0x141: {  	s26 =	simm.s32 $0x3100  }
0x142: {  	[tilespmem:s26], [sflag:$0x1] =	stream.indirect_vreg.gather [hbm4b:s29+s15], $0x80, v3, vm0, $0xb8;
	[tilespmem:$0x14200] =	vst v63  }
0x143: {  	s3 =	simm.s32 $0x3900  }
0x144: {  	[tilespmem:s3], [sflag:$0x1] =	stream.indirect_vreg.gather [hbm4b:s30+s15], $0x80, v3, vm0, $0xb8;
	[tilespmem:$0x14200] =	vst v63  }
0x145: {  	v3 =	vld [tilespmem:$0x80];
	_ =	sdelay $0x4  }
0x146: {  	v63 =	vshrl.u32 v3, $0x3  }
0x147: {  	v4 =	vmul.u32 $0x30, v63  }
0x148: {  	v3 =	vand.u32 $0x7, v3  }
0x149: {  	v3 =	vor.u32 v3, v4  }
0x14a: {  	v4 =	vperm.xlane v3, v0;
	_ =	sdelay $0x1  }
0x14b: {  	v4 =	vadd.s32 v1, v4;
	_ =	sdelay $0x3  }
0x14c: {  	s4 =	simm.s32 $0x4100;
	v3 =	vperm.xlane v3, v2  }
0x14d: {  	[tilespmem:s4], [sflag:$0x1] =	stream.indirect_vreg.gather [hbm4b:s28+s15], $0x80, v4, vm0, $0xb8;
	[tilespmem:$0x14200] =	vst v63  }
0x14e: {  	s25 =	simm.s32 $0x4900;
	v3 =	vadd.s32 v1, v3  }
0x14f: {  	[tilespmem:s25], [sflag:$0x1] =	stream.indirect_vreg.gather [hbm4b:s29+s15], $0x80, v4, vm0, $0xb8;
	[tilespmem:$0x14200] =	vst v63  }
0x150: {  	s26 =	simm.s32 $0x5100  }
0x151: {  	[tilespmem:s26], [sflag:$0x1] =	stream.indirect_vreg.gather [hbm4b:s30+s15], $0x80, v4, vm0, $0xb8;
	[tilespmem:$0x14200] =	vst v63  }
0x152: {  	s3 =	simm.s32 $0x5900  }
0x153: {  	[tilespmem:s3], [sflag:$0x1] =	stream.indirect_vreg.gather [hbm4b:s28+s15], $0x80, v3, vm0, $0xb8;
	[tilespmem:$0x14200] =	vst v63  }
0x154: {  	s4 =	simm.s32 $0x6100  }
0x155: {  	[tilespmem:s4], [sflag:$0x1] =	stream.indirect_vreg.gather [hbm4b:s29+s15], $0x80, v3, vm0, $0xb8;
	[tilespmem:$0x14200] =	vst v63  }
0x156: {  	s25 =	simm.s32 $0x6900  }
0x157: {  	[tilespmem:s25], [sflag:$0x1] =	stream.indirect_vreg.gather [hbm4b:s30+s15], $0x80, v3, vm0, $0xb8;
	[tilespmem:$0x14200] =	vst v63  }
0x158: {  	s26 =	rddreg [dreg:$0x17]  }
0x159: {  	[tilespmem:s16], [sflag:$0x1] =	stream.linear.gather [hbm4b:s26+s15], $0x3000, $0x38;
	[tilespmem:$0x14200] =	vst v63  }
0x15a: {  	_ =	swait.ge [sflag:s23], $0x3000  }
0x15b: {  	[sflag:s23] =	ssyncset.done $0x0  }
0x15c: {  	[sflag:s23] =	ssyncadd.s32 $0xFFFFD000  }
0x15d: {  	_ =	swait.ge [sflag:s23], $0x3000  }
0x15e: {  	[sflag:s23] =	ssyncset.done $0x0  }
0x15f: {  	[sflag:s23] =	ssyncadd.s32 $0xFFFFD000  }
0x160: {  	_ =	swait.ge [sflag:s23], $0x3000  }
0x161: {  	[sflag:s23] =	ssyncset.done $0x0  }
0x162: {  	s25 =	simm.s32 $0x0;
	[sflag:s23] =	ssyncadd.s32 $0xFFFFD000  }
.LBB2_6:
0x163: {  	s2 =	sshrl.u32 s25, $0x3  }
0x164: {  	s3 =	sand.u32 $0x7, s15;
	s2 =	smul.u32 $0x6000, s2  }
0x165: {  	s3 =	sshll.u32 s3, $0x9  }
0x166: {  	s2 =	sor.u32 s3, s2;
	s3 =	sshll.u32 s25, $0x7  }
0x167: {  	s4 =	sshra.s32 s2, $0x2;
	v3 =	vld [tilespmem:s3+$0xA200]  }
0x168: {  	v4 =	vld [tilespmem:s3+$0xAA00];
	s26 =	sadd.s32 $0xB240, s4  }
0x169: {  	s2 =	sadd.s32 $0x11240, s4;
	v5 =	vld [tilespmem:s26+$0xFFFFFFC0]  }
0x16a: {  	s4 =	sadd.s32 $0xE240, s4;
	v6 =	vld [tilespmem:s2+$0xFFFFFFC0]  }
0x16b: {  	v7 =	vld [tilespmem:s4+$0xFFFFFFC0];
	_ =	sdelay $0x2  }
0x16c: {  	v5 =	vmul.f32 v5, v3;
	_ =	sdelay $0x1  }
0x16d: {  	v5 =	vadd.f32 v5, v6;
	v6 =	vmul.f32 v7, v4;
	_ =	sdelay $0x1  }
0x16e: {  	v5 =	vadd.f32 v6, v5;
	_ =	sdelay $0x1  }
0x16f: {  	[tilespmem:s2+$0xFFFFFFC0] =	vst v5  }
0x170: {  	v5 =	vld [tilespmem:s26+$0xFFFFFFD0]  }
0x171: {  	v6 =	vld [tilespmem:s2+$0xFFFFFFD0]  }
0x172: {  	v7 =	vld [tilespmem:s4+$0xFFFFFFD0];
	_ =	sdelay $0x2  }
0x173: {  	v5 =	vmul.f32 v5, v3;
	_ =	sdelay $0x1  }
0x174: {  	v5 =	vadd.f32 v5, v6;
	v6 =	vmul.f32 v7, v4;
	_ =	sdelay $0x1  }
0x175: {  	v5 =	vadd.f32 v6, v5;
	_ =	sdelay $0x1  }
0x176: {  	[tilespmem:s2+$0xFFFFFFD0] =	vst v5  }
0x177: {  	v5 =	vld [tilespmem:s26+$0xFFFFFFE0]  }
0x178: {  	v6 =	vld [tilespmem:s2+$0xFFFFFFE0]  }
0x179: {  	v7 =	vld [tilespmem:s4+$0xFFFFFFE0];
	_ =	sdelay $0x2  }
0x17a: {  	v5 =	vmul.f32 v5, v3;
	_ =	sdelay $0x1  }
0x17b: {  	v5 =	vadd.f32 v5, v6;
	v6 =	vmul.f32 v7, v4;
	_ =	sdelay $0x1  }
0x17c: {  	v5 =	vadd.f32 v6, v5;
	_ =	sdelay $0x1  }
0x17d: {  	[tilespmem:s2+$0xFFFFFFE0] =	vst v5  }
0x17e: {  	v5 =	vld [tilespmem:s26+$0xFFFFFFF0]  }
0x17f: {  	v6 =	vld [tilespmem:s2+$0xFFFFFFF0]  }
0x180: {  	v7 =	vld [tilespmem:s4+$0xFFFFFFF0];
	_ =	sdelay $0x2  }
0x181: {  	v5 =	vmul.f32 v5, v3;
	_ =	sdelay $0x1  }
0x182: {  	v5 =	vadd.f32 v5, v6;
	v6 =	vmul.f32 v7, v4;
	_ =	sdelay $0x1  }
0x183: {  	v5 =	vadd.f32 v6, v5;
	_ =	sdelay $0x1  }
0x184: {  	[tilespmem:s2+$0xFFFFFFF0] =	vst v5  }
0x185: {  	v5 =	vld [tilespmem:s26+$0x0]  }
0x186: {  	v6 =	vld [tilespmem:s2+$0x0]  }
0x187: {  	v7 =	vld [tilespmem:s4+$0x0];
	_ =	sdelay $0x2  }
0x188: {  	v5 =	vmul.f32 v5, v3;
	_ =	sdelay $0x1  }
0x189: {  	v5 =	vadd.f32 v5, v6;
	v6 =	vmul.f32 v7, v4;
	_ =	sdelay $0x1  }
0x18a: {  	v5 =	vadd.f32 v6, v5;
	_ =	sdelay $0x1  }
0x18b: {  	[tilespmem:s2+$0x0] =	vst v5  }
0x18c: {  	v5 =	vld [tilespmem:s26+$0x10]  }
0x18d: {  	v7 =	vld [tilespmem:s2+$0x10]  }
0x18e: {  	v6 =	vld [tilespmem:s4+$0x10];
	_ =	sdelay $0x2  }
0x18f: {  	v5 =	vmul.f32 v5, v3;
	_ =	sdelay $0x1  }
0x190: {  	v6 =	vmul.f32 v6, v4;
	v5 =	vadd.f32 v5, v7;
	_ =	sdelay $0x1  }
0x191: {  	v5 =	vadd.f32 v6, v5;
	_ =	sdelay $0x1  }
0x192: {  	[tilespmem:s2+$0x10] =	vst v5  }
0x193: {  	v5 =	vld [tilespmem:s26+$0x20]  }
0x194: {  	v7 =	vld [tilespmem:s2+$0x20]  }
0x195: {  	v6 =	vld [tilespmem:s4+$0x20];
	_ =	sdelay $0x2  }
0x196: {  	v5 =	vmul.f32 v5, v3;
	_ =	sdelay $0x1  }
0x197: {  	v6 =	vmul.f32 v6, v4;
	v5 =	vadd.f32 v5, v7;
	_ =	sdelay $0x1  }
0x198: {  	v5 =	vadd.f32 v6, v5;
	_ =	sdelay $0x1  }
0x199: {  	[tilespmem:s2+$0x20] =	vst v5  }
0x19a: {  	v5 =	vld [tilespmem:s26+$0x30]  }
0x19b: {  	v7 =	vld [tilespmem:s2+$0x30]  }
0x19c: {  	v6 =	vld [tilespmem:s4+$0x30];
	_ =	sdelay $0x2  }
0x19d: {  	v5 =	vmul.f32 v5, v3;
	_ =	sdelay $0x1  }
0x19e: {  	v6 =	vmul.f32 v6, v4;
	v5 =	vadd.f32 v5, v7;
	_ =	sdelay $0x1  }
0x19f: {  	v5 =	vadd.f32 v6, v5  }
0x1a0: {  	s3 =	simm.s32 $0x0;
	s4 =	sadd.s32 $0x400, s4  }
.LBB2_7:
0x1a1: {  	s3 =	sadd.s32 $0x8, s3;
	[tilespmem:s2+$0x30] =	vst v5;
	s2 =	sadd.s32 $0x400, s2;
	s26 =	sadd.s32 $0x400, s26  }
0x1a2: {  	v5 =	vld [tilespmem:s26+$0xFFFFFFC0];
	p0 =	slt.u32 s3, $0x28  }
0x1a3: {  	v6 =	vld [tilespmem:s2+$0xFFFFFFC0]  }
0x1a4: {  	v7 =	vld [tilespmem:s4+$0xFFFFFFC0];
	_ =	sdelay $0x2  }
0x1a5: {  	v5 =	vmul.f32 v5, v3;
	_ =	sdelay $0x1  }
0x1a6: {  	v5 =	vadd.f32 v5, v6;
	v6 =	vmul.f32 v7, v4;
	_ =	sdelay $0x1  }
0x1a7: {  	v5 =	vadd.f32 v6, v5;
	_ =	sdelay $0x1  }
0x1a8: {  	[tilespmem:s2+$0xFFFFFFC0] =	vst v5  }
0x1a9: {  	v5 =	vld [tilespmem:s26+$0xFFFFFFD0]  }
0x1aa: {  	v6 =	vld [tilespmem:s2+$0xFFFFFFD0]  }
0x1ab: {  	v7 =	vld [tilespmem:s4+$0xFFFFFFD0];
	_ =	sdelay $0x2  }
0x1ac: {  	v5 =	vmul.f32 v5, v3;
	_ =	sdelay $0x1  }
0x1ad: {  	v5 =	vadd.f32 v5, v6;
	v6 =	vmul.f32 v7, v4;
	_ =	sdelay $0x1  }
0x1ae: {  	v5 =	vadd.f32 v6, v5;
	_ =	sdelay $0x1  }
0x1af: {  	[tilespmem:s2+$0xFFFFFFD0] =	vst v5  }
0x1b0: {  	v5 =	vld [tilespmem:s26+$0xFFFFFFE0]  }
0x1b1: {  	v6 =	vld [tilespmem:s2+$0xFFFFFFE0]  }
0x1b2: {  	v7 =	vld [tilespmem:s4+$0xFFFFFFE0];
	_ =	sdelay $0x2  }
0x1b3: {  	v5 =	vmul.f32 v5, v3;
	_ =	sdelay $0x1  }
0x1b4: {  	v5 =	vadd.f32 v5, v6;
	v6 =	vmul.f32 v7, v4;
	_ =	sdelay $0x1  }
0x1b5: {  	v5 =	vadd.f32 v6, v5;
	_ =	sdelay $0x1  }
0x1b6: {  	[tilespmem:s2+$0xFFFFFFE0] =	vst v5  }
0x1b7: {  	v5 =	vld [tilespmem:s26+$0xFFFFFFF0]  }
0x1b8: {  	v6 =	vld [tilespmem:s2+$0xFFFFFFF0]  }
0x1b9: {  	v7 =	vld [tilespmem:s4+$0xFFFFFFF0];
	_ =	sdelay $0x2  }
0x1ba: {  	v5 =	vmul.f32 v5, v3;
	_ =	sdelay $0x1  }
0x1bb: {  	v5 =	vadd.f32 v5, v6;
	v6 =	vmul.f32 v7, v4;
	_ =	sdelay $0x1  }
0x1bc: {  	v5 =	vadd.f32 v6, v5;
	_ =	sdelay $0x1  }
0x1bd: {  	[tilespmem:s2+$0xFFFFFFF0] =	vst v5  }
0x1be: {  	v5 =	vld [tilespmem:s26+$0x0]  }
0x1bf: {  	v6 =	vld [tilespmem:s2+$0x0]  }
0x1c0: {  	v7 =	vld [tilespmem:s4+$0x0];
	_ =	sdelay $0x2  }
0x1c1: {  	v5 =	vmul.f32 v5, v3;
	_ =	sdelay $0x1  }
0x1c2: {  	v5 =	vadd.f32 v5, v6;
	v6 =	vmul.f32 v7, v4;
	_ =	sdelay $0x1  }
0x1c3: {  	v5 =	vadd.f32 v6, v5;
	_ =	sdelay $0x1  }
0x1c4: {  	[tilespmem:s2+$0x0] =	vst v5  }
0x1c5: {  	v5 =	vld [tilespmem:s26+$0x10]  }
0x1c6: {  	v6 =	vld [tilespmem:s4+$0x10]  }
0x1c7: {  	v7 =	vld [tilespmem:s2+$0x10];
	_ =	sdelay $0x2  }
0x1c8: {  	v5 =	vmul.f32 v5, v3;
	_ =	sdelay $0x1  }
0x1c9: {  	v6 =	vmul.f32 v6, v4;
	v5 =	vadd.f32 v5, v7;
	_ =	sdelay $0x1  }
0x1ca: {  	v5 =	vadd.f32 v6, v5;
	_ =	sdelay $0x1  }
0x1cb: {  	[tilespmem:s2+$0x10] =	vst v5  }
0x1cc: {  	v5 =	vld [tilespmem:s26+$0x20]  }
0x1cd: {  	v6 =	vld [tilespmem:s4+$0x20]  }
0x1ce: {  	v7 =	vld [tilespmem:s2+$0x20];
	_ =	sdelay $0x2  }
0x1cf: {  	v5 =	vmul.f32 v5, v3;
	_ =	sdelay $0x1  }
0x1d0: {  	v6 =	vmul.f32 v6, v4;
	v5 =	vadd.f32 v5, v7;
	_ =	sdelay $0x1  }
0x1d1: {  	v5 =	vadd.f32 v6, v5;
	_ =	sdelay $0x1  }
0x1d2: {  	[tilespmem:s2+$0x20] =	vst v5  }
0x1d3: {  	v5 =	vld [tilespmem:s26+$0x30]  }
0x1d4: {  	v6 =	vld [tilespmem:s4+$0x30]  }
0x1d5: {  	v7 =	vld [tilespmem:s2+$0x30];
	_ =	sdelay $0x2  }
0x1d6: {  	v5 =	vmul.f32 v5, v3  }
.Ltmp2:
0x1d7: {  	(pc) =	sbr.rel @p0 .LBB2_7-.Ltmp2, $3  }
0x1d8: {  	v6 =	vmul.f32 v6, v4;
	v5 =	vadd.f32 v5, v7;
	_ =	sdelay $0x1  }
0x1d9: {  	v5 =	vadd.f32 v6, v5  }
0x1da: {  	s4 =	sadd.s32 $0x400, s4  }
0x1db: {  	s25 =	sadd.s32 $0x1, s25  }
0x1dc: {  	p0 =	sne.s32 s25, $0x10  }
.Ltmp3:
0x1dd: {  	_ = 	snop;
	(pc) =	sbr.rel @p0 .LBB2_6-.Ltmp3, $2  }
0x1de: {  	_ =	sdelay $0x2  }
0x1df: {  	[tilespmem:s2+$0x30] =	vst v5;
	s15 =	sadd.s32 $0x1, s15  }
0x1e0: {  	s15 =	simm.s32 $0x0;
	s2 =	rddreg [dreg:$0x16]  }
0x1e1: {  	[hbm4b:s2+s15] =	stream.linear.scatter [tilespmem:s13], [sflag:$0x2], $0x3000, $0x38;
	[tilespmem:$0x14200] =	vst v63  }
0x1e2: {  	_ =	swait.ge [sflag:s14], $0x3000  }
0x1e3: {  	[sflag:s14] =	ssyncset.done $0x0  }
0x1e4: {  	s3 =	simm.s32 $0xA100;
	s4 =	rddreg [dreg:$0x11];
	[sflag:s14] =	ssyncadd.s32 $0xFFFFD000  }
0x1e5: {  	[tilespmem:s3], [sflag:$0x3] =	stream.linear.gather [hbm4b:s4+s15], $0x10, $0x38;
	[tilespmem:$0x14200] =	vst v63  }
0x1e6: {  	_ =	swait.ge [sflag:s0], $0x10  }
0x1e7: {  	[sflag:s0] =	ssyncset.done $0x0  }
0x1e8: {  	s26 =	simm.s32 $0xA180;
	s25 =	rddreg [dreg:$0x12];
	[sflag:s0] =	ssyncadd.s32 $0xFFFFFFF0  }
0x1e9: {  	[tilespmem:s26], [sflag:$0x3] =	stream.linear.gather [hbm4b:s25+s15], $0x10, $0x38;
	[tilespmem:$0x14200] =	vst v63  }
0x1ea: {  	_ =	swait.ge [sflag:s0], $0x10  }
0x1eb: {  	[sflag:s0] =	ssyncset.done $0x0  }
0x1ec: {  	s4 =	rddreg [dreg:$0xe];
	[sflag:s0] =	ssyncadd.s32 $0xFFFFFFF0  }
0x1ed: {  	[tilespmem:s5], [sflag:$0x3] =	stream.linear.gather [hbm4b:s4+s15], $0x800, $0x38;
	[tilespmem:$0x14200] =	vst v63  }
0x1ee: {  	_ =	swait.ge [sflag:s0], $0x800  }
0x1ef: {  	[sflag:s0] =	ssyncset.done $0x0  }
0x1f0: {  	s25 =	rddreg [dreg:$0xf];
	[sflag:s0] =	ssyncadd.s32 $0xFFFFF800  }
0x1f1: {  	[tilespmem:s17], [sflag:$0x3] =	stream.linear.gather [hbm4b:s25+s15], $0x800, $0x38;
	[tilespmem:$0x14200] =	vst v63  }
0x1f2: {  	_ =	swait.ge [sflag:s0], $0x800  }
0x1f3: {  	[sflag:s0] =	ssyncset.done $0x0  }
0x1f4: {  	[sflag:s0] =	ssyncadd.s32 $0xFFFFF800  }
0x1f5: {  	v3 =	vld [tilespmem:$0xA100];
	_ =	sdelay $0x4  }
0x1f6: {  	v4 =	vshrl.u32 v3, $0x3  }
0x1f7: {  	v4 =	vmul.u32 $0x30, v4  }
0x1f8: {  	v3 =	vand.u32 $0x7, v3  }
0x1f9: {  	v3 =	vor.u32 v3, v4  }
0x1fa: {  	v4 =	vperm.xlane v3, v0;
	_ =	sdelay $0x1  }
0x1fb: {  	v4 =	vadd.s32 v1, v4;
	_ =	sdelay $0x3  }
0x1fc: {  	v3 =	vperm.xlane v3, v2  }
0x1fd: {  	[tilespmem:s6], [sflag:$0x1] =	stream.indirect_vreg.gather [hbm4b:s28+s15], $0x80, v4, vm0, $0xb8;
	[tilespmem:$0x14200] =	vst v63  }
0x1fe: {  	v3 =	vadd.s32 v1, v3  }
0x1ff: {  	[tilespmem:s7], [sflag:$0x1] =	stream.indirect_vreg.gather [hbm4b:s29+s15], $0x80, v4, vm0, $0xb8;
	[tilespmem:$0x14200] =	vst v63  }
0x200: {  	_ = 	snop  }
0x201: {  	[tilespmem:s18], [sflag:$0x1] =	stream.indirect_vreg.gather [hbm4b:s30+s15], $0x80, v4, vm0, $0xb8;
	[tilespmem:$0x14200] =	vst v63  }
0x202: {  	_ = 	snop  }
0x203: {  	[tilespmem:s8], [sflag:$0x1] =	stream.indirect_vreg.gather [hbm4b:s28+s15], $0x80, v3, vm0, $0xb8;
	[tilespmem:$0x14200] =	vst v63  }
0x204: {  	_ = 	snop  }
0x205: {  	[tilespmem:s9], [sflag:$0x1] =	stream.indirect_vreg.gather [hbm4b:s29+s15], $0x80, v3, vm0, $0xb8;
	[tilespmem:$0x14200] =	vst v63  }
0x206: {  	_ = 	snop  }
0x207: {  	[tilespmem:s19], [sflag:$0x1] =	stream.indirect_vreg.gather [hbm4b:s30+s15], $0x80, v3, vm0, $0xb8;
	[tilespmem:$0x14200] =	vst v63  }
0x208: {  	v3 =	vld [tilespmem:$0xA180];
	_ =	sdelay $0x4  }
0x209: {  	v63 =	vshrl.u32 v3, $0x3  }
0x20a: {  	v4 =	vmul.u32 $0x30, v63  }
0x20b: {  	v3 =	vand.u32 $0x7, v3  }
0x20c: {  	v3 =	vor.u32 v3, v4  }
0x20d: {  	v4 =	vperm.xlane v3, v0;
	_ =	sdelay $0x1  }
0x20e: {  	v4 =	vadd.s32 v1, v4;
	_ =	sdelay $0x3  }
0x20f: {  	v3 =	vperm.xlane v3, v2  }
0x210: {  	[tilespmem:s10], [sflag:$0x1] =	stream.indirect_vreg.gather [hbm4b:s28+s15], $0x80, v4, vm0, $0xb8;
	[tilespmem:$0x14200] =	vst v63  }
0x211: {  	v3 =	vadd.s32 v1, v3  }
0x212: {  	[tilespmem:s20], [sflag:$0x1] =	stream.indirect_vreg.gather [hbm4b:s29+s15], $0x80, v4, vm0, $0xb8;
	[tilespmem:$0x14200] =	vst v63  }
0x213: {  	_ = 	snop  }
0x214: {  	[tilespmem:s11], [sflag:$0x1] =	stream.indirect_vreg.gather [hbm4b:s30+s15], $0x80, v4, vm0, $0xb8;
	[tilespmem:$0x14200] =	vst v63  }
0x215: {  	_ = 	snop  }
0x216: {  	[tilespmem:s21], [sflag:$0x1] =	stream.indirect_vreg.gather [hbm4b:s28+s15], $0x80, v3, vm0, $0xb8;
	[tilespmem:$0x14200] =	vst v63  }
0x217: {  	_ = 	snop  }
0x218: {  	[tilespmem:s12], [sflag:$0x1] =	stream.indirect_vreg.gather [hbm4b:s29+s15], $0x80, v3, vm0, $0xb8;
	[tilespmem:$0x14200] =	vst v63  }
0x219: {  	_ = 	snop  }
0x21a: {  	[tilespmem:s22], [sflag:$0x1] =	stream.indirect_vreg.gather [hbm4b:s30+s15], $0x80, v3, vm0, $0xb8;
	[tilespmem:$0x14200] =	vst v63  }
0x21b: {  	s26 =	rddreg [dreg:$0x18]  }
0x21c: {  	[tilespmem:s13], [sflag:$0x1] =	stream.linear.gather [hbm4b:s26+s15], $0x3000, $0x38;
	[tilespmem:$0x14200] =	vst v63  }
0x21d: {  	_ =	swait.ge [sflag:s23], $0x3000  }
0x21e: {  	[sflag:s23] =	ssyncset.done $0x0  }
0x21f: {  	[sflag:s23] =	ssyncadd.s32 $0xFFFFD000  }
0x220: {  	_ =	swait.ge [sflag:s23], $0x3000  }
0x221: {  	[sflag:s23] =	ssyncset.done $0x0  }
0x222: {  	[sflag:s23] =	ssyncadd.s32 $0xFFFFD000  }
0x223: {  	_ =	swait.ge [sflag:s23], $0x3000  }
0x224: {  	[sflag:s23] =	ssyncset.done $0x0  }
0x225: {  	s25 =	simm.s32 $0x0;
	[sflag:s23] =	ssyncadd.s32 $0xFFFFD000  }
.LBB2_10:
0x226: {  	s2 =	sshrl.u32 s25, $0x3  }
0x227: {  	s3 =	sand.u32 $0x7, s15;
	s2 =	smul.u32 $0x6000, s2  }
0x228: {  	s3 =	sshll.u32 s3, $0x9  }
0x229: {  	s2 =	sor.u32 s3, s2;
	s3 =	sshll.u32 s25, $0x7  }
0x22a: {  	s4 =	sshra.s32 s2, $0x2;
	v3 =	vld [tilespmem:s3+$0x100]  }
0x22b: {  	v4 =	vld [tilespmem:s3+$0x900];
	s26 =	sadd.s32 $0x1140, s4  }
0x22c: {  	s2 =	sadd.s32 $0x7140, s4;
	v5 =	vld [tilespmem:s26+$0xFFFFFFC0]  }
0x22d: {  	s4 =	sadd.s32 $0x4140, s4;
	v6 =	vld [tilespmem:s2+$0xFFFFFFC0]  }
0x22e: {  	v7 =	vld [tilespmem:s4+$0xFFFFFFC0];
	_ =	sdelay $0x2  }
0x22f: {  	v5 =	vmul.f32 v5, v3;
	_ =	sdelay $0x1  }
0x230: {  	v5 =	vadd.f32 v5, v6;
	v6 =	vmul.f32 v7, v4;
	_ =	sdelay $0x1  }
0x231: {  	v5 =	vadd.f32 v6, v5;
	_ =	sdelay $0x1  }
0x232: {  	[tilespmem:s2+$0xFFFFFFC0] =	vst v5  }
0x233: {  	v5 =	vld [tilespmem:s26+$0xFFFFFFD0]  }
0x234: {  	v6 =	vld [tilespmem:s2+$0xFFFFFFD0]  }
0x235: {  	v7 =	vld [tilespmem:s4+$0xFFFFFFD0];
	_ =	sdelay $0x2  }
0x236: {  	v5 =	vmul.f32 v5, v3;
	_ =	sdelay $0x1  }
0x237: {  	v5 =	vadd.f32 v5, v6;
	v6 =	vmul.f32 v7, v4;
	_ =	sdelay $0x1  }
0x238: {  	v5 =	vadd.f32 v6, v5;
	_ =	sdelay $0x1  }
0x239: {  	[tilespmem:s2+$0xFFFFFFD0] =	vst v5  }
0x23a: {  	v5 =	vld [tilespmem:s26+$0xFFFFFFE0]  }
0x23b: {  	v6 =	vld [tilespmem:s2+$0xFFFFFFE0]  }
0x23c: {  	v7 =	vld [tilespmem:s4+$0xFFFFFFE0];
	_ =	sdelay $0x2  }
0x23d: {  	v5 =	vmul.f32 v5, v3;
	_ =	sdelay $0x1  }
0x23e: {  	v5 =	vadd.f32 v5, v6;
	v6 =	vmul.f32 v7, v4;
	_ =	sdelay $0x1  }
0x23f: {  	v5 =	vadd.f32 v6, v5;
	_ =	sdelay $0x1  }
0x240: {  	[tilespmem:s2+$0xFFFFFFE0] =	vst v5  }
0x241: {  	v5 =	vld [tilespmem:s26+$0xFFFFFFF0]  }
0x242: {  	v6 =	vld [tilespmem:s2+$0xFFFFFFF0]  }
0x243: {  	v7 =	vld [tilespmem:s4+$0xFFFFFFF0];
	_ =	sdelay $0x2  }
0x244: {  	v5 =	vmul.f32 v5, v3;
	_ =	sdelay $0x1  }
0x245: {  	v5 =	vadd.f32 v5, v6;
	v6 =	vmul.f32 v7, v4;
	_ =	sdelay $0x1  }
0x246: {  	v5 =	vadd.f32 v6, v5;
	_ =	sdelay $0x1  }
0x247: {  	[tilespmem:s2+$0xFFFFFFF0] =	vst v5  }
0x248: {  	v5 =	vld [tilespmem:s26+$0x0]  }
0x249: {  	v6 =	vld [tilespmem:s2+$0x0]  }
0x24a: {  	v7 =	vld [tilespmem:s4+$0x0];
	_ =	sdelay $0x2  }
0x24b: {  	v5 =	vmul.f32 v5, v3;
	_ =	sdelay $0x1  }
0x24c: {  	v5 =	vadd.f32 v5, v6;
	v6 =	vmul.f32 v7, v4;
	_ =	sdelay $0x1  }
0x24d: {  	v5 =	vadd.f32 v6, v5;
	_ =	sdelay $0x1  }
0x24e: {  	[tilespmem:s2+$0x0] =	vst v5  }
0x24f: {  	v5 =	vld [tilespmem:s26+$0x10]  }
0x250: {  	v7 =	vld [tilespmem:s2+$0x10]  }
0x251: {  	v6 =	vld [tilespmem:s4+$0x10];
	_ =	sdelay $0x2  }
0x252: {  	v5 =	vmul.f32 v5, v3;
	_ =	sdelay $0x1  }
0x253: {  	v6 =	vmul.f32 v6, v4;
	v5 =	vadd.f32 v5, v7;
	_ =	sdelay $0x1  }
0x254: {  	v5 =	vadd.f32 v6, v5;
	_ =	sdelay $0x1  }
0x255: {  	[tilespmem:s2+$0x10] =	vst v5  }
0x256: {  	v5 =	vld [tilespmem:s26+$0x20]  }
0x257: {  	v7 =	vld [tilespmem:s2+$0x20]  }
0x258: {  	v6 =	vld [tilespmem:s4+$0x20];
	_ =	sdelay $0x2  }
0x259: {  	v5 =	vmul.f32 v5, v3;
	_ =	sdelay $0x1  }
0x25a: {  	v6 =	vmul.f32 v6, v4;
	v5 =	vadd.f32 v5, v7;
	_ =	sdelay $0x1  }
0x25b: {  	v5 =	vadd.f32 v6, v5;
	_ =	sdelay $0x1  }
0x25c: {  	[tilespmem:s2+$0x20] =	vst v5  }
0x25d: {  	v5 =	vld [tilespmem:s26+$0x30]  }
0x25e: {  	v7 =	vld [tilespmem:s2+$0x30]  }
0x25f: {  	v6 =	vld [tilespmem:s4+$0x30];
	_ =	sdelay $0x2  }
0x260: {  	v5 =	vmul.f32 v5, v3;
	_ =	sdelay $0x1  }
0x261: {  	v6 =	vmul.f32 v6, v4;
	v5 =	vadd.f32 v5, v7;
	_ =	sdelay $0x1  }
0x262: {  	v5 =	vadd.f32 v6, v5  }
0x263: {  	s3 =	simm.s32 $0x0;
	s4 =	sadd.s32 $0x400, s4  }
.LBB2_11:
0x264: {  	s3 =	sadd.s32 $0x8, s3;
	[tilespmem:s2+$0x30] =	vst v5;
	s2 =	sadd.s32 $0x400, s2;
	s26 =	sadd.s32 $0x400, s26  }
0x265: {  	v5 =	vld [tilespmem:s26+$0xFFFFFFC0];
	p0 =	slt.u32 s3, $0x28  }
0x266: {  	v6 =	vld [tilespmem:s2+$0xFFFFFFC0]  }
0x267: {  	v7 =	vld [tilespmem:s4+$0xFFFFFFC0];
	_ =	sdelay $0x2  }
0x268: {  	v5 =	vmul.f32 v5, v3;
	_ =	sdelay $0x1  }
0x269: {  	v5 =	vadd.f32 v5, v6;
	v6 =	vmul.f32 v7, v4;
	_ =	sdelay $0x1  }
0x26a: {  	v5 =	vadd.f32 v6, v5;
	_ =	sdelay $0x1  }
0x26b: {  	[tilespmem:s2+$0xFFFFFFC0] =	vst v5  }
0x26c: {  	v5 =	vld [tilespmem:s26+$0xFFFFFFD0]  }
0x26d: {  	v6 =	vld [tilespmem:s2+$0xFFFFFFD0]  }
0x26e: {  	v7 =	vld [tilespmem:s4+$0xFFFFFFD0];
	_ =	sdelay $0x2  }
0x26f: {  	v5 =	vmul.f32 v5, v3;
	_ =	sdelay $0x1  }
0x270: {  	v5 =	vadd.f32 v5, v6;
	v6 =	vmul.f32 v7, v4;
	_ =	sdelay $0x1  }
0x271: {  	v5 =	vadd.f32 v6, v5;
	_ =	sdelay $0x1  }
0x272: {  	[tilespmem:s2+$0xFFFFFFD0] =	vst v5  }
0x273: {  	v5 =	vld [tilespmem:s26+$0xFFFFFFE0]  }
0x274: {  	v6 =	vld [tilespmem:s2+$0xFFFFFFE0]  }
0x275: {  	v7 =	vld [tilespmem:s4+$0xFFFFFFE0];
	_ =	sdelay $0x2  }
0x276: {  	v5 =	vmul.f32 v5, v3;
	_ =	sdelay $0x1  }
0x277: {  	v5 =	vadd.f32 v5, v6;
	v6 =	vmul.f32 v7, v4;
	_ =	sdelay $0x1  }
0x278: {  	v5 =	vadd.f32 v6, v5;
	_ =	sdelay $0x1  }
0x279: {  	[tilespmem:s2+$0xFFFFFFE0] =	vst v5  }
0x27a: {  	v5 =	vld [tilespmem:s26+$0xFFFFFFF0]  }
0x27b: {  	v6 =	vld [tilespmem:s2+$0xFFFFFFF0]  }
0x27c: {  	v7 =	vld [tilespmem:s4+$0xFFFFFFF0];
	_ =	sdelay $0x2  }
0x27d: {  	v5 =	vmul.f32 v5, v3;
	_ =	sdelay $0x1  }
0x27e: {  	v5 =	vadd.f32 v5, v6;
	v6 =	vmul.f32 v7, v4;
	_ =	sdelay $0x1  }
0x27f: {  	v5 =	vadd.f32 v6, v5;
	_ =	sdelay $0x1  }
0x280: {  	[tilespmem:s2+$0xFFFFFFF0] =	vst v5  }
0x281: {  	v5 =	vld [tilespmem:s26+$0x0]  }
0x282: {  	v6 =	vld [tilespmem:s2+$0x0]  }
0x283: {  	v7 =	vld [tilespmem:s4+$0x0];
	_ =	sdelay $0x2  }
0x284: {  	v5 =	vmul.f32 v5, v3;
	_ =	sdelay $0x1  }
0x285: {  	v5 =	vadd.f32 v5, v6;
	v6 =	vmul.f32 v7, v4;
	_ =	sdelay $0x1  }
0x286: {  	v5 =	vadd.f32 v6, v5;
	_ =	sdelay $0x1  }
0x287: {  	[tilespmem:s2+$0x0] =	vst v5  }
0x288: {  	v5 =	vld [tilespmem:s26+$0x10]  }
0x289: {  	v6 =	vld [tilespmem:s4+$0x10]  }
0x28a: {  	v7 =	vld [tilespmem:s2+$0x10];
	_ =	sdelay $0x2  }
0x28b: {  	v5 =	vmul.f32 v5, v3;
	_ =	sdelay $0x1  }
0x28c: {  	v6 =	vmul.f32 v6, v4;
	v5 =	vadd.f32 v5, v7;
	_ =	sdelay $0x1  }
0x28d: {  	v5 =	vadd.f32 v6, v5;
	_ =	sdelay $0x1  }
0x28e: {  	[tilespmem:s2+$0x10] =	vst v5  }
0x28f: {  	v5 =	vld [tilespmem:s26+$0x20]  }
0x290: {  	v6 =	vld [tilespmem:s4+$0x20]  }
0x291: {  	v7 =	vld [tilespmem:s2+$0x20];
	_ =	sdelay $0x2  }
0x292: {  	v5 =	vmul.f32 v5, v3;
	_ =	sdelay $0x1  }
0x293: {  	v6 =	vmul.f32 v6, v4;
	v5 =	vadd.f32 v5, v7;
	_ =	sdelay $0x1  }
0x294: {  	v5 =	vadd.f32 v6, v5;
	_ =	sdelay $0x1  }
0x295: {  	[tilespmem:s2+$0x20] =	vst v5  }
0x296: {  	v5 =	vld [tilespmem:s26+$0x30]  }
0x297: {  	v6 =	vld [tilespmem:s4+$0x30]  }
0x298: {  	v7 =	vld [tilespmem:s2+$0x30];
	_ =	sdelay $0x2  }
0x299: {  	v5 =	vmul.f32 v5, v3  }
.Ltmp4:
0x29a: {  	(pc) =	sbr.rel @p0 .LBB2_11-.Ltmp4, $3  }
0x29b: {  	v6 =	vmul.f32 v6, v4;
	v5 =	vadd.f32 v5, v7;
	_ =	sdelay $0x1  }
0x29c: {  	v5 =	vadd.f32 v6, v5  }
0x29d: {  	s4 =	sadd.s32 $0x400, s4  }
0x29e: {  	s25 =	sadd.s32 $0x1, s25  }
0x29f: {  	p0 =	sne.s32 s25, $0x10  }
.Ltmp5:
0x2a0: {  	_ = 	snop;
	(pc) =	sbr.rel @p0 .LBB2_10-.Ltmp5, $2  }
0x2a1: {  	_ =	sdelay $0x2  }
0x2a2: {  	[tilespmem:s2+$0x30] =	vst v5;
	s15 =	sadd.s32 $0x1, s15  }
0x2a3: {  	s15 =	simm.s32 $0x0;
	s2 =	rddreg [dreg:$0x19]  }
0x2a4: {  	[hbm4b:s2+s15] =	stream.linear.scatter [tilespmem:s16], [sflag:$0x2], $0x3000, $0x38;
	[tilespmem:$0x14200] =	vst v63  }
0x2a5: {  	_ =	swait.ge [sflag:s23], $0x3000  }
0x2a6: {  	[sflag:s23] =	ssyncset.done $0x0  }
0x2a7: {  	[sflag:s23] =	ssyncadd.s32 $0xFFFFD000  }
0x2a8: {  	_ =	swait.ge [sflag:s23], $0x3000  }
0x2a9: {  	[sflag:s23] =	ssyncset.done $0x0  }
0x2aa: {  	[sflag:s23] =	ssyncadd.s32 $0xFFFFD000  }
0x2ab: {  	_ =	swait.ge [sflag:s23], $0x3000  }
0x2ac: {  	[sflag:s23] =	ssyncset.done $0x0  }
0x2ad: {  	s25 =	simm.s32 $0x0;
	[sflag:s23] =	ssyncadd.s32 $0xFFFFD000  }
.LBB2_14:
0x2ae: {  	s2 =	sshrl.u32 s25, $0x3  }
0x2af: {  	s3 =	sand.u32 $0x7, s15;
	s2 =	smul.u32 $0x6000, s2  }
0x2b0: {  	s3 =	sshll.u32 s3, $0x9  }
0x2b1: {  	s2 =	sor.u32 s3, s2;
	s3 =	sshll.u32 s25, $0x7  }
0x2b2: {  	s4 =	sshra.s32 s2, $0x2;
	v3 =	vld [tilespmem:s3+$0xA200]  }
0x2b3: {  	v4 =	vld [tilespmem:s3+$0xAA00];
	s26 =	sadd.s32 $0xB240, s4  }
0x2b4: {  	s2 =	sadd.s32 $0x11240, s4;
	v5 =	vld [tilespmem:s26+$0xFFFFFFC0]  }
0x2b5: {  	s4 =	sadd.s32 $0xE240, s4;
	v6 =	vld [tilespmem:s2+$0xFFFFFFC0]  }
0x2b6: {  	v7 =	vld [tilespmem:s4+$0xFFFFFFC0];
	_ =	sdelay $0x2  }
0x2b7: {  	v5 =	vmul.f32 v5, v3;
	_ =	sdelay $0x1  }
0x2b8: {  	v5 =	vadd.f32 v5, v6;
	v6 =	vmul.f32 v7, v4;
	_ =	sdelay $0x1  }
0x2b9: {  	v5 =	vadd.f32 v6, v5;
	_ =	sdelay $0x1  }
0x2ba: {  	[tilespmem:s2+$0xFFFFFFC0] =	vst v5  }
0x2bb: {  	v5 =	vld [tilespmem:s26+$0xFFFFFFD0]  }
0x2bc: {  	v6 =	vld [tilespmem:s2+$0xFFFFFFD0]  }
0x2bd: {  	v7 =	vld [tilespmem:s4+$0xFFFFFFD0];
	_ =	sdelay $0x2  }
0x2be: {  	v5 =	vmul.f32 v5, v3;
	_ =	sdelay $0x1  }
0x2bf: {  	v5 =	vadd.f32 v5, v6;
	v6 =	vmul.f32 v7, v4;
	_ =	sdelay $0x1  }
0x2c0: {  	v5 =	vadd.f32 v6, v5;
	_ =	sdelay $0x1  }
0x2c1: {  	[tilespmem:s2+$0xFFFFFFD0] =	vst v5  }
0x2c2: {  	v5 =	vld [tilespmem:s26+$0xFFFFFFE0]  }
0x2c3: {  	v6 =	vld [tilespmem:s2+$0xFFFFFFE0]  }
0x2c4: {  	v7 =	vld [tilespmem:s4+$0xFFFFFFE0];
	_ =	sdelay $0x2  }
0x2c5: {  	v5 =	vmul.f32 v5, v3;
	_ =	sdelay $0x1  }
0x2c6: {  	v5 =	vadd.f32 v5, v6;
	v6 =	vmul.f32 v7, v4;
	_ =	sdelay $0x1  }
0x2c7: {  	v5 =	vadd.f32 v6, v5;
	_ =	sdelay $0x1  }
0x2c8: {  	[tilespmem:s2+$0xFFFFFFE0] =	vst v5  }
0x2c9: {  	v5 =	vld [tilespmem:s26+$0xFFFFFFF0]  }
0x2ca: {  	v6 =	vld [tilespmem:s2+$0xFFFFFFF0]  }
0x2cb: {  	v7 =	vld [tilespmem:s4+$0xFFFFFFF0];
	_ =	sdelay $0x2  }
0x2cc: {  	v5 =	vmul.f32 v5, v3;
	_ =	sdelay $0x1  }
0x2cd: {  	v5 =	vadd.f32 v5, v6;
	v6 =	vmul.f32 v7, v4;
	_ =	sdelay $0x1  }
0x2ce: {  	v5 =	vadd.f32 v6, v5;
	_ =	sdelay $0x1  }
0x2cf: {  	[tilespmem:s2+$0xFFFFFFF0] =	vst v5  }
0x2d0: {  	v5 =	vld [tilespmem:s26+$0x0]  }
0x2d1: {  	v6 =	vld [tilespmem:s2+$0x0]  }
0x2d2: {  	v7 =	vld [tilespmem:s4+$0x0];
	_ =	sdelay $0x2  }
0x2d3: {  	v5 =	vmul.f32 v5, v3;
	_ =	sdelay $0x1  }
0x2d4: {  	v5 =	vadd.f32 v5, v6;
	v6 =	vmul.f32 v7, v4;
	_ =	sdelay $0x1  }
0x2d5: {  	v5 =	vadd.f32 v6, v5;
	_ =	sdelay $0x1  }
0x2d6: {  	[tilespmem:s2+$0x0] =	vst v5  }
0x2d7: {  	v5 =	vld [tilespmem:s26+$0x10]  }
0x2d8: {  	v7 =	vld [tilespmem:s2+$0x10]  }
0x2d9: {  	v6 =	vld [tilespmem:s4+$0x10];
	_ =	sdelay $0x2  }
0x2da: {  	v5 =	vmul.f32 v5, v3;
	_ =	sdelay $0x1  }
0x2db: {  	v6 =	vmul.f32 v6, v4;
	v5 =	vadd.f32 v5, v7;
	_ =	sdelay $0x1  }
0x2dc: {  	v5 =	vadd.f32 v6, v5;
	_ =	sdelay $0x1  }
0x2dd: {  	[tilespmem:s2+$0x10] =	vst v5  }
0x2de: {  	v5 =	vld [tilespmem:s26+$0x20]  }
0x2df: {  	v7 =	vld [tilespmem:s2+$0x20]  }
0x2e0: {  	v6 =	vld [tilespmem:s4+$0x20];
	_ =	sdelay $0x2  }
0x2e1: {  	v5 =	vmul.f32 v5, v3;
	_ =	sdelay $0x1  }
0x2e2: {  	v6 =	vmul.f32 v6, v4;
	v5 =	vadd.f32 v5, v7;
	_ =	sdelay $0x1  }
0x2e3: {  	v5 =	vadd.f32 v6, v5;
	_ =	sdelay $0x1  }
0x2e4: {  	[tilespmem:s2+$0x20] =	vst v5  }
0x2e5: {  	v5 =	vld [tilespmem:s26+$0x30]  }
0x2e6: {  	v7 =	vld [tilespmem:s2+$0x30]  }
0x2e7: {  	v6 =	vld [tilespmem:s4+$0x30];
	_ =	sdelay $0x2  }
0x2e8: {  	v5 =	vmul.f32 v5, v3;
	_ =	sdelay $0x1  }
0x2e9: {  	v6 =	vmul.f32 v6, v4;
	v5 =	vadd.f32 v5, v7;
	_ =	sdelay $0x1  }
0x2ea: {  	v5 =	vadd.f32 v6, v5  }
0x2eb: {  	s3 =	simm.s32 $0x0;
	s4 =	sadd.s32 $0x400, s4  }
.LBB2_15:
0x2ec: {  	s3 =	sadd.s32 $0x8, s3;
	[tilespmem:s2+$0x30] =	vst v5;
	s2 =	sadd.s32 $0x400, s2;
	s26 =	sadd.s32 $0x400, s26  }
0x2ed: {  	v5 =	vld [tilespmem:s26+$0xFFFFFFC0];
	p0 =	slt.u32 s3, $0x28  }
0x2ee: {  	v6 =	vld [tilespmem:s2+$0xFFFFFFC0]  }
0x2ef: {  	v7 =	vld [tilespmem:s4+$0xFFFFFFC0];
	_ =	sdelay $0x2  }
0x2f0: {  	v5 =	vmul.f32 v5, v3;
	_ =	sdelay $0x1  }
0x2f1: {  	v5 =	vadd.f32 v5, v6;
	v6 =	vmul.f32 v7, v4;
	_ =	sdelay $0x1  }
0x2f2: {  	v5 =	vadd.f32 v6, v5;
	_ =	sdelay $0x1  }
0x2f3: {  	[tilespmem:s2+$0xFFFFFFC0] =	vst v5  }
0x2f4: {  	v5 =	vld [tilespmem:s26+$0xFFFFFFD0]  }
0x2f5: {  	v6 =	vld [tilespmem:s2+$0xFFFFFFD0]  }
0x2f6: {  	v7 =	vld [tilespmem:s4+$0xFFFFFFD0];
	_ =	sdelay $0x2  }
0x2f7: {  	v5 =	vmul.f32 v5, v3;
	_ =	sdelay $0x1  }
0x2f8: {  	v5 =	vadd.f32 v5, v6;
	v6 =	vmul.f32 v7, v4;
	_ =	sdelay $0x1  }
0x2f9: {  	v5 =	vadd.f32 v6, v5;
	_ =	sdelay $0x1  }
0x2fa: {  	[tilespmem:s2+$0xFFFFFFD0] =	vst v5  }
0x2fb: {  	v5 =	vld [tilespmem:s26+$0xFFFFFFE0]  }
0x2fc: {  	v6 =	vld [tilespmem:s2+$0xFFFFFFE0]  }
0x2fd: {  	v7 =	vld [tilespmem:s4+$0xFFFFFFE0];
	_ =	sdelay $0x2  }
0x2fe: {  	v5 =	vmul.f32 v5, v3;
	_ =	sdelay $0x1  }
0x2ff: {  	v5 =	vadd.f32 v5, v6;
	v6 =	vmul.f32 v7, v4;
	_ =	sdelay $0x1  }
0x300: {  	v5 =	vadd.f32 v6, v5;
	_ =	sdelay $0x1  }
0x301: {  	[tilespmem:s2+$0xFFFFFFE0] =	vst v5  }
0x302: {  	v5 =	vld [tilespmem:s26+$0xFFFFFFF0]  }
0x303: {  	v6 =	vld [tilespmem:s2+$0xFFFFFFF0]  }
0x304: {  	v7 =	vld [tilespmem:s4+$0xFFFFFFF0];
	_ =	sdelay $0x2  }
0x305: {  	v5 =	vmul.f32 v5, v3;
	_ =	sdelay $0x1  }
0x306: {  	v5 =	vadd.f32 v5, v6;
	v6 =	vmul.f32 v7, v4;
	_ =	sdelay $0x1  }
0x307: {  	v5 =	vadd.f32 v6, v5;
	_ =	sdelay $0x1  }
0x308: {  	[tilespmem:s2+$0xFFFFFFF0] =	vst v5  }
0x309: {  	v5 =	vld [tilespmem:s26+$0x0]  }
0x30a: {  	v6 =	vld [tilespmem:s2+$0x0]  }
0x30b: {  	v7 =	vld [tilespmem:s4+$0x0];
	_ =	sdelay $0x2  }
0x30c: {  	v5 =	vmul.f32 v5, v3;
	_ =	sdelay $0x1  }
0x30d: {  	v5 =	vadd.f32 v5, v6;
	v6 =	vmul.f32 v7, v4;
	_ =	sdelay $0x1  }
0x30e: {  	v5 =	vadd.f32 v6, v5;
	_ =	sdelay $0x1  }
0x30f: {  	[tilespmem:s2+$0x0] =	vst v5  }
0x310: {  	v5 =	vld [tilespmem:s26+$0x10]  }
0x311: {  	v6 =	vld [tilespmem:s4+$0x10]  }
0x312: {  	v7 =	vld [tilespmem:s2+$0x10];
	_ =	sdelay $0x2  }
0x313: {  	v5 =	vmul.f32 v5, v3;
	_ =	sdelay $0x1  }
0x314: {  	v6 =	vmul.f32 v6, v4;
	v5 =	vadd.f32 v5, v7;
	_ =	sdelay $0x1  }
0x315: {  	v5 =	vadd.f32 v6, v5;
	_ =	sdelay $0x1  }
0x316: {  	[tilespmem:s2+$0x10] =	vst v5  }
0x317: {  	v5 =	vld [tilespmem:s26+$0x20]  }
0x318: {  	v6 =	vld [tilespmem:s4+$0x20]  }
0x319: {  	v7 =	vld [tilespmem:s2+$0x20];
	_ =	sdelay $0x2  }
0x31a: {  	v5 =	vmul.f32 v5, v3;
	_ =	sdelay $0x1  }
0x31b: {  	v6 =	vmul.f32 v6, v4;
	v5 =	vadd.f32 v5, v7;
	_ =	sdelay $0x1  }
0x31c: {  	v5 =	vadd.f32 v6, v5;
	_ =	sdelay $0x1  }
0x31d: {  	[tilespmem:s2+$0x20] =	vst v5  }
0x31e: {  	v5 =	vld [tilespmem:s26+$0x30]  }
0x31f: {  	v6 =	vld [tilespmem:s4+$0x30]  }
0x320: {  	v7 =	vld [tilespmem:s2+$0x30];
	_ =	sdelay $0x2  }
0x321: {  	v5 =	vmul.f32 v5, v3  }
.Ltmp6:
0x322: {  	(pc) =	sbr.rel @p0 .LBB2_15-.Ltmp6, $3  }
0x323: {  	v6 =	vmul.f32 v6, v4;
	v5 =	vadd.f32 v5, v7;
	_ =	sdelay $0x1  }
0x324: {  	v5 =	vadd.f32 v6, v5  }
0x325: {  	s4 =	sadd.s32 $0x400, s4  }
0x326: {  	s25 =	sadd.s32 $0x1, s25  }
0x327: {  	p0 =	sne.s32 s25, $0x10  }
.Ltmp7:
0x328: {  	_ = 	snop;
	(pc) =	sbr.rel @p0 .LBB2_14-.Ltmp7, $2  }
0x329: {  	_ =	sdelay $0x2  }
0x32a: {  	[tilespmem:s2+$0x30] =	vst v5;
	s15 =	sadd.s32 $0x1, s15  }
0x32b: {  	s2 =	rddreg [dreg:$0x1a];
	s24 =	sadd.s32 $0x1, s24  }
0x32c: {  	[hbm4b:s2+s1] =	stream.linear.scatter [tilespmem:s13], [sflag:$0x2], $0x3000, $0x38;
	[tilespmem:$0x14200] =	vst v63  }
0x32d: {  	p0 =	sne.s32 s24, s31;
	_ =	swait.ge [sflag:s14], $0x3000  }
.Ltmp8:
0x32e: {  	[sflag:s14] =	ssyncset.done $0x0;
	(pc) =	sbr.rel @p0 .LBB2_1-.Ltmp8, $4  }
0x32f: {  	[sflag:s14] =	ssyncadd.s32 $0xFFFFD000  }
0x330: {  	_ =	swait.ge [sflag:s14], $0x3000  }
0x331: {  	[sflag:s14] =	ssyncset.done $0x0  }
0x332: {  	[sflag:s14] =	ssyncadd.s32 $0xFFFFD000  }
0x333: {  	_ =	sfence.sel $0x180000  }
0x334: {  	[bflag:$0x0] =	sbarrier.arrive $0xFFFF  }
0x335: {  	_ =	strace $0x9000004A  }
0x336: {  	s0 =	stileid.u32;
	[bflag:$0x2] =	sbarrier.arrive $0xFFFF  }
0x337: {  	p0 =	sne.s32 s0, $0x0;
	s0 =	rddreg [dreg:$0x2]  }
0x338: {  	s0 =	sadd.s32 @!p0 $0x100000, s0  }
0x339: {  	[sflag:s0] =	ssyncadd.tile.s32 @!p0 $0x1;
	_ =	shalt  }
.Lfunc_end2:
_tile_overlayer_lowered:
.L_overlay_start_2:
0x33a: {  	(tag) =	ssettag $0x2  }
0x33b: {  	s0 =	rddreg [dreg:$0x0];
	s2 =	stileid.u32  }
0x33c: {  	s1 =	rddreg [dreg:$0x1];
	p0 =	sne.s32 s2, $0x0  }
0x33d: {  	s3 =	rddreg [dreg:$0x2];
	[bflag:$0x3] =	sbarrier.arrive $0xFFFF;
	s2 =	simm.s32 @!p0 $0x1C03  }
0x33e: {  	[timem:s3], [sflag:s2] =	dma.local @!p0 [hbm:s0], s1  }
0x33f: {  	s0 =	simm.s32 @!p0 $0x3  }
0x340: {  	_ =	swait.ge @!p0 [sflag:s0], s1  }
0x341: {  	s1 =	ssub.s32 @!p0 $0x0, s1;
	[sflag:s0] =	ssyncset.done @!p0 $0x0  }
0x342: {  	[sflag:s0] =	ssyncadd.s32 @!p0 s1  }
0x343: {  	[bflag:$0x3] =	sbarrier.arrive $0xFFFF  }
0x344: {  	_ =	shalt  }

// kernel: kernel.7.cloned.1.call-start
scs
__scs_entry_jumppad:
0x0: {  	(pc) =	sbr.rel $0x88, $3  }
0x1: {  	(tag) =	ssettag $0x0;
	lr =	simm.s32 $0x1  }
0x2: {  	[smem:$0x3F95] =	sst lr;
	_ =	strace $0xD0000000  }
0x3: {  	_ = 	snop  }
0x4: {  	_ = 	snop  }
0x5: {  	_ = 	snop  }
0x6: {  	_ = 	snop  }
0x7: {  	_ = 	snop  }
__scs_overlays_trampoline_lowered:
0x8: {  	[smem:$0x3FA4] =	sst s0  }
0x9: {  	[smem:$0x3FA5] =	sst s1  }
0xa: {  	[smem:$0x3FA6] =	sst s2  }
0xb: {  	[smem:$0x3FA7] =	sst s3  }
0xc: {  	[smem:$0x3FA8] =	sst s4  }
0xd: {  	[smem:$0x3FA9] =	sst s5  }
0xe: {  	[smem:$0x3FAA] =	sst s6  }
0xf: {  	[smem:$0x3FAB] =	sst s7  }
0x10: {  	[smem:$0x3FAC] =	sst s8  }
0x11: {  	[smem:$0x3FAD] =	sst s9;
	s0 =	simm.s32 @!p0 $0x0  }
0x12: {  	s1 =	sld [smem:$0x3F93];
	s0 =	simm.s32 @p0 $0x1  }
0x13: {  	[smem:$0x3FAE] =	sst s0;
	s0 =	simm.s32 @!p1 $0x0  }
0x14: {  	s2 =	sld [smem:$0x3F92];
	s0 =	simm.s32 @p1 $0x1  }
0x15: {  	[smem:$0x3FAF] =	sst s0;
	s0 =	simm.s32 @!p2 $0x0  }
0x16: {  	s3 =	sld [smem:$0x3FDB];
	s0 =	simm.s32 @p2 $0x1  }
0x17: {  	s4 =	simm.s32 $0x1BF5;
	[smem:$0x3FB1] =	sst s0  }
0x18: {  	s0 =	sld [smem:$0x3F94];
	_ =	swait.ge [sflag:s4], $0x0  }
0x19: {  	s7 =	sld [smem:$0x3F95]  }
0x1a: {  	s8 =	sadd.s32 $0xFFFFE003, lr  }
0x1b: {  	s9 =	sadd.s32 $0xFFFFFEF7, lr;
	s5 =	simm.s32 $0xFFFFFFFF;
	p2 =	slt.u32 s8, $0xFFFFF086  }
0x1c: {  	p1 =	slt.u32 s9, $0xF7A;
	s5 =	simm.s32 @!p2 $0x0  }
0x1d: {  	s5 =	simm.s32 @p1 $0x1;
	p0 =	seq.s32 s7, s2  }
0x1e: {  	s7 =	smul.u32 @!p0 $0xF7A, s2;
	p2 =	seq.s32 @!p0 s5, $0x0  }
0x1f: {  	s9 =	smul.u32 $0xF7A, s1;
	s8 =	simm.s32 @!p0 $0x1BF5;
	p2 =	por !p2, p0  }
0x20: {  	[sflag:s8] =	ssyncset.s32 @!p0 $0xFFFFF086;
	s6 =	sadd.s32 @!p0 s3, s7;
	s7 =	simm.s32 @!p0 $0x108  }
0x21: {  	s3 =	sadd.s32 s3, s9;
	s6 =	sadd.s32 @!p0 $0x88, s6;
	s7 =	simm.s32 @p2 $0x1082  }
0x22: {  	[simem:s7], [sflag:s8] =	dma.local @!p0 [hbm:s6], $0xF7A  }
0x23: {  	s9 =	sor.u32 $0xD0000000, s2;
	s6 =	simm.s32 $0x108;
	_ =	swait.ge @!p0 [sflag:s8], $0x0  }
0x24: {  	s3 =	sadd.s32 $0x88, s3;
	s6 =	simm.s32 @!p1 $0x1082;
	[sflag:s4] =	ssyncset.s32 $0xFFFFF086  }
0x25: {  	[simem:s6], [sflag:s4] =	dma.local [hbm:s3], $0xF7A  }
0x26: {  	[smem:$0x3F95] =	sst s1;
	(tag) =	ssettag s2;
	_ =	strace s9  }
0x27: {  	s1 =	sld [smem:$0x3FA5]  }
0x28: {  	s2 =	sld [smem:$0x3FA6]  }
0x29: {  	s4 =	sld [smem:$0x3FA8]  }
0x2a: {  	p0 =	seq.s32 s5, $0x0;
	s5 =	sld [smem:$0x3FA9]  }
0x2b: {  	s6 =	sld [smem:$0x3FAA]  }
0x2c: {  	s7 =	sld [smem:$0x3FAB]  }
0x2d: {  	s3 =	simm.s32 $0x108;
	s8 =	sld [smem:$0x3FAC]  }
0x2e: {  	s3 =	simm.s32 @!p0 $0x1082;
	s9 =	sld [smem:$0x3FAD]  }
0x2f: {  	lr =	sadd.s32 s0, s3;
	s0 =	sld [smem:$0x3FA4]  }
0x30: {  	s3 =	sld [smem:$0x3FA7]  }
0x31: {  	[smem:$0x3FB0] =	sst s10  }
0x32: {  	s10 =	sld [smem:$0x3FAE];
	_ =	sdelay $0x3  }
0x33: {  	p0 =	seq.s32 s10, $0x1;
	s10 =	sld [smem:$0x3FB0];
	_ =	sdelay $0x3  }
0x34: {  	[smem:$0x3FB0] =	sst s10  }
0x35: {  	s10 =	sld [smem:$0x3FAF];
	_ =	sdelay $0x3  }
0x36: {  	p1 =	seq.s32 s10, $0x1;
	s10 =	sld [smem:$0x3FB0];
	_ =	sdelay $0x3  }
0x37: {  	[smem:$0x3FB0] =	sst s10  }
0x38: {  	s10 =	sld [smem:$0x3FB1]  }
0x39: {  	_ = 	snop;
	(pc) =	sbr.ind lr, $3  }
0x3a: {  	_ = 	snop  }
0x3b: {  	_ = 	snop  }
0x3c: {  	p2 =	seq.s32 s10, $0x1;
	s10 =	sld [smem:$0x3FB0]  }
0x3d: {  	_ =	shalt  }
0x3e: {  	_ =	shalt  }
0x3f: {  	_ =	shalt  }
0x40: {  	_ =	shalt  }
0x41: {  	_ =	shalt  }
0x42: {  	_ =	shalt  }
0x43: {  	_ =	shalt  }
0x44: {  	_ =	shalt  }
0x45: {  	_ =	shalt  }
0x46: {  	_ =	shalt  }
0x47: {  	_ =	shalt  }
0x48: {  	_ =	shalt  }
0x49: {  	_ =	shalt  }
0x4a: {  	_ =	shalt  }
0x4b: {  	_ =	shalt  }
0x4c: {  	_ =	shalt  }
0x4d: {  	_ =	shalt  }
0x4e: {  	_ =	shalt  }
0x4f: {  	_ =	shalt  }
0x50: {  	_ =	shalt  }
0x51: {  	_ =	shalt  }
0x52: {  	_ =	shalt  }
0x53: {  	_ =	shalt  }
0x54: {  	_ =	shalt  }
0x55: {  	_ =	shalt  }
0x56: {  	_ =	shalt  }
0x57: {  	_ =	shalt  }
0x58: {  	_ =	shalt  }
0x59: {  	_ =	shalt  }
0x5a: {  	_ =	shalt  }
0x5b: {  	_ =	shalt  }
0x5c: {  	_ =	shalt  }
0x5d: {  	_ =	shalt  }
0x5e: {  	_ =	shalt  }
0x5f: {  	_ =	shalt  }
0x60: {  	_ =	shalt  }
0x61: {  	_ =	shalt  }
0x62: {  	_ =	shalt  }
0x63: {  	_ =	shalt  }
0x64: {  	_ =	shalt  }
0x65: {  	_ =	shalt  }
0x66: {  	_ =	shalt  }
0x67: {  	_ =	shalt  }
0x68: {  	_ =	shalt  }
0x69: {  	_ =	shalt  }
0x6a: {  	_ =	shalt  }
0x6b: {  	_ =	shalt  }
0x6c: {  	_ =	shalt  }
0x6d: {  	_ =	shalt  }
0x6e: {  	_ =	shalt  }
0x6f: {  	_ =	shalt  }
0x70: {  	_ =	shalt  }
0x71: {  	_ =	shalt  }
0x72: {  	_ =	shalt  }
0x73: {  	_ =	shalt  }
0x74: {  	_ =	shalt  }
0x75: {  	_ =	shalt  }
0x76: {  	_ =	shalt  }
0x77: {  	_ =	shalt  }
0x78: {  	_ =	shalt  }
0x79: {  	_ =	shalt  }
0x7a: {  	_ =	shalt  }
0x7b: {  	_ =	shalt  }
0x7c: {  	_ =	shalt  }
0x7d: {  	_ =	shalt  }
0x7e: {  	_ =	shalt  }
0x7f: {  	_ =	shalt  }
0x80: {  	_ =	shalt  }
0x81: {  	_ =	shalt  }
0x82: {  	_ =	shalt  }
0x83: {  	_ =	shalt  }
0x84: {  	_ =	shalt  }
0x85: {  	_ =	shalt  }
0x86: {  	_ =	shalt  }
0x87: {  	_ =	shalt  }
.Lfunc_end0:
.L_simem_size_0:
called_computation_lowered:
.L_overlay_start_0:
0x88: {  	s2 =	sld [smem:$0x3FD9]  }
0x89: {  	s3 =	sld [smem:$0x3FFE];
	_ =	sdelay $0x1  }
0x8a: {  	s1 =	srdreg.scid  }
0x8b: {  	s0 =	sand.u32 $0x1, s1  }
0x8c: {  	s17 =	sshll.u32 s0, $0xA;
	s2 =	sadd.s32 s3, s2  }
0x8d: {  	s2 =	sadd.s32 s2, s17  }
0x8e: {  	[smem:$0x3FBC] =	sst s2  }
0x8f: {  	_ = 	snop  }
0x90: {  	s2 =	sld [smem:$0x3FC9];
	(tm) =	ssettm $0x1  }
0x91: {  	s18 =	sld [smem:$0x3FFB];
	_ =	sdelay $0x3  }
0x92: {  	_ =	strace s18  }
0x93: {  	s3 =	sld [smem:$0x3FFC];
	_ =	sdelay $0x3  }
0x94: {  	_ =	strace s3  }
0x95: {  	s3 =	sld [smem:$0x3FFD];
	_ =	sdelay $0x3  }
0x96: {  	_ =	strace s3  }
0x97: {  	_ =	strace $0x8FFFFFFF  }
0x98: {  	s19 =	sld [smem:$0x3FDB];
	_ =	sdelay $0x1  }
0x99: {  	s4 =	simm.s32 $_scs_section_size  }
0x9a: {  	s5 =	simm.s32 $_size__tile_overlayer_lowered;
	s6 =	simm.s32 $_tile_overlayer_lowered  }
0x9b: {  	s22 =	simm.s32 $0x1BFF;
	s21 =	sshll.u32 s6, $0x1;
	s3 =	sadd.s32 s4, s19  }
0x9c: {  	s7 =	simm.s32 $0x0;
	s20 =	sshll.u32 s5, $0x1;
	s5 =	sadd.s32 s21, s3  }
0x9d: {  	[timem:s7], [sflag:s22] =	dma.local [hbm:s5], s20  }
0x9e: {  	_ =	swait.ge [sflag:s22], s20  }
0x9f: {  	s4 =	ssub.s32 $0x0, s20;
	[sflag:s22] =	ssyncset.done $0x0  }
0xa0: {  	[sflag:s22] =	ssyncadd.s32 s4;
	_ =	sdelay $0x1  }
0xa1: {  	s23 =	simm.s32 $0x1B8B  }
0xa2: {  	_ =	swait.ge [sflag:s23], $0x1  }
0xa3: {  	[sflag:s23] =	ssyncset.done $0x0  }
0xa4: {  	s25 =	simm.s32 $0x1B8E;
	s24 =	sld [smem:$0x3FFE];
	[sflag:s23] =	ssyncadd.s32 $0xFFFFFFFF  }
0xa5: {  	s26 =	simm.s32 $execute0_lowered;
	[smem:$0x3FD2] =	sst s25  }
0xa6: {  	s5 =	sshll.u32 s26, $0x1;
	_ =	strace $0x80000046;
	[dreg:$0x1] =	wrdreg $0xFFFFFFFF  }
0xa7: {  	s28 =	simm.s32 $_size_execute0_lowered;
	s3 =	sadd.s32 s3, s5;
	[dreg:$0x0] =	wrdreg $0x0  }
0xa8: {  	s5 =	sshll.u32 s28, $0x1;
	[dreg:$0x2] =	wrdreg s3  }
0xa9: {  	[dreg:$0x3] =	wrdreg s5  }
0xaa: {  	[dreg:$0x4] =	wrdreg $0xC0  }
0xab: {  	_ =	task [dreg:s7], $0x5FFFF  }
0xac: {  	[dreg:$0x1] =	wrdreg $0xFFFFFFFF  }
0xad: {  	[dreg:$0x0] =	wrdreg $0x60  }
0xae: {  	[dreg:$0x2] =	wrdreg s2  }
0xaf: {  	[dreg:$0x3] =	wrdreg s24  }
0xb0: {  	[dreg:$0x4] =	wrdreg $0x9  }
0xb1: {  	_ =	task.clear_ibuf [dreg:s7], $0x5FFFF;
	_ =	strace $0x90000046  }
0xb2: {  	s29 =	simm.s32 $0x9;
	_ =	strace $0x80000048  }
0xb3: {  	_ =	swait.ge [sflag:s29], $0x1  }
0xb4: {  	[sflag:s29] =	ssyncadd.s32 $0xFFFFFFFF  }
0xb5: {  	_ =	strace $0x90000048  }
0xb6: {  	_ =	sfence  }
0xb7: {  	s30 =	sld [smem:$0x0];
	_ =	sdelay $0x2  }
0xb8: {  	s31 =	sshll.u32 s1, $0xD;
	s1 =	sshrl.u32 s1, $0x2  }
0xb9: {  	s3 =	sand.u32 $0x4000, s31;
	s1 =	sadd.s32 s1, s30  }
0xba: {  	s0 =	sor.u32 s3, s0;
	s1 =	sshll.u32 s1, $0x11  }
0xbb: {  	s0 =	sor.u32 s1, s0  }
0xbc: {  	s0 =	sadd.s32 $0x8F2B, s0  }
0xbd: {  	[sflag:s0] =	ssyncadd.remote.s32 $0x1  }
0xbe: {  	_ =	sfence.sel $0xFFFF  }
0xbf: {  	[dreg:$0x0] =	wrdreg $0xFFFFFFFF;
	(pc) =	sbr.abs _section_cstart, $3  }
0xc0: {  	[dreg:$0x1] =	wrdreg $0xFFFFFFFF  }
0xc1: {  	_ =	task.clear_ibuf [dreg:s7], $0x2FFFF;
	_ =	strace $0x9FFFFFFF  }
0xc2: {  	(tm) =	ssettm $0x7FFFFFFF  }
0xc3: {  	_ =	shalt  }
tec
execute0_lowered:
.L_overlay_start_1:
0x0: {  	(tag) =	ssettag $0x1  }
0x1: {  	s0 =	rddreg [dreg:$0x0]  }
0x2: {  	s1 =	rddreg [dreg:$0x1]  }
0x3: {  	s2 =	srdreg.scid;
	s3 =	stileid.u32  }
0x4: {  	s26 =	simm.s32 $0x80;
	s8 =	simm.s32 $0x100;
	s11 =	simm.s32 $0x1900  }
0x5: {  	s12 =	simm.s32 $0x2100;
	s13 =	simm.s32 $0x2900;
	s14 =	simm.s32 $0x3100  }
0x6: {  	s15 =	simm.s32 $0x3900;
	s16 =	simm.s32 $0x4100;
	s17 =	simm.s32 $0x4900  }
0x7: {  	s18 =	simm.s32 $0x5100;
	s19 =	simm.s32 $0x5900;
	s20 =	simm.s32 $0x6100  }
0x8: {  	s21 =	simm.s32 $0x6900;
	s22 =	simm.s32 $0x7100;
	s23 =	simm.s32 $0x7900  }
0x9: {  	s28 =	simm.s32 $0x9900;
	s29 =	simm.s32 $0xA100;
	s30 =	simm.s32 $0xA900  }
0xa: {  	s31 =	simm.s32 $0xB100;
	s4 =	sand.u32 $0x1, s2;
	s2 =	simm.s32 $0x0  }
0xb: {  	s3 =	sshll.u32 s3, $0x4;
	s5 =	sshll.u32 s4, $0x3;
	[smem:$0x7FF] =	sst s2  }
0xc: {  	s4 =	ssub.s32 $0x2, s4;
	s5 =	sor.u32 s5, s3;
	_ =	strace $0x80000047  }
0xd: {  	s3 =	sadd.s32 $0x1D400, s1;
	s24 =	sshrl.u32 s4, $0x1;
	[dreg:$0x6] =	wrdreg s26  }
0xe: {  	s26 =	simm.s32 $0x9100;
	s6 =	sadd.s32 s5, s1;
	s5 =	smul.u32 $0x300, s5  }
0xf: {  	s25 =	ssub.s32 s4, s24;
	s4 =	sadd.s32 $0x1D500, s1;
	s7 =	sadd.s32 $0x1A00, s6  }
0x10: {  	s24 =	simm.s32 $0x8100;
	s6 =	sadd.s32 $0x1C00, s6;
	[dreg:$0x3] =	wrdreg s7  }
0x11: {  	v2 =	vlaneseq.u32;
	[dreg:$0x4] =	wrdreg s6;
	s0 =	sadd.s32 s0, s5;
	s5 =	sadd.s32 $0x1D600, s1  }
0x12: {  	vm0 =	vmmov $0xffff;
	v1 =	vshrl.u32 v2, $0x3;
	s6 =	smax.u32 s25, $0x1;
	s7 =	simm.s32 $0x2;
	s25 =	simm.s32 $0x8900  }
0x13: {  	v0 =	vand.u32 $0x7, v2;
	v2 =	vor.u32 $0x8, v2;
	v1 =	vmul.u32 $0x8, v1;
	s1 =	simm.s32 $0x1;
	[dreg:$0x5] =	wrdreg s0;
	s0 =	simm.s32 $0xB900  }
.LBB2_1:
0x14: {  	s9 =	rddreg [dreg:$0x3]  }
0x15: {  	[tilespmem:s2], [sflag:$0x2] =	stream.linear.gather [hbm4b:s9+s2], $0x40, $0x38;
	[tilespmem:$0xC100] =	vst v63  }
0x16: {  	_ =	swait.ge [sflag:s7], $0x40  }
0x17: {  	s9 =	rddreg [dreg:$0x4];
	[sflag:s7] =	ssyncset.done $0x0  }
0x18: {  	s10 =	rddreg [dreg:$0x6];
	[sflag:s7] =	ssyncadd.s32 $0xFFFFFFC0  }
0x19: {  	[tilespmem:s10], [sflag:$0x2] =	stream.linear.gather [hbm4b:s9+s2], $0x40, $0x38;
	[tilespmem:$0xC100] =	vst v63  }
0x1a: {  	_ =	swait.ge [sflag:s7], $0x40  }
0x1b: {  	[sflag:s7] =	ssyncset.done $0x0  }
0x1c: {  	s10 =	rddreg [dreg:$0x5];
	[sflag:s7] =	ssyncadd.s32 $0xFFFFFFC0  }
0x1d: {  	[tilespmem:s8], [sflag:$0x2] =	stream.linear.gather [hbm4b:s10+s2], $0xC000, $0x38;
	[tilespmem:$0xC100] =	vst v63  }
0x1e: {  	_ =	swait.ge [sflag:s7], $0xC000  }
0x1f: {  	[sflag:s7] =	ssyncset.done $0x0  }
0x20: {  	[sflag:s7] =	ssyncadd.s32 $0xFFFF4000  }
0x21: {  	v3 =	vld [tilespmem:$0x0];
	_ =	sdelay $0x4  }
0x22: {  	v4 =	vshrl.u32 v3, $0x3  }
0x23: {  	v4 =	vmul.u32 $0x30, v4  }
0x24: {  	v3 =	vand.u32 $0x7, v3  }
0x25: {  	v3 =	vor.u32 v3, v4  }
0x26: {  	v4 =	vperm.xlane v3, v0;
	_ =	sdelay $0x1  }
0x27: {  	v4 =	vadd.s32 v1, v4;
	_ =	sdelay $0x3  }
0x28: {  	v3 =	vperm.xlane v3, v2  }
0x29: {  	[hbm4b:s3+s2] =	stream.indirect_vreg.scatter [tilespmem:s8], [sflag:$0x1], $0x80, v4, vm0, $0xb8;
	[tilespmem:$0xC100] =	vst v63  }
0x2a: {  	s9 =	simm.s32 $0x900;
	v3 =	vadd.s32 v1, v3  }
0x2b: {  	[hbm4b:s4+s2] =	stream.indirect_vreg.scatter [tilespmem:s9], [sflag:$0x1], $0x80, v4, vm0, $0xb8;
	[tilespmem:$0xC100] =	vst v63  }
0x2c: {  	s10 =	simm.s32 $0x1100  }
0x2d: {  	[hbm4b:s5+s2] =	stream.indirect_vreg.scatter [tilespmem:s10], [sflag:$0x1], $0x80, v4, vm0, $0xb8;
	[tilespmem:$0xC100] =	vst v63  }
0x2e: {  	_ = 	snop  }
0x2f: {  	[hbm4b:s3+s2] =	stream.indirect_vreg.scatter [tilespmem:s11], [sflag:$0x1], $0x80, v3, vm0, $0xb8;
	[tilespmem:$0xC100] =	vst v63  }
0x30: {  	_ = 	snop  }
0x31: {  	[hbm4b:s4+s2] =	stream.indirect_vreg.scatter [tilespmem:s12], [sflag:$0x1], $0x80, v3, vm0, $0xb8;
	[tilespmem:$0xC100] =	vst v63  }
0x32: {  	_ = 	snop  }
0x33: {  	[hbm4b:s5+s2] =	stream.indirect_vreg.scatter [tilespmem:s13], [sflag:$0x1], $0x80, v3, vm0, $0xb8;
	[tilespmem:$0xC100] =	vst v63  }
0x34: {  	v3 =	vld [tilespmem:$0x10];
	_ =	sdelay $0x4  }
0x35: {  	v57 =	vshrl.u32 v3, $0x3  }
0x36: {  	v4 =	vmul.u32 $0x30, v57  }
0x37: {  	v3 =	vand.u32 $0x7, v3  }
0x38: {  	v3 =	vor.u32 v3, v4  }
0x39: {  	v4 =	vperm.xlane v3, v0;
	_ =	sdelay $0x1  }
0x3a: {  	v4 =	vadd.s32 v1, v4;
	_ =	sdelay $0x3  }
0x3b: {  	v3 =	vperm.xlane v3, v2  }
0x3c: {  	[hbm4b:s3+s2] =	stream.indirect_vreg.scatter [tilespmem:s14], [sflag:$0x1], $0x80, v4, vm0, $0xb8;
	[tilespmem:$0xC100] =	vst v63  }
0x3d: {  	v3 =	vadd.s32 v1, v3  }
0x3e: {  	[hbm4b:s4+s2] =	stream.indirect_vreg.scatter [tilespmem:s15], [sflag:$0x1], $0x80, v4, vm0, $0xb8;
	[tilespmem:$0xC100] =	vst v63  }
0x3f: {  	_ = 	snop  }
0x40: {  	[hbm4b:s5+s2] =	stream.indirect_vreg.scatter [tilespmem:s16], [sflag:$0x1], $0x80, v4, vm0, $0xb8;
	[tilespmem:$0xC100] =	vst v63  }
0x41: {  	_ = 	snop  }
0x42: {  	[hbm4b:s3+s2] =	stream.indirect_vreg.scatter [tilespmem:s17], [sflag:$0x1], $0x80, v3, vm0, $0xb8;
	[tilespmem:$0xC100] =	vst v63  }
0x43: {  	_ = 	snop  }
0x44: {  	[hbm4b:s4+s2] =	stream.indirect_vreg.scatter [tilespmem:s18], [sflag:$0x1], $0x80, v3, vm0, $0xb8;
	[tilespmem:$0xC100] =	vst v63  }
0x45: {  	_ = 	snop  }
0x46: {  	[hbm4b:s5+s2] =	stream.indirect_vreg.scatter [tilespmem:s19], [sflag:$0x1], $0x80, v3, vm0, $0xb8;
	[tilespmem:$0xC100] =	vst v63  }
0x47: {  	v3 =	vld [tilespmem:$0x20];
	_ =	sdelay $0x4  }
0x48: {  	v58 =	vshrl.u32 v3, $0x3  }
0x49: {  	v4 =	vmul.u32 $0x30, v58  }
0x4a: {  	v3 =	vand.u32 $0x7, v3  }
0x4b: {  	v3 =	vor.u32 v3, v4  }
0x4c: {  	v4 =	vperm.xlane v3, v0;
	_ =	sdelay $0x1  }
0x4d: {  	v4 =	vadd.s32 v1, v4;
	_ =	sdelay $0x3  }
0x4e: {  	v3 =	vperm.xlane v3, v2  }
0x4f: {  	[hbm4b:s3+s2] =	stream.indirect_vreg.scatter [tilespmem:s20], [sflag:$0x1], $0x80, v4, vm0, $0xb8;
	[tilespmem:$0xC100] =	vst v63  }
0x50: {  	v3 =	vadd.s32 v1, v3  }
0x51: {  	[hbm4b:s4+s2] =	stream.indirect_vreg.scatter [tilespmem:s21], [sflag:$0x1], $0x80, v4, vm0, $0xb8;
	[tilespmem:$0xC100] =	vst v63  }
0x52: {  	_ = 	snop  }
0x53: {  	[hbm4b:s5+s2] =	stream.indirect_vreg.scatter [tilespmem:s22], [sflag:$0x1], $0x80, v4, vm0, $0xb8;
	[tilespmem:$0xC100] =	vst v63  }
0x54: {  	_ = 	snop  }
0x55: {  	[hbm4b:s3+s2] =	stream.indirect_vreg.scatter [tilespmem:s23], [sflag:$0x1], $0x80, v3, vm0, $0xb8;
	[tilespmem:$0xC100] =	vst v63  }
0x56: {  	_ = 	snop  }
0x57: {  	[hbm4b:s4+s2] =	stream.indirect_vreg.scatter [tilespmem:s24], [sflag:$0x1], $0x80, v3, vm0, $0xb8;
	[tilespmem:$0xC100] =	vst v63  }
0x58: {  	_ = 	snop  }
0x59: {  	[hbm4b:s5+s2] =	stream.indirect_vreg.scatter [tilespmem:s25], [sflag:$0x1], $0x80, v3, vm0, $0xb8;
	[tilespmem:$0xC100] =	vst v63  }
0x5a: {  	v3 =	vld [tilespmem:$0x30];
	_ =	sdelay $0x4  }
0x5b: {  	v59 =	vshrl.u32 v3, $0x3  }
0x5c: {  	v4 =	vmul.u32 $0x30, v59  }
0x5d: {  	v3 =	vand.u32 $0x7, v3  }
0x5e: {  	v3 =	vor.u32 v3, v4  }
0x5f: {  	v4 =	vperm.xlane v3, v0;
	_ =	sdelay $0x1  }
0x60: {  	v4 =	vadd.s32 v1, v4;
	_ =	sdelay $0x3  }
0x61: {  	v3 =	vperm.xlane v3, v2  }
0x62: {  	[hbm4b:s3+s2] =	stream.indirect_vreg.scatter [tilespmem:s26], [sflag:$0x1], $0x80, v4, vm0, $0xb8;
	[tilespmem:$0xC100] =	vst v63  }
0x63: {  	v3 =	vadd.s32 v1, v3  }
0x64: {  	[hbm4b:s4+s2] =	stream.indirect_vreg.scatter [tilespmem:s28], [sflag:$0x1], $0x80, v4, vm0, $0xb8;
	[tilespmem:$0xC100] =	vst v63  }
0x65: {  	_ = 	snop  }
0x66: {  	[hbm4b:s5+s2] =	stream.indirect_vreg.scatter [tilespmem:s29], [sflag:$0x1], $0x80, v4, vm0, $0xb8;
	[tilespmem:$0xC100] =	vst v63  }
0x67: {  	_ = 	snop  }
0x68: {  	[hbm4b:s3+s2] =	stream.indirect_vreg.scatter [tilespmem:s30], [sflag:$0x1], $0x80, v3, vm0, $0xb8;
	[tilespmem:$0xC100] =	vst v63  }
0x69: {  	_ = 	snop  }
0x6a: {  	[hbm4b:s4+s2] =	stream.indirect_vreg.scatter [tilespmem:s31], [sflag:$0x1], $0x80, v3, vm0, $0xb8;
	[tilespmem:$0xC100] =	vst v63  }
0x6b: {  	_ = 	snop  }
0x6c: {  	[hbm4b:s5+s2] =	stream.indirect_vreg.scatter [tilespmem:s0], [sflag:$0x1], $0x80, v3, vm0, $0xb8;
	[tilespmem:$0xC100] =	vst v63  }
0x6d: {  	_ =	swait.ge [sflag:s1], $0xC000  }
0x6e: {  	[sflag:s1] =	ssyncset.done $0x0  }
0x6f: {  	[sflag:s1] =	ssyncadd.s32 $0xFFFF4000  }
0x70: {  	v3 =	vld [tilespmem:$0x80];
	_ =	sdelay $0x4  }
0x71: {  	v60 =	vshrl.u32 v3, $0x3  }
0x72: {  	v4 =	vmul.u32 $0x30, v60  }
0x73: {  	v3 =	vand.u32 $0x7, v3  }
0x74: {  	v3 =	vor.u32 v3, v4  }
0x75: {  	v4 =	vperm.xlane v3, v0;
	_ =	sdelay $0x1  }
0x76: {  	v4 =	vadd.s32 v1, v4;
	_ =	sdelay $0x3  }
0x77: {  	v3 =	vperm.xlane v3, v2  }
0x78: {  	[hbm4b:s3+s2] =	stream.indirect_vreg.scatter [tilespmem:s8], [sflag:$0x1], $0x80, v4, vm0, $0xb8;
	[tilespmem:$0xC100] =	vst v63  }
0x79: {  	v3 =	vadd.s32 v1, v3  }
0x7a: {  	[hbm4b:s4+s2] =	stream.indirect_vreg.scatter [tilespmem:s9], [sflag:$0x1], $0x80, v4, vm0, $0xb8;
	[tilespmem:$0xC100] =	vst v63  }
0x7b: {  	_ = 	snop  }
0x7c: {  	[hbm4b:s5+s2] =	stream.indirect_vreg.scatter [tilespmem:s10], [sflag:$0x1], $0x80, v4, vm0, $0xb8;
	[tilespmem:$0xC100] =	vst v63  }
0x7d: {  	_ = 	snop  }
0x7e: {  	[hbm4b:s3+s2] =	stream.indirect_vreg.scatter [tilespmem:s11], [sflag:$0x1], $0x80, v3, vm0, $0xb8;
	[tilespmem:$0xC100] =	vst v63  }
0x7f: {  	_ = 	snop  }
0x80: {  	[hbm4b:s4+s2] =	stream.indirect_vreg.scatter [tilespmem:s12], [sflag:$0x1], $0x80, v3, vm0, $0xb8;
	[tilespmem:$0xC100] =	vst v63  }
0x81: {  	_ = 	snop  }
0x82: {  	[hbm4b:s5+s2] =	stream.indirect_vreg.scatter [tilespmem:s13], [sflag:$0x1], $0x80, v3, vm0, $0xb8;
	[tilespmem:$0xC100] =	vst v63  }
0x83: {  	v3 =	vld [tilespmem:$0x90];
	_ =	sdelay $0x4  }
0x84: {  	v61 =	vshrl.u32 v3, $0x3  }
0x85: {  	v4 =	vmul.u32 $0x30, v61  }
0x86: {  	v3 =	vand.u32 $0x7, v3  }
0x87: {  	v3 =	vor.u32 v3, v4  }
0x88: {  	v4 =	vperm.xlane v3, v0;
	_ =	sdelay $0x1  }
0x89: {  	v4 =	vadd.s32 v1, v4;
	_ =	sdelay $0x3  }
0x8a: {  	v3 =	vperm.xlane v3, v2  }
0x8b: {  	[hbm4b:s3+s2] =	stream.indirect_vreg.scatter [tilespmem:s14], [sflag:$0x1], $0x80, v4, vm0, $0xb8;
	[tilespmem:$0xC100] =	vst v63  }
0x8c: {  	v3 =	vadd.s32 v1, v3  }
0x8d: {  	[hbm4b:s4+s2] =	stream.indirect_vreg.scatter [tilespmem:s15], [sflag:$0x1], $0x80, v4, vm0, $0xb8;
	[tilespmem:$0xC100] =	vst v63  }
0x8e: {  	_ = 	snop  }
0x8f: {  	[hbm4b:s5+s2] =	stream.indirect_vreg.scatter [tilespmem:s16], [sflag:$0x1], $0x80, v4, vm0, $0xb8;
	[tilespmem:$0xC100] =	vst v63  }
0x90: {  	_ = 	snop  }
0x91: {  	[hbm4b:s3+s2] =	stream.indirect_vreg.scatter [tilespmem:s17], [sflag:$0x1], $0x80, v3, vm0, $0xb8;
	[tilespmem:$0xC100] =	vst v63  }
0x92: {  	_ = 	snop  }
0x93: {  	[hbm4b:s4+s2] =	stream.indirect_vreg.scatter [tilespmem:s18], [sflag:$0x1], $0x80, v3, vm0, $0xb8;
	[tilespmem:$0xC100] =	vst v63  }
0x94: {  	_ = 	snop  }
0x95: {  	[hbm4b:s5+s2] =	stream.indirect_vreg.scatter [tilespmem:s19], [sflag:$0x1], $0x80, v3, vm0, $0xb8;
	[tilespmem:$0xC100] =	vst v63  }
0x96: {  	v3 =	vld [tilespmem:$0xA0];
	_ =	sdelay $0x4  }
0x97: {  	v62 =	vshrl.u32 v3, $0x3  }
0x98: {  	v4 =	vmul.u32 $0x30, v62  }
0x99: {  	v3 =	vand.u32 $0x7, v3  }
0x9a: {  	v3 =	vor.u32 v3, v4  }
0x9b: {  	v4 =	vperm.xlane v3, v0;
	_ =	sdelay $0x1  }
0x9c: {  	v4 =	vadd.s32 v1, v4;
	_ =	sdelay $0x3  }
0x9d: {  	v3 =	vperm.xlane v3, v2  }
0x9e: {  	[hbm4b:s3+s2] =	stream.indirect_vreg.scatter [tilespmem:s20], [sflag:$0x1], $0x80, v4, vm0, $0xb8;
	[tilespmem:$0xC100] =	vst v63  }
0x9f: {  	v3 =	vadd.s32 v1, v3  }
0xa0: {  	[hbm4b:s4+s2] =	stream.indirect_vreg.scatter [tilespmem:s21], [sflag:$0x1], $0x80, v4, vm0, $0xb8;
	[tilespmem:$0xC100] =	vst v63  }
0xa1: {  	_ = 	snop  }
0xa2: {  	[hbm4b:s5+s2] =	stream.indirect_vreg.scatter [tilespmem:s22], [sflag:$0x1], $0x80, v4, vm0, $0xb8;
	[tilespmem:$0xC100] =	vst v63  }
0xa3: {  	_ = 	snop  }
0xa4: {  	[hbm4b:s3+s2] =	stream.indirect_vreg.scatter [tilespmem:s23], [sflag:$0x1], $0x80, v3, vm0, $0xb8;
	[tilespmem:$0xC100] =	vst v63  }
0xa5: {  	_ = 	snop  }
0xa6: {  	[hbm4b:s4+s2] =	stream.indirect_vreg.scatter [tilespmem:s24], [sflag:$0x1], $0x80, v3, vm0, $0xb8;
	[tilespmem:$0xC100] =	vst v63  }
0xa7: {  	_ = 	snop  }
0xa8: {  	[hbm4b:s5+s2] =	stream.indirect_vreg.scatter [tilespmem:s25], [sflag:$0x1], $0x80, v3, vm0, $0xb8;
	[tilespmem:$0xC100] =	vst v63  }
0xa9: {  	v3 =	vld [tilespmem:$0xB0];
	_ =	sdelay $0x4  }
0xaa: {  	v63 =	vshrl.u32 v3, $0x3  }
0xab: {  	v4 =	vmul.u32 $0x30, v63  }
0xac: {  	v3 =	vand.u32 $0x7, v3  }
0xad: {  	v3 =	vor.u32 v3, v4  }
0xae: {  	v4 =	vperm.xlane v3, v0;
	_ =	sdelay $0x1  }
0xaf: {  	v4 =	vadd.s32 v1, v4;
	_ =	sdelay $0x3  }
0xb0: {  	v3 =	vperm.xlane v3, v2  }
0xb1: {  	[hbm4b:s3+s2] =	stream.indirect_vreg.scatter [tilespmem:s26], [sflag:$0x1], $0x80, v4, vm0, $0xb8;
	[tilespmem:$0xC100] =	vst v63  }
0xb2: {  	v3 =	vadd.s32 v1, v3  }
0xb3: {  	[hbm4b:s4+s2] =	stream.indirect_vreg.scatter [tilespmem:s28], [sflag:$0x1], $0x80, v4, vm0, $0xb8;
	[tilespmem:$0xC100] =	vst v63  }
0xb4: {  	_ = 	snop  }
0xb5: {  	[hbm4b:s5+s2] =	stream.indirect_vreg.scatter [tilespmem:s29], [sflag:$0x1], $0x80, v4, vm0, $0xb8;
	[tilespmem:$0xC100] =	vst v63  }
0xb6: {  	_ = 	snop  }
0xb7: {  	[hbm4b:s3+s2] =	stream.indirect_vreg.scatter [tilespmem:s30], [sflag:$0x1], $0x80, v3, vm0, $0xb8;
	[tilespmem:$0xC100] =	vst v63  }
0xb8: {  	p0 =	sne.s32 s6, $0x1  }
0xb9: {  	[hbm4b:s4+s2] =	stream.indirect_vreg.scatter [tilespmem:s31], [sflag:$0x1], $0x80, v3, vm0, $0xb8;
	[tilespmem:$0xC100] =	vst v63  }
.Ltmp0:
0xba: {  	_ = 	snop;
	(pc) =	sbr.rel @p0 .LBB2_1-.Ltmp0, $4  }
0xbb: {  	[hbm4b:s5+s2] =	stream.indirect_vreg.scatter [tilespmem:s0], [sflag:$0x1], $0x80, v3, vm0, $0xb8;
	[tilespmem:$0xC100] =	vst v63  }
0xbc: {  	_ =	swait.ge [sflag:s1], $0xC000  }
0xbd: {  	[sflag:s1] =	ssyncset.done $0x0  }
0xbe: {  	s6 =	sadd.s32 $0xFFFFFFFF, s6;
	[sflag:s1] =	ssyncadd.s32 $0xFFFF4000  }
0xbf: {  	_ =	sfence.sel $0x180000  }
0xc0: {  	[bflag:$0x0] =	sbarrier.arrive $0xFFFF  }
0xc1: {  	_ =	strace $0x90000047  }
0xc2: {  	s0 =	stileid.u32;
	[bflag:$0x2] =	sbarrier.arrive $0xFFFF  }
0xc3: {  	p0 =	sne.s32 s0, $0x0;
	s0 =	rddreg [dreg:$0x2]  }
0xc4: {  	s0 =	sadd.s32 @!p0 $0x100000, s0  }
0xc5: {  	[sflag:s0] =	ssyncadd.tile.s32 @!p0 $0x1;
	_ =	shalt  }
.Lfunc_end2:
_tile_overlayer_lowered:
.L_overlay_start_2:
0xc6: {  	(tag) =	ssettag $0x2  }
0xc7: {  	s0 =	rddreg [dreg:$0x0];
	s2 =	stileid.u32  }
0xc8: {  	s1 =	rddreg [dreg:$0x1];
	p0 =	sne.s32 s2, $0x0  }
0xc9: {  	s3 =	rddreg [dreg:$0x2];
	[bflag:$0x3] =	sbarrier.arrive $0xFFFF;
	s2 =	simm.s32 @!p0 $0x1C02  }
0xca: {  	[timem:s3], [sflag:s2] =	dma.local @!p0 [hbm:s0], s1  }
0xcb: {  	s0 =	simm.s32 @!p0 $0x2  }
0xcc: {  	_ =	swait.ge @!p0 [sflag:s0], s1  }
0xcd: {  	s1 =	ssub.s32 @!p0 $0x0, s1;
	[sflag:s0] =	ssyncset.done @!p0 $0x0  }
0xce: {  	[sflag:s0] =	ssyncadd.s32 @!p0 s1  }
0xcf: {  	[bflag:$0x3] =	sbarrier.arrive $0xFFFF  }
0xd0: {  	_ =	shalt  }

</sc_bundles>
